<compile_context>
chip_gen: v7x
topology: tpu7x:2x2x1
jax: 0.10.2.dev20260603
libtpu: 0.0.44.dev20260713+nightly
codegen_flags: <defaults>
</compile_context>

<pallas_src>
import functools

import jax
import jax.numpy as jnp
from jax import lax
from jax.experimental import pallas as pl
from jax.experimental.pallas import tpu as pltpu
from jax.experimental.pallas import tpu_sc as plsc

N = 10000
E = 320000
D = 128

NC = 2
NS = 16
NW = NC * NS

CH = 128
NCHUNK = E // CH
MAX_CHUNKS_PER_TILE = (NCHUNK + NW - 1) // NW
NP_ = 10240
ROWS_PER_TILE = NP_ // NS
ZR = 128

_MESH = plsc.VectorSubcoreMesh(core_axis_name="c", subcore_axis_name="s")


def _zero_fill(buf, nrows):
    z16 = jnp.zeros((16,), jnp.float32)

    def fill(r, _):
        for cb in range(D // 16):
            buf[r, pl.ds(cb * 16, 16)] = z16
        return 0
    lax.fori_loop(0, nrows, fill, 0)


def _agg_body(x_hbm, src_hbm, dst_hbm, part_hbm, agg_sh,
              s0, s1, s2, s3, d0, d1, d2, d3, rows0, rows1,
              gsem0, gsem1, isem0, isem1):
    cid = lax.axis_index("c")
    sid = lax.axis_index("s")
    wid = sid * NC + cid
    S = [s0, s1, s2, s3]
    Dx = [d0, d1, d2, d3]
    R = [rows0, rows1]
    G = [gsem0, gsem1]
    I = [isem0, isem1]

    _zero_fill(rows0, ZR)
    zbase = sid * ROWS_PER_TILE
    for k in range(ROWS_PER_TILE // ZR):
        pltpu.sync_copy(rows0, agg_sh.at[pl.ds(zbase + k * ZR, ZR)])
    plsc.subcore_barrier()

    def jc(i):
        return jnp.minimum(wid + i * NW, NCHUNK - 1)

    def idx_sync(i, q):
        b = jc(i) * CH
        pltpu.sync_copy(src_hbm.at[pl.ds(b, CH)], S[q])
        pltpu.sync_copy(dst_hbm.at[pl.ds(b, CH)], Dx[q])

    def idx_async(i, q, sem):
        b = jc(i) * CH
        pltpu.async_copy(src_hbm.at[pl.ds(b, CH)], S[q], sem)
        pltpu.async_copy(dst_hbm.at[pl.ds(b, CH)], Dx[q], sem)

    def idx_drain(q, sem):
        pltpu.make_async_copy(src_hbm.at[pl.ds(0, CH)], S[q], sem).wait()
        pltpu.make_async_copy(dst_hbm.at[pl.ds(0, CH)], Dx[q], sem).wait()

    def gather_start(q, b):
        pltpu.async_copy(x_hbm.at[S[q]], R[b], G[b])

    def gather_drain(q, b):
        pltpu.make_async_copy(x_hbm.at[S[q]], R[b], G[b]).wait()

    idx_sync(0, 0)
    gather_start(0, 0)
    idx_sync(1, 1)
    gather_start(1, 1)
    idx_async(2, 2, I[0])

    def quad(i4, _):
        i0 = i4 * 4
        for u in range(4):
            i = i0 + u
            b = u % 2
            qn = (u + 2) % 4
            idx_async(i + 3, (u + 3) % 4, I[(u + 3) % 2])
            gather_drain(u, b)

            @pl.when(wid + i * NW < NCHUNK)
            def _():
                pltpu.sync_copy(R[b], agg_sh.at[Dx[u]], add=True)

            idx_drain(qn, I[u % 2])
            gather_start(qn, b)
        return 0
    lax.fori_loop(0, MAX_CHUNKS_PER_TILE // 4 + 1, quad, 0)

    gather_drain(0, 0)
    gather_drain(1, 1)
    idx_drain(2, I[0])
    plsc.subcore_barrier()

    for k in range(ROWS_PER_TILE // ZR):
        r0 = zbase + k * ZR
        pltpu.sync_copy(agg_sh.at[pl.ds(r0, ZR)],
                        part_hbm.at[cid, pl.ds(r0, ZR)])


_sc_agg = pl.kernel(
    _agg_body,
    out_type=(jax.ShapeDtypeStruct((NC, NP_, D), jnp.float32),),
    mesh=_MESH,
    scratch_types=[
        pltpu.VMEM_SHARED((NP_, D), jnp.float32),
        pltpu.VMEM((CH,), jnp.int32),
        pltpu.VMEM((CH,), jnp.int32),
        pltpu.VMEM((CH,), jnp.int32),
        pltpu.VMEM((CH,), jnp.int32),
        pltpu.VMEM((CH,), jnp.int32),
        pltpu.VMEM((CH,), jnp.int32),
        pltpu.VMEM((CH,), jnp.int32),
        pltpu.VMEM((CH,), jnp.int32),
        pltpu.VMEM((CH, D), jnp.float32),
        pltpu.VMEM((CH, D), jnp.float32),
        pltpu.SemaphoreType.DMA,
        pltpu.SemaphoreType.DMA,
        pltpu.SemaphoreType.DMA,
        pltpu.SemaphoreType.DMA,
    ],
)


def _cnt_body(dst_hbm, cnt_hbm, cnt_sh, d0, d1, d2, d3, ones_v,
              isem0, isem1):
    cid = lax.axis_index("c")
    sid = lax.axis_index("s")
    wid = sid * NC + cid
    o16 = jnp.ones((16,), jnp.float32)
    Dx = [d0, d1, d2, d3]
    I = [isem0, isem1]

    _zero_fill(ones_v, ZR)
    zbase = sid * ROWS_PER_TILE
    for k in range(ROWS_PER_TILE // ZR):
        pltpu.sync_copy(ones_v, cnt_sh.at[pl.ds(zbase + k * ZR, ZR)])

    def fill_ones(r, _):
        for cb in range(D // 16):
            ones_v[r, pl.ds(cb * 16, 16)] = o16
        return 0
    lax.fori_loop(0, CH, fill_ones, 0)
    plsc.subcore_barrier()

    def jc(i):
        return jnp.minimum(wid + i * NW, NCHUNK - 1)

    def idx_async(i, q, sem):
        pltpu.async_copy(dst_hbm.at[pl.ds(jc(i) * CH, CH)], Dx[q], sem)

    def idx_drain(q, sem):
        pltpu.make_async_copy(dst_hbm.at[pl.ds(0, CH)], Dx[q], sem).wait()

    idx_async(0, 0, I[0])
    idx_async(1, 1, I[1])

    def quad(i4, _):
        i0 = i4 * 4
        for u in range(4):
            i = i0 + u
            idx_drain(u, I[u % 2])
            idx_async(i + 2, (u + 2) % 4, I[u % 2])

            @pl.when(wid + i * NW < NCHUNK)
            def _():
                pltpu.sync_copy(ones_v, cnt_sh.at[Dx[u]], add=True)
        return 0
    lax.fori_loop(0, MAX_CHUNKS_PER_TILE // 4 + 1, quad, 0)

    idx_drain(0, I[0])
    idx_drain(1, I[1])
    plsc.subcore_barrier()

    for k in range(ROWS_PER_TILE // ZR):
        r0 = zbase + k * ZR
        pltpu.sync_copy(cnt_sh.at[pl.ds(r0, ZR)],
                        cnt_hbm.at[cid, pl.ds(r0, ZR)])


_sc_cnt = pl.kernel(
    _cnt_body,
    out_type=(jax.ShapeDtypeStruct((NC, NP_, D), jnp.float32),),
    mesh=_MESH,
    scratch_types=[
        pltpu.VMEM_SHARED((NP_, D), jnp.float32),
        pltpu.VMEM((CH,), jnp.int32),
        pltpu.VMEM((CH,), jnp.int32),
        pltpu.VMEM((CH,), jnp.int32),
        pltpu.VMEM((CH,), jnp.int32),
        pltpu.VMEM((CH, D), jnp.float32),
        pltpu.SemaphoreType.DMA,
        pltpu.SemaphoreType.DMA,
    ],
)


def _tc_body(part_ref, cnt_ref, x_ref, wl_ref, wr_ref, b_ref, out_ref, *,
             relu):
    p = part_ref[0] + part_ref[1]
    c = cnt_ref[0] + cnt_ref[1]
    agg = p / jnp.maximum(c, 1.0)
    y = (jnp.dot(agg, wl_ref[...], preferred_element_type=jnp.float32)
         + jnp.dot(x_ref[...], wr_ref[...], preferred_element_type=jnp.float32)
         + b_ref[...])
    if relu:
        y = jnp.maximum(y, 0.0)
    out_ref[...] = y


def _tc_layer(part, cnt, x, wl_t, wr_t, b, relu):
    BR = 1000
    grid = (N // BR,)
    return pl.pallas_call(
        functools.partial(_tc_body, relu=relu),
        grid=grid,
        in_specs=[
            pl.BlockSpec((NC, BR, D), lambda i: (0, i, 0)),
            pl.BlockSpec((NC, BR, D), lambda i: (0, i, 0)),
            pl.BlockSpec((BR, D), lambda i: (i, 0)),
            pl.BlockSpec((D, D), lambda i: (0, 0)),
            pl.BlockSpec((D, D), lambda i: (0, 0)),
            pl.BlockSpec((1, D), lambda i: (0, 0)),
        ],
        out_specs=pl.BlockSpec((BR, D), lambda i: (i, 0)),
        out_shape=jax.ShapeDtypeStruct((N, D), jnp.float32),
    )(part, cnt, x, wl_t, wr_t, b)


def kernel(x, edge_index, W1_l, b1, W1_r, W2_l, b2, W2_r):
    src = edge_index[0]
    dst = edge_index[1]

    (cnt,) = _sc_cnt(dst)
    (part1,) = _sc_agg(x, src, dst)
    h = _tc_layer(part1, cnt, x, W1_l.T, W1_r.T, b1[None, :], relu=True)
    (part2,) = _sc_agg(h, src, dst)
    out = _tc_layer(part2, cnt, h, W2_l.T, W2_r.T, b2[None, :], relu=False)
    return out

# --- scband reference (transcript-rebuilt; emitter-appended) ---
"""Pipeline reference for scband-gnn-35459249996470 (READ-ONLY COPY).

The authoritative reference and input builder live on the scoring server;
editing this copy changes nothing except your own understanding.
"""

import jax, jax.numpy as jnp
import numpy as np

N = 10000
E = 320000
D_IN = 128
D_HID = 128
D_OUT = 128


def _lin_init(key, out_dim, in_dim):
    bound = 1.0 / np.sqrt(in_dim)
    return jax.random.uniform(key, (out_dim, in_dim), dtype=jnp.float32, minval=-bound, maxval=bound)


def setup_inputs(seed: int = 0) -> dict:
    key = jax.random.key(seed)
    ks = jax.random.split(key, 10)
    x = jax.random.normal(ks[0], (N, D_IN), dtype=jnp.float32)
    edge_index = jax.random.randint(ks[1], (2, E), 0, N, dtype=jnp.int32)
    W1_l = _lin_init(ks[2], D_HID, D_IN)
    b1 = jax.random.uniform(ks[3], (D_HID,), dtype=jnp.float32, minval=-1.0 / np.sqrt(D_IN), maxval=1.0 / np.sqrt(D_IN))
    W1_r = _lin_init(ks[4], D_HID, D_IN)
    W2_l = _lin_init(ks[5], D_OUT, D_HID)
    b2 = jax.random.uniform(ks[6], (D_OUT,), dtype=jnp.float32, minval=-1.0 / np.sqrt(D_HID), maxval=1.0 / np.sqrt(D_HID))
    W2_r = _lin_init(ks[7], D_OUT, D_HID)
    return {"x": x, "edge_index": edge_index, "W1_l": W1_l, "b1": b1, "W1_r": W1_r, "W2_l": W2_l, "b2": b2, "W2_r": W2_r}


def sage_conv(x, edge_index, W_l, b_l, W_r):
    # PyG SAGEConv: out = lin_l(mean_{j in N(i)} x_j) + lin_r(x_i)
    src = edge_index[0]
    dst = edge_index[1]
    msg = jnp.take(x, src, axis=0)                      # gather (SparseCore-friendly)
    agg = jax.ops.segment_sum(msg, dst, num_segments=x.shape[0])  # scatter-add
    cnt = jax.ops.segment_sum(jnp.ones((edge_index.shape[1],), x.dtype), dst, num_segments=x.shape[0])
    agg = agg / jnp.maximum(cnt, 1.0)[:, None]          # mean aggregation
    return agg @ W_l.T + b_l + x @ W_r.T


def reference(x, edge_index, W1_l, b1, W1_r, W2_l, b2, W2_r):
    h = sage_conv(x, edge_index, W1_l, b1, W1_r)
    h = jax.nn.relu(h)
    out = sage_conv(h, edge_index, W2_l, b2, W2_r)
    return out

if __name__ == "__main__":
    import jax
    _d = setup_inputs()
    print(jax.jit(kernel)(*tuple(_d.values())))

</pallas_src>

<mosaic_0001>
#map = affine_map<(d0, d1) -> (0, 0)>
#map1 = affine_map<(d0, d1) -> (0)>
#map2 = affine_map<(d0, d1) -> (0, 0, 0)>
module attributes {stable_mosaic.version = 14 : i64} {
  func.func @_agg_body(%arg0: i32, %arg1: i32, %arg2: memref<10000x128xf32, #tpu.memory_space<hbm>>, %arg3: memref<320000xi32, #tpu.memory_space<hbm>>, %arg4: memref<320000xi32, #tpu.memory_space<hbm>>, %arg5: memref<2x10240x128xf32, #tpu.memory_space<hbm>>, %arg6: memref<10240x128xf32, #tpu.memory_space<vmem_shared>>, %arg7: memref<128xi32, #tpu.memory_space<vmem>>, %arg8: memref<128xi32, #tpu.memory_space<vmem>>, %arg9: memref<128xi32, #tpu.memory_space<vmem>>, %arg10: memref<128xi32, #tpu.memory_space<vmem>>, %arg11: memref<128xi32, #tpu.memory_space<vmem>>, %arg12: memref<128xi32, #tpu.memory_space<vmem>>, %arg13: memref<128xi32, #tpu.memory_space<vmem>>, %arg14: memref<128xi32, #tpu.memory_space<vmem>>, %arg15: memref<128x128xf32, #tpu.memory_space<vmem>>, %arg16: memref<128x128xf32, #tpu.memory_space<vmem>>, %arg17: memref<!tpu.dma_semaphore, #tpu.memory_space<semaphore_mem>>, %arg18: memref<!tpu.dma_semaphore, #tpu.memory_space<semaphore_mem>>, %arg19: memref<!tpu.dma_semaphore, #tpu.memory_space<semaphore_mem>>, %arg20: memref<!tpu.dma_semaphore, #tpu.memory_space<semaphore_mem>>) attributes {dimension_semantics = [#tpu.dimension_semantics<core_parallel>, #tpu.dimension_semantics<subcore_parallel>], iteration_bounds = array<i64: 2, 16>, scalar_prefetch = 0 : i64, scratch_operands = 15 : i64, tpu.core_type = #tpu.core_type<sc_vector_subcore>, window_params = [{transform_indices = #map}, {transform_indices = #map1}, {transform_indices = #map1}, {transform_indices = #map2}]} {
    %mul3A = arith.constant 2 : i32
    %mul3A_0 = arith.muli %arg1, %mul3A : i32
    %add3A = arith.addi %mul3A_0, %arg0 : i32
    %broadcast_in_dim3A = arith.constant 0.000000e+00 : f32
    %broadcast_in_dim3A_1 = vector.broadcast %broadcast_in_dim3A : f32 to vector<16xf32>
    %scan3A = arith.constant 0 : i32
    %scan3A_2 = arith.constant 0 : i32
    %scan3A_3 = arith.constant 128 : i32
    %scan3A_4 = arith.addi %scan3A_2, %scan3A_3 : i32
    %scan3A_5 = arith.constant 1 : i32
    %scan3A_6 = scf.for %scan3A_77 = %scan3A_2 to %scan3A_4 step %scan3A_5 iter_args(%scan3A_78 = %scan3A) -> (i32)  : i32 {
      %swap3A = arith.index_cast %scan3A_77 : i32 to index
      %swap3A_79 = arith.constant 0 : index
      %swap3A_80 = tpu.vector_load %arg15[%swap3A, %swap3A_79] {strides = array<i32>} : memref<128x128xf32, #tpu.memory_space<vmem>>, vector<1x16xf32>,
      %swap3A_81 = vector.shape_cast %swap3A_80 : vector<1x16xf32> to vector<16xf32>
      %swap3A_82 = vector.shape_cast %broadcast_in_dim3A_1 : vector<16xf32> to vector<1x16xf32>
      tpu.vector_store %arg15[%swap3A, %swap3A_79], %swap3A_82 {strides = array<i32>} : memref<128x128xf32, #tpu.memory_space<vmem>>, vector<1x16xf32>,
      %swap3A_83 = arith.index_cast %scan3A_77 : i32 to index
      %swap3A_84 = arith.constant 16 : index
      %swap3A_85 = tpu.vector_load %arg15[%swap3A_83, %swap3A_84] {strides = array<i32>} : memref<128x128xf32, #tpu.memory_space<vmem>>, vector<1x16xf32>,
      %swap3A_86 = vector.shape_cast %swap3A_85 : vector<1x16xf32> to vector<16xf32>
      %swap3A_87 = vector.shape_cast %broadcast_in_dim3A_1 : vector<16xf32> to vector<1x16xf32>
      tpu.vector_store %arg15[%swap3A_83, %swap3A_84], %swap3A_87 {strides = array<i32>} : memref<128x128xf32, #tpu.memory_space<vmem>>, vector<1x16xf32>,
      %swap3A_88 = arith.index_cast %scan3A_77 : i32 to index
      %swap3A_89 = arith.constant 32 : index
      %swap3A_90 = tpu.vector_load %arg15[%swap3A_88, %swap3A_89] {strides = array<i32>} : memref<128x128xf32, #tpu.memory_space<vmem>>, vector<1x16xf32>,
      %swap3A_91 = vector.shape_cast %swap3A_90 : vector<1x16xf32> to vector<16xf32>
      %swap3A_92 = vector.shape_cast %broadcast_in_dim3A_1 : vector<16xf32> to vector<1x16xf32>
      tpu.vector_store %arg15[%swap3A_88, %swap3A_89], %swap3A_92 {strides = array<i32>} : memref<128x128xf32, #tpu.memory_space<vmem>>, vector<1x16xf32>,
      %swap3A_93 = arith.index_cast %scan3A_77 : i32 to index
      %swap3A_94 = arith.constant 48 : index
      %swap3A_95 = tpu.vector_load %arg15[%swap3A_93, %swap3A_94] {strides = array<i32>} : memref<128x128xf32, #tpu.memory_space<vmem>>, vector<1x16xf32>,
      %swap3A_96 = vector.shape_cast %swap3A_95 : vector<1x16xf32> to vector<16xf32>
      %swap3A_97 = vector.shape_cast %broadcast_in_dim3A_1 : vector<16xf32> to vector<1x16xf32>
      tpu.vector_store %arg15[%swap3A_93, %swap3A_94], %swap3A_97 {strides = array<i32>} : memref<128x128xf32, #tpu.memory_space<vmem>>, vector<1x16xf32>,
      %swap3A_98 = arith.index_cast %scan3A_77 : i32 to index
      %swap3A_99 = arith.constant 64 : index
      %swap3A_100 = tpu.vector_load %arg15[%swap3A_98, %swap3A_99] {strides = array<i32>} : memref<128x128xf32, #tpu.memory_space<vmem>>, vector<1x16xf32>,
      %swap3A_101 = vector.shape_cast %swap3A_100 : vector<1x16xf32> to vector<16xf32>
      %swap3A_102 = vector.shape_cast %broadcast_in_dim3A_1 : vector<16xf32> to vector<1x16xf32>
      tpu.vector_store %arg15[%swap3A_98, %swap3A_99], %swap3A_102 {strides = array<i32>} : memref<128x128xf32, #tpu.memory_space<vmem>>, vector<1x16xf32>,
      %swap3A_103 = arith.index_cast %scan3A_77 : i32 to index
      %swap3A_104 = arith.constant 80 : index
      %swap3A_105 = tpu.vector_load %arg15[%swap3A_103, %swap3A_104] {strides = array<i32>} : memref<128x128xf32, #tpu.memory_space<vmem>>, vector<1x16xf32>,
      %swap3A_106 = vector.shape_cast %swap3A_105 : vector<1x16xf32> to vector<16xf32>
      %swap3A_107 = vector.shape_cast %broadcast_in_dim3A_1 : vector<16xf32> to vector<1x16xf32>
      tpu.vector_store %arg15[%swap3A_103, %swap3A_104], %swap3A_107 {strides = array<i32>} : memref<128x128xf32, #tpu.memory_space<vmem>>, vector<1x16xf32>,
      %swap3A_108 = arith.index_cast %scan3A_77 : i32 to index
      %swap3A_109 = arith.constant 96 : index
      %swap3A_110 = tpu.vector_load %arg15[%swap3A_108, %swap3A_109] {strides = array<i32>} : memref<128x128xf32, #tpu.memory_space<vmem>>, vector<1x16xf32>,
      %swap3A_111 = vector.shape_cast %swap3A_110 : vector<1x16xf32> to vector<16xf32>
      %swap3A_112 = vector.shape_cast %broadcast_in_dim3A_1 : vector<16xf32> to vector<1x16xf32>
      tpu.vector_store %arg15[%swap3A_108, %swap3A_109], %swap3A_112 {strides = array<i32>} : memref<128x128xf32, #tpu.memory_space<vmem>>, vector<1x16xf32>,
      %swap3A_113 = arith.index_cast %scan3A_77 : i32 to index
      %swap3A_114 = arith.constant 112 : index
      %swap3A_115 = tpu.vector_load %arg15[%swap3A_113, %swap3A_114] {strides = array<i32>} : memref<128x128xf32, #tpu.memory_space<vmem>>, vector<1x16xf32>,
      %swap3A_116 = vector.shape_cast %swap3A_115 : vector<1x16xf32> to vector<16xf32>
      %swap3A_117 = vector.shape_cast %broadcast_in_dim3A_1 : vector<16xf32> to vector<1x16xf32>
      tpu.vector_store %arg15[%swap3A_113, %swap3A_114], %swap3A_117 {strides = array<i32>} : memref<128x128xf32, #tpu.memory_space<vmem>>, vector<1x16xf32>,
      %scan3A_118 = arith.constant 0 : i32
      scf.yield %scan3A_118 : i32
    }
    %scan3A_7 = arith.constant 128 : i32
    %mul3A_8 = arith.constant 640 : i32
    %mul3A_9 = arith.muli %arg1, %mul3A_8 : i32
    %add3A_10 = arith.constant 0 : i32
    %add3A_11 = arith.addi %mul3A_9, %add3A_10 : i32
    "tpu.region"() ({
      %run_scoped3A = tpu.sem_alloc : memref<!tpu.dma_semaphore, #tpu.memory_space<semaphore_mem>>
      %dma_start3A_77 = arith.constant 0 : i32
      %dma_start3A_78 = tpu.memref_slice %arg6[%add3A_11, %dma_start3A_77] : memref<10240x128xf32, #tpu.memory_space<vmem_shared>> -> memref<128x128xf32, #tpu.memory_space<vmem_shared>>
      %dma_start3A_79 = arith.constant 0 : i32
      %dma_start3A_80 = tpu.memref_slice %arg6[%add3A_11, %dma_start3A_79] : memref<10240x128xf32, #tpu.memory_space<vmem_shared>> -> memref<128x128xf32, #tpu.memory_space<vmem_shared>>
      tpu.enqueue_dma source(%arg15 : memref<128x128xf32, #tpu.memory_space<vmem>>) target(%dma_start3A_80 : memref<128x128xf32, #tpu.memory_space<vmem_shared>>) target_semaphore(%run_scoped3A : memref<!tpu.dma_semaphore, #tpu.memory_space<semaphore_mem>>)
      %dma_wait3A_81 = arith.constant 0 : i32
      %dma_wait3A_82 = tpu.memref_slice %arg6[%add3A_11, %dma_wait3A_81] : memref<10240x128xf32, #tpu.memory_space<vmem_shared>> -> memref<128x128xf32, #tpu.memory_space<vmem_shared>>
      %dma_wait3A_83 = arith.constant 0 : i32
      %dma_wait3A_84 = tpu.memref_slice %arg6[%add3A_11, %dma_wait3A_83] : memref<10240x128xf32, #tpu.memory_space<vmem_shared>> -> memref<128x128xf32, #tpu.memory_space<vmem_shared>>
      tpu.wait_dma2 semaphore(%run_scoped3A : memref<!tpu.dma_semaphore, #tpu.memory_space<semaphore_mem>>) src(%arg15 : memref<128x128xf32, #tpu.memory_space<vmem>>) dst(%dma_wait3A_84 : memref<128x128xf32, #tpu.memory_space<vmem_shared>>)
      tpu.yield
    }) : () -> ()
    %add3A_12 = arith.constant 128 : i32
    %add3A_13 = arith.addi %mul3A_9, %add3A_12 : i32
    "tpu.region"() ({
      %run_scoped3A = tpu.sem_alloc : memref<!tpu.dma_semaphore, #tpu.memory_space<semaphore_mem>>
      %dma_start3A_77 = arith.constant 0 : i32
      %dma_start3A_78 = tpu.memref_slice %arg6[%add3A_13, %dma_start3A_77] : memref<10240x128xf32, #tpu.memory_space<vmem_shared>> -> memref<128x128xf32, #tpu.memory_space<vmem_shared>>
      %dma_start3A_79 = arith.constant 0 : i32
      %dma_start3A_80 = tpu.memref_slice %arg6[%add3A_13, %dma_start3A_79] : memref<10240x128xf32, #tpu.memory_space<vmem_shared>> -> memref<128x128xf32, #tpu.memory_space<vmem_shared>>
      tpu.enqueue_dma source(%arg15 : memref<128x128xf32, #tpu.memory_space<vmem>>) target(%dma_start3A_80 : memref<128x128xf32, #tpu.memory_space<vmem_shared>>) target_semaphore(%run_scoped3A : memref<!tpu.dma_semaphore, #tpu.memory_space<semaphore_mem>>)
      %dma_wait3A_81 = arith.constant 0 : i32
      %dma_wait3A_82 = tpu.memref_slice %arg6[%add3A_13, %dma_wait3A_81] : memref<10240x128xf32, #tpu.memory_space<vmem_shared>> -> memref<128x128xf32, #tpu.memory_space<vmem_shared>>
      %dma_wait3A_83 = arith.constant 0 : i32
      %dma_wait3A_84 = tpu.memref_slice %arg6[%add3A_13, %dma_wait3A_83] : memref<10240x128xf32, #tpu.memory_space<vmem_shared>> -> memref<128x128xf32, #tpu.memory_space<vmem_shared>>
      tpu.wait_dma2 semaphore(%run_scoped3A : memref<!tpu.dma_semaphore, #tpu.memory_space<semaphore_mem>>) src(%arg15 : memref<128x128xf32, #tpu.memory_space<vmem>>) dst(%dma_wait3A_84 : memref<128x128xf32, #tpu.memory_space<vmem_shared>>)
      tpu.yield
    }) : () -> ()
    %add3A_14 = arith.constant 256 : i32
    %add3A_15 = arith.addi %mul3A_9, %add3A_14 : i32
    "tpu.region"() ({
      %run_scoped3A = tpu.sem_alloc : memref<!tpu.dma_semaphore, #tpu.memory_space<semaphore_mem>>
      %dma_start3A_77 = arith.constant 0 : i32
      %dma_start3A_78 = tpu.memref_slice %arg6[%add3A_15, %dma_start3A_77] : memref<10240x128xf32, #tpu.memory_space<vmem_shared>> -> memref<128x128xf32, #tpu.memory_space<vmem_shared>>
      %dma_start3A_79 = arith.constant 0 : i32
      %dma_start3A_80 = tpu.memref_slice %arg6[%add3A_15, %dma_start3A_79] : memref<10240x128xf32, #tpu.memory_space<vmem_shared>> -> memref<128x128xf32, #tpu.memory_space<vmem_shared>>
      tpu.enqueue_dma source(%arg15 : memref<128x128xf32, #tpu.memory_space<vmem>>) target(%dma_start3A_80 : memref<128x128xf32, #tpu.memory_space<vmem_shared>>) target_semaphore(%run_scoped3A : memref<!tpu.dma_semaphore, #tpu.memory_space<semaphore_mem>>)
      %dma_wait3A_81 = arith.constant 0 : i32
      %dma_wait3A_82 = tpu.memref_slice %arg6[%add3A_15, %dma_wait3A_81] : memref<10240x128xf32, #tpu.memory_space<vmem_shared>> -> memref<128x128xf32, #tpu.memory_space<vmem_shared>>
      %dma_wait3A_83 = arith.constant 0 : i32
      %dma_wait3A_84 = tpu.memref_slice %arg6[%add3A_15, %dma_wait3A_83] : memref<10240x128xf32, #tpu.memory_space<vmem_shared>> -> memref<128x128xf32, #tpu.memory_space<vmem_shared>>
      tpu.wait_dma2 semaphore(%run_scoped3A : memref<!tpu.dma_semaphore, #tpu.memory_space<semaphore_mem>>) src(%arg15 : memref<128x128xf32, #tpu.memory_space<vmem>>) dst(%dma_wait3A_84 : memref<128x128xf32, #tpu.memory_space<vmem_shared>>)
      tpu.yield
    }) : () -> ()
    %add3A_16 = arith.constant 384 : i32
    %add3A_17 = arith.addi %mul3A_9, %add3A_16 : i32
    "tpu.region"() ({
      %run_scoped3A = tpu.sem_alloc : memref<!tpu.dma_semaphore, #tpu.memory_space<semaphore_mem>>
      %dma_start3A_77 = arith.constant 0 : i32
      %dma_start3A_78 = tpu.memref_slice %arg6[%add3A_17, %dma_start3A_77] : memref<10240x128xf32, #tpu.memory_space<vmem_shared>> -> memref<128x128xf32, #tpu.memory_space<vmem_shared>>
      %dma_start3A_79 = arith.constant 0 : i32
      %dma_start3A_80 = tpu.memref_slice %arg6[%add3A_17, %dma_start3A_79] : memref<10240x128xf32, #tpu.memory_space<vmem_shared>> -> memref<128x128xf32, #tpu.memory_space<vmem_shared>>
      tpu.enqueue_dma source(%arg15 : memref<128x128xf32, #tpu.memory_space<vmem>>) target(%dma_start3A_80 : memref<128x128xf32, #tpu.memory_space<vmem_shared>>) target_semaphore(%run_scoped3A : memref<!tpu.dma_semaphore, #tpu.memory_space<semaphore_mem>>)
      %dma_wait3A_81 = arith.constant 0 : i32
      %dma_wait3A_82 = tpu.memref_slice %arg6[%add3A_17, %dma_wait3A_81] : memref<10240x128xf32, #tpu.memory_space<vmem_shared>> -> memref<128x128xf32, #tpu.memory_space<vmem_shared>>
      %dma_wait3A_83 = arith.constant 0 : i32
      %dma_wait3A_84 = tpu.memref_slice %arg6[%add3A_17, %dma_wait3A_83] : memref<10240x128xf32, #tpu.memory_space<vmem_shared>> -> memref<128x128xf32, #tpu.memory_space<vmem_shared>>
      tpu.wait_dma2 semaphore(%run_scoped3A : memref<!tpu.dma_semaphore, #tpu.memory_space<semaphore_mem>>) src(%arg15 : memref<128x128xf32, #tpu.memory_space<vmem>>) dst(%dma_wait3A_84 : memref<128x128xf32, #tpu.memory_space<vmem_shared>>)
      tpu.yield
    }) : () -> ()
    %add3A_18 = arith.constant 512 : i32
    %add3A_19 = arith.addi %mul3A_9, %add3A_18 : i32
    "tpu.region"() ({
      %run_scoped3A = tpu.sem_alloc : memref<!tpu.dma_semaphore, #tpu.memory_space<semaphore_mem>>
      %dma_start3A_77 = arith.constant 0 : i32
      %dma_start3A_78 = tpu.memref_slice %arg6[%add3A_19, %dma_start3A_77] : memref<10240x128xf32, #tpu.memory_space<vmem_shared>> -> memref<128x128xf32, #tpu.memory_space<vmem_shared>>
      %dma_start3A_79 = arith.constant 0 : i32
      %dma_start3A_80 = tpu.memref_slice %arg6[%add3A_19, %dma_start3A_79] : memref<10240x128xf32, #tpu.memory_space<vmem_shared>> -> memref<128x128xf32, #tpu.memory_space<vmem_shared>>
      tpu.enqueue_dma source(%arg15 : memref<128x128xf32, #tpu.memory_space<vmem>>) target(%dma_start3A_80 : memref<128x128xf32, #tpu.memory_space<vmem_shared>>) target_semaphore(%run_scoped3A : memref<!tpu.dma_semaphore, #tpu.memory_space<semaphore_mem>>)
      %dma_wait3A_81 = arith.constant 0 : i32
      %dma_wait3A_82 = tpu.memref_slice %arg6[%add3A_19, %dma_wait3A_81] : memref<10240x128xf32, #tpu.memory_space<vmem_shared>> -> memref<128x128xf32, #tpu.memory_space<vmem_shared>>
      %dma_wait3A_83 = arith.constant 0 : i32
      %dma_wait3A_84 = tpu.memref_slice %arg6[%add3A_19, %dma_wait3A_83] : memref<10240x128xf32, #tpu.memory_space<vmem_shared>> -> memref<128x128xf32, #tpu.memory_space<vmem_shared>>
      tpu.wait_dma2 semaphore(%run_scoped3A : memref<!tpu.dma_semaphore, #tpu.memory_space<semaphore_mem>>) src(%arg15 : memref<128x128xf32, #tpu.memory_space<vmem>>) dst(%dma_wait3A_84 : memref<128x128xf32, #tpu.memory_space<vmem_shared>>)
      tpu.yield
    }) : () -> ()
    %barrier3A = arith.constant 0 : index
    tpu.barrier barrier_id(%barrier3A)
    %add3A_20 = arith.constant 0 : i32
    %add3A_21 = arith.addi %add3A, %add3A_20 : i32
    %min3A = arith.constant 2499 : i32
    %min3A_22 = arith.minsi %add3A_21, %min3A : i32
    %mul3A_23 = arith.constant 128 : i32
    %mul3A_24 = arith.muli %min3A_22, %mul3A_23 : i32
    "tpu.region"() ({
      %run_scoped3A = tpu.sem_alloc : memref<!tpu.dma_semaphore, #tpu.memory_space<semaphore_mem>>
      %dma_start3A_77 = tpu.memref_slice %arg3[%mul3A_24] : memref<320000xi32, #tpu.memory_space<hbm>> -> memref<128xi32, #tpu.memory_space<hbm>>
      %dma_start3A_78 = tpu.memref_slice %arg3[%mul3A_24] : memref<320000xi32, #tpu.memory_space<hbm>> -> memref<128xi32, #tpu.memory_space<hbm>>
      tpu.enqueue_dma source(%dma_start3A_78 : memref<128xi32, #tpu.memory_space<hbm>>) target(%arg7 : memref<128xi32, #tpu.memory_space<vmem>>) target_semaphore(%run_scoped3A : memref<!tpu.dma_semaphore, #tpu.memory_space<semaphore_mem>>)
      %dma_wait3A_79 = tpu.memref_slice %arg3[%mul3A_24] : memref<320000xi32, #tpu.memory_space<hbm>> -> memref<128xi32, #tpu.memory_space<hbm>>
      %dma_wait3A_80 = tpu.memref_slice %arg3[%mul3A_24] : memref<320000xi32, #tpu.memory_space<hbm>> -> memref<128xi32, #tpu.memory_space<hbm>>
      tpu.wait_dma2 semaphore(%run_scoped3A : memref<!tpu.dma_semaphore, #tpu.memory_space<semaphore_mem>>) src(%dma_wait3A_80 : memref<128xi32, #tpu.memory_space<hbm>>) dst(%arg7 : memref<128xi32, #tpu.memory_space<vmem>>)
      tpu.yield
    }) : () -> ()
    "tpu.region"() ({
      %run_scoped3A = tpu.sem_alloc : memref<!tpu.dma_semaphore, #tpu.memory_space<semaphore_mem>>
      %dma_start3A_77 = tpu.memref_slice %arg4[%mul3A_24] : memref<320000xi32, #tpu.memory_space<hbm>> -> memref<128xi32, #tpu.memory_space<hbm>>
      %dma_start3A_78 = tpu.memref_slice %arg4[%mul3A_24] : memref<320000xi32, #tpu.memory_space<hbm>> -> memref<128xi32, #tpu.memory_space<hbm>>
      tpu.enqueue_dma source(%dma_start3A_78 : memref<128xi32, #tpu.memory_space<hbm>>) target(%arg11 : memref<128xi32, #tpu.memory_space<vmem>>) target_semaphore(%run_scoped3A : memref<!tpu.dma_semaphore, #tpu.memory_space<semaphore_mem>>)
      %dma_wait3A_79 = tpu.memref_slice %arg4[%mul3A_24] : memref<320000xi32, #tpu.memory_space<hbm>> -> memref<128xi32, #tpu.memory_space<hbm>>
      %dma_wait3A_80 = tpu.memref_slice %arg4[%mul3A_24] : memref<320000xi32, #tpu.memory_space<hbm>> -> memref<128xi32, #tpu.memory_space<hbm>>
      tpu.wait_dma2 semaphore(%run_scoped3A : memref<!tpu.dma_semaphore, #tpu.memory_space<semaphore_mem>>) src(%dma_wait3A_80 : memref<128xi32, #tpu.memory_space<hbm>>) dst(%arg11 : memref<128xi32, #tpu.memory_space<vmem>>)
      tpu.yield
    }) : () -> ()
    %dma_start3A = arith.constant 0 : i32
    %dma_start3A_25 = arith.constant 0 : i32
    %dma_start3A_26 = tpu.memref_slice %arg2[%dma_start3A, %dma_start3A_25] : memref<10000x128xf32, #tpu.memory_space<hbm>> -> memref<10000x128xf32, #tpu.memory_space<hbm>>
    tpu.enqueue_indirect_dma source(%dma_start3A_26 : memref<10000x128xf32, #tpu.memory_space<hbm>>) target(%arg15 : memref<128x128xf32, #tpu.memory_space<vmem>>) offsets(%arg7 : memref<128xi32, #tpu.memory_space<vmem>>) semaphore(%arg17 : memref<!tpu.dma_semaphore, #tpu.memory_space<semaphore_mem>>)
    %add3A_27 = arith.constant 32 : i32
    %add3A_28 = arith.addi %add3A, %add3A_27 : i32
    %min3A_29 = arith.constant 2499 : i32
    %min3A_30 = arith.minsi %add3A_28, %min3A_29 : i32
    %mul3A_31 = arith.constant 128 : i32
    %mul3A_32 = arith.muli %min3A_30, %mul3A_31 : i32
    "tpu.region"() ({
      %run_scoped3A = tpu.sem_alloc : memref<!tpu.dma_semaphore, #tpu.memory_space<semaphore_mem>>
      %dma_start3A_77 = tpu.memref_slice %arg3[%mul3A_32] : memref<320000xi32, #tpu.memory_space<hbm>> -> memref<128xi32, #tpu.memory_space<hbm>>
      %dma_start3A_78 = tpu.memref_slice %arg3[%mul3A_32] : memref<320000xi32, #tpu.memory_space<hbm>> -> memref<128xi32, #tpu.memory_space<hbm>>
      tpu.enqueue_dma source(%dma_start3A_78 : memref<128xi32, #tpu.memory_space<hbm>>) target(%arg8 : memref<128xi32, #tpu.memory_space<vmem>>) target_semaphore(%run_scoped3A : memref<!tpu.dma_semaphore, #tpu.memory_space<semaphore_mem>>)
      %dma_wait3A_79 = tpu.memref_slice %arg3[%mul3A_32] : memref<320000xi32, #tpu.memory_space<hbm>> -> memref<128xi32, #tpu.memory_space<hbm>>
      %dma_wait3A_80 = tpu.memref_slice %arg3[%mul3A_32] : memref<320000xi32, #tpu.memory_space<hbm>> -> memref<128xi32, #tpu.memory_space<hbm>>
      tpu.wait_dma2 semaphore(%run_scoped3A : memref<!tpu.dma_semaphore, #tpu.memory_space<semaphore_mem>>) src(%dma_wait3A_80 : memref<128xi32, #tpu.memory_space<hbm>>) dst(%arg8 : memref<128xi32, #tpu.memory_space<vmem>>)
      tpu.yield
    }) : () -> ()
    "tpu.region"() ({
      %run_scoped3A = tpu.sem_alloc : memref<!tpu.dma_semaphore, #tpu.memory_space<semaphore_mem>>
      %dma_start3A_77 = tpu.memref_slice %arg4[%mul3A_32] : memref<320000xi32, #tpu.memory_space<hbm>> -> memref<128xi32, #tpu.memory_space<hbm>>
      %dma_start3A_78 = tpu.memref_slice %arg4[%mul3A_32] : memref<320000xi32, #tpu.memory_space<hbm>> -> memref<128xi32, #tpu.memory_space<hbm>>
      tpu.enqueue_dma source(%dma_start3A_78 : memref<128xi32, #tpu.memory_space<hbm>>) target(%arg12 : memref<128xi32, #tpu.memory_space<vmem>>) target_semaphore(%run_scoped3A : memref<!tpu.dma_semaphore, #tpu.memory_space<semaphore_mem>>)
      %dma_wait3A_79 = tpu.memref_slice %arg4[%mul3A_32] : memref<320000xi32, #tpu.memory_space<hbm>> -> memref<128xi32, #tpu.memory_space<hbm>>
      %dma_wait3A_80 = tpu.memref_slice %arg4[%mul3A_32] : memref<320000xi32, #tpu.memory_space<hbm>> -> memref<128xi32, #tpu.memory_space<hbm>>
      tpu.wait_dma2 semaphore(%run_scoped3A : memref<!tpu.dma_semaphore, #tpu.memory_space<semaphore_mem>>) src(%dma_wait3A_80 : memref<128xi32, #tpu.memory_space<hbm>>) dst(%arg12 : memref<128xi32, #tpu.memory_space<vmem>>)
      tpu.yield
    }) : () -> ()
    %dma_start3A_33 = arith.constant 0 : i32
    %dma_start3A_34 = arith.constant 0 : i32
    %dma_start3A_35 = tpu.memref_slice %arg2[%dma_start3A_33, %dma_start3A_34] : memref<10000x128xf32, #tpu.memory_space<hbm>> -> memref<10000x128xf32, #tpu.memory_space<hbm>>
    tpu.enqueue_indirect_dma source(%dma_start3A_35 : memref<10000x128xf32, #tpu.memory_space<hbm>>) target(%arg16 : memref<128x128xf32, #tpu.memory_space<vmem>>) offsets(%arg8 : memref<128xi32, #tpu.memory_space<vmem>>) semaphore(%arg18 : memref<!tpu.dma_semaphore, #tpu.memory_space<semaphore_mem>>)
    %add3A_36 = arith.constant 64 : i32
    %add3A_37 = arith.addi %add3A, %add3A_36 : i32
    %min3A_38 = arith.constant 2499 : i32
    %min3A_39 = arith.minsi %add3A_37, %min3A_38 : i32
    %mul3A_40 = arith.constant 128 : i32
    %mul3A_41 = arith.muli %min3A_39, %mul3A_40 : i32
    %dma_start3A_42 = tpu.memref_slice %arg3[%mul3A_41] : memref<320000xi32, #tpu.memory_space<hbm>> -> memref<128xi32, #tpu.memory_space<hbm>>
    %dma_start3A_43 = tpu.memref_slice %arg3[%mul3A_41] : memref<320000xi32, #tpu.memory_space<hbm>> -> memref<128xi32, #tpu.memory_space<hbm>>
    tpu.enqueue_dma source(%dma_start3A_43 : memref<128xi32, #tpu.memory_space<hbm>>) target(%arg9 : memref<128xi32, #tpu.memory_space<vmem>>) target_semaphore(%arg19 : memref<!tpu.dma_semaphore, #tpu.memory_space<semaphore_mem>>)
    %dma_start3A_44 = tpu.memref_slice %arg4[%mul3A_41] : memref<320000xi32, #tpu.memory_space<hbm>> -> memref<128xi32, #tpu.memory_space<hbm>>
    %dma_start3A_45 = tpu.memref_slice %arg4[%mul3A_41] : memref<320000xi32, #tpu.memory_space<hbm>> -> memref<128xi32, #tpu.memory_space<hbm>>
    tpu.enqueue_dma source(%dma_start3A_45 : memref<128xi32, #tpu.memory_space<hbm>>) target(%arg13 : memref<128xi32, #tpu.memory_space<vmem>>) target_semaphore(%arg19 : memref<!tpu.dma_semaphore, #tpu.memory_space<semaphore_mem>>)
    %scan3A_46 = arith.constant 0 : i32
    %scan3A_47 = arith.constant 0 : i32
    %scan3A_48 = arith.constant 20 : i32
    %scan3A_49 = arith.addi %scan3A_47, %scan3A_48 : i32
    %scan3A_50 = arith.constant 1 : i32
    %scan3A_51 = scf.for %scan3A_77 = %scan3A_47 to %scan3A_49 step %scan3A_50 iter_args(%scan3A_78 = %scan3A_46) -> (i32)  : i32 {
      %mul3A_79 = arith.constant 4 : i32
      %mul3A_80 = arith.muli %scan3A_77, %mul3A_79 : i32
      %add3A_81 = arith.constant 0 : i32
      %add3A_82 = arith.addi %mul3A_80, %add3A_81 : i32
      %add3A_83 = arith.constant 3 : i32
      %add3A_84 = arith.addi %add3A_82, %add3A_83 : i32
      %mul3A_85 = arith.constant 32 : i32
      %mul3A_86 = arith.muli %add3A_84, %mul3A_85 : i32
      %add3A_87 = arith.addi %add3A, %mul3A_86 : i32
      %min3A_88 = arith.constant 2499 : i32
      %min3A_89 = arith.minsi %add3A_87, %min3A_88 : i32
      %mul3A_90 = arith.constant 128 : i32
      %mul3A_91 = arith.muli %min3A_89, %mul3A_90 : i32
      %dma_start3A_92 = tpu.memref_slice %arg3[%mul3A_91] : memref<320000xi32, #tpu.memory_space<hbm>> -> memref<128xi32, #tpu.memory_space<hbm>>
      %dma_start3A_93 = tpu.memref_slice %arg3[%mul3A_91] : memref<320000xi32, #tpu.memory_space<hbm>> -> memref<128xi32, #tpu.memory_space<hbm>>
      tpu.enqueue_dma source(%dma_start3A_93 : memref<128xi32, #tpu.memory_space<hbm>>) target(%arg10 : memref<128xi32, #tpu.memory_space<vmem>>) target_semaphore(%arg20 : memref<!tpu.dma_semaphore, #tpu.memory_space<semaphore_mem>>)
      %dma_start3A_94 = tpu.memref_slice %arg4[%mul3A_91] : memref<320000xi32, #tpu.memory_space<hbm>> -> memref<128xi32, #tpu.memory_space<hbm>>
      %dma_start3A_95 = tpu.memref_slice %arg4[%mul3A_91] : memref<320000xi32, #tpu.memory_space<hbm>> -> memref<128xi32, #tpu.memory_space<hbm>>
      tpu.enqueue_dma source(%dma_start3A_95 : memref<128xi32, #tpu.memory_space<hbm>>) target(%arg14 : memref<128xi32, #tpu.memory_space<vmem>>) target_semaphore(%arg20 : memref<!tpu.dma_semaphore, #tpu.memory_space<semaphore_mem>>)
      %dma_wait3A_96 = arith.constant 0 : i32
      %dma_wait3A_97 = arith.constant 0 : i32
      %dma_wait3A_98 = tpu.memref_slice %arg2[%dma_wait3A_96, %dma_wait3A_97] : memref<10000x128xf32, #tpu.memory_space<hbm>> -> memref<10000x128xf32, #tpu.memory_space<hbm>>
      tpu.wait_indirect_dma semaphore(%arg17 : memref<!tpu.dma_semaphore, #tpu.memory_space<semaphore_mem>>) src(%dma_wait3A_98 : memref<10000x128xf32, #tpu.memory_space<hbm>>) dst(%arg15 : memref<128x128xf32, #tpu.memory_space<vmem>>)
      %mul3A_99 = arith.constant 32 : i32
      %mul3A_100 = arith.muli %add3A_82, %mul3A_99 : i32
      %add3A_101 = arith.addi %add3A, %mul3A_100 : i32
      %lt3A = arith.constant 2500 : i32
      %lt3A_102 = arith.cmpi slt, %add3A_101, %lt3A : i32
      %convert_element_type3A = arith.extui %lt3A_102 : i1 to i32
      %cond3A = arith.constant 0 : i32
      %cond3A_103 = arith.cmpi ne, %convert_element_type3A, %cond3A : i32
      scf.if %cond3A_103 {
        "tpu.region"() ({
          %run_scoped3A = tpu.sem_alloc : memref<!tpu.dma_semaphore, #tpu.memory_space<semaphore_mem>>
          %dma_start3A_227 = arith.constant 0 : i32
          %dma_start3A_228 = arith.constant 0 : i32
          %dma_start3A_229 = tpu.memref_slice %arg6[%dma_start3A_227, %dma_start3A_228] : memref<10240x128xf32, #tpu.memory_space<vmem_shared>> -> memref<10240x128xf32, #tpu.memory_space<vmem_shared>>
          tpu.enqueue_indirect_dma source(%arg15 : memref<128x128xf32, #tpu.memory_space<vmem>>) target(%dma_start3A_229 : memref<10240x128xf32, #tpu.memory_space<vmem_shared>>) offsets(%arg11 : memref<128xi32, #tpu.memory_space<vmem>>) semaphore(%run_scoped3A : memref<!tpu.dma_semaphore, #tpu.memory_space<semaphore_mem>>) {add = true}
          %dma_wait3A_230 = arith.constant 0 : i32
          %dma_wait3A_231 = arith.constant 0 : i32
          %dma_wait3A_232 = tpu.memref_slice %arg6[%dma_wait3A_230, %dma_wait3A_231] : memref<10240x128xf32, #tpu.memory_space<vmem_shared>> -> memref<10240x128xf32, #tpu.memory_space<vmem_shared>>
          tpu.wait_indirect_dma semaphore(%run_scoped3A : memref<!tpu.dma_semaphore, #tpu.memory_space<semaphore_mem>>) src(%arg15 : memref<128x128xf32, #tpu.memory_space<vmem>>) dst(%dma_wait3A_232 : memref<10240x128xf32, #tpu.memory_space<vmem_shared>>)
          tpu.yield
        }) : () -> ()
      } else {
      }
      %dma_wait3A_104 = arith.constant 0 : i32
      %dma_wait3A_105 = tpu.memref_slice %arg3[%dma_wait3A_104] : memref<320000xi32, #tpu.memory_space<hbm>> -> memref<128xi32, #tpu.memory_space<hbm>>
      %dma_wait3A_106 = arith.constant 0 : i32
      %dma_wait3A_107 = tpu.memref_slice %arg3[%dma_wait3A_106] : memref<320000xi32, #tpu.memory_space<hbm>> -> memref<128xi32, #tpu.memory_space<hbm>>
      tpu.wait_dma2 semaphore(%arg19 : memref<!tpu.dma_semaphore, #tpu.memory_space<semaphore_mem>>) src(%dma_wait3A_107 : memref<128xi32, #tpu.memory_space<hbm>>) dst(%arg9 : memref<128xi32, #tpu.memory_space<vmem>>)
      %dma_wait3A_108 = arith.constant 0 : i32
      %dma_wait3A_109 = tpu.memref_slice %arg4[%dma_wait3A_108] : memref<320000xi32, #tpu.memory_space<hbm>> -> memref<128xi32, #tpu.memory_space<hbm>>
      %dma_wait3A_110 = arith.constant 0 : i32
      %dma_wait3A_111 = tpu.memref_slice %arg4[%dma_wait3A_110] : memref<320000xi32, #tpu.memory_space<hbm>> -> memref<128xi32, #tpu.memory_space<hbm>>
      tpu.wait_dma2 semaphore(%arg19 : memref<!tpu.dma_semaphore, #tpu.memory_space<semaphore_mem>>) src(%dma_wait3A_111 : memref<128xi32, #tpu.memory_space<hbm>>) dst(%arg13 : memref<128xi32, #tpu.memory_space<vmem>>)
      %dma_start3A_112 = arith.constant 0 : i32
      %dma_start3A_113 = arith.constant 0 : i32
      %dma_start3A_114 = tpu.memref_slice %arg2[%dma_start3A_112, %dma_start3A_113] : memref<10000x128xf32, #tpu.memory_space<hbm>> -> memref<10000x128xf32, #tpu.memory_space<hbm>>
      tpu.enqueue_indirect_dma source(%dma_start3A_114 : memref<10000x128xf32, #tpu.memory_space<hbm>>) target(%arg15 : memref<128x128xf32, #tpu.memory_space<vmem>>) offsets(%arg9 : memref<128xi32, #tpu.memory_space<vmem>>) semaphore(%arg17 : memref<!tpu.dma_semaphore, #tpu.memory_space<semaphore_mem>>)
      %add3A_115 = arith.constant 1 : i32
      %add3A_116 = arith.addi %mul3A_80, %add3A_115 : i32
      %add3A_117 = arith.constant 3 : i32
      %add3A_118 = arith.addi %add3A_116, %add3A_117 : i32
      %mul3A_119 = arith.constant 32 : i32
      %mul3A_120 = arith.muli %add3A_118, %mul3A_119 : i32
      %add3A_121 = arith.addi %add3A, %mul3A_120 : i32
      %min3A_122 = arith.constant 2499 : i32
      %min3A_123 = arith.minsi %add3A_121, %min3A_122 : i32
      %mul3A_124 = arith.constant 128 : i32
      %mul3A_125 = arith.muli %min3A_123, %mul3A_124 : i32
      %dma_start3A_126 = tpu.memref_slice %arg3[%mul3A_125] : memref<320000xi32, #tpu.memory_space<hbm>> -> memref<128xi32, #tpu.memory_space<hbm>>
      %dma_start3A_127 = tpu.memref_slice %arg3[%mul3A_125] : memref<320000xi32, #tpu.memory_space<hbm>> -> memref<128xi32, #tpu.memory_space<hbm>>
      tpu.enqueue_dma source(%dma_start3A_127 : memref<128xi32, #tpu.memory_space<hbm>>) target(%arg7 : memref<128xi32, #tpu.memory_space<vmem>>) target_semaphore(%arg19 : memref<!tpu.dma_semaphore, #tpu.memory_space<semaphore_mem>>)
      %dma_start3A_128 = tpu.memref_slice %arg4[%mul3A_125] : memref<320000xi32, #tpu.memory_space<hbm>> -> memref<128xi32, #tpu.memory_space<hbm>>
      %dma_start3A_129 = tpu.memref_slice %arg4[%mul3A_125] : memref<320000xi32, #tpu.memory_space<hbm>> -> memref<128xi32, #tpu.memory_space<hbm>>
      tpu.enqueue_dma source(%dma_start3A_129 : memref<128xi32, #tpu.memory_space<hbm>>) target(%arg11 : memref<128xi32, #tpu.memory_space<vmem>>) target_semaphore(%arg19 : memref<!tpu.dma_semaphore, #tpu.memory_space<semaphore_mem>>)
      %dma_wait3A_130 = arith.constant 0 : i32
      %dma_wait3A_131 = arith.constant 0 : i32
      %dma_wait3A_132 = tpu.memref_slice %arg2[%dma_wait3A_130, %dma_wait3A_131] : memref<10000x128xf32, #tpu.memory_space<hbm>> -> memref<10000x128xf32, #tpu.memory_space<hbm>>
      tpu.wait_indirect_dma semaphore(%arg18 : memref<!tpu.dma_semaphore, #tpu.memory_space<semaphore_mem>>) src(%dma_wait3A_132 : memref<10000x128xf32, #tpu.memory_space<hbm>>) dst(%arg16 : memref<128x128xf32, #tpu.memory_space<vmem>>)
      %mul3A_133 = arith.constant 32 : i32
      %mul3A_134 = arith.muli %add3A_116, %mul3A_133 : i32
      %add3A_135 = arith.addi %add3A, %mul3A_134 : i32
      %lt3A_136 = arith.constant 2500 : i32
      %lt3A_137 = arith.cmpi slt, %add3A_135, %lt3A_136 : i32
      %convert_element_type3A_138 = arith.extui %lt3A_137 : i1 to i32
      %cond3A_139 = arith.constant 0 : i32
      %cond3A_140 = arith.cmpi ne, %convert_element_type3A_138, %cond3A_139 : i32
      scf.if %cond3A_140 {
        "tpu.region"() ({
          %run_scoped3A = tpu.sem_alloc : memref<!tpu.dma_semaphore, #tpu.memory_space<semaphore_mem>>
          %dma_start3A_227 = arith.constant 0 : i32
          %dma_start3A_228 = arith.constant 0 : i32
          %dma_start3A_229 = tpu.memref_slice %arg6[%dma_start3A_227, %dma_start3A_228] : memref<10240x128xf32, #tpu.memory_space<vmem_shared>> -> memref<10240x128xf32, #tpu.memory_space<vmem_shared>>
          tpu.enqueue_indirect_dma source(%arg16 : memref<128x128xf32, #tpu.memory_space<vmem>>) target(%dma_start3A_229 : memref<10240x128xf32, #tpu.memory_space<vmem_shared>>) offsets(%arg12 : memref<128xi32, #tpu.memory_space<vmem>>) semaphore(%run_scoped3A : memref<!tpu.dma_semaphore, #tpu.memory_space<semaphore_mem>>) {add = true}
          %dma_wait3A_230 = arith.constant 0 : i32
          %dma_wait3A_231 = arith.constant 0 : i32
          %dma_wait3A_232 = tpu.memref_slice %arg6[%dma_wait3A_230, %dma_wait3A_231] : memref<10240x128xf32, #tpu.memory_space<vmem_shared>> -> memref<10240x128xf32, #tpu.memory_space<vmem_shared>>
          tpu.wait_indirect_dma semaphore(%run_scoped3A : memref<!tpu.dma_semaphore, #tpu.memory_space<semaphore_mem>>) src(%arg16 : memref<128x128xf32, #tpu.memory_space<vmem>>) dst(%dma_wait3A_232 : memref<10240x128xf32, #tpu.memory_space<vmem_shared>>)
          tpu.yield
        }) : () -> ()
      } else {
      }
      %dma_wait3A_141 = arith.constant 0 : i32
      %dma_wait3A_142 = tpu.memref_slice %arg3[%dma_wait3A_141] : memref<320000xi32, #tpu.memory_space<hbm>> -> memref<128xi32, #tpu.memory_space<hbm>>
      %dma_wait3A_143 = arith.constant 0 : i32
      %dma_wait3A_144 = tpu.memref_slice %arg3[%dma_wait3A_143] : memref<320000xi32, #tpu.memory_space<hbm>> -> memref<128xi32, #tpu.memory_space<hbm>>
      tpu.wait_dma2 semaphore(%arg20 : memref<!tpu.dma_semaphore, #tpu.memory_space<semaphore_mem>>) src(%dma_wait3A_144 : memref<128xi32, #tpu.memory_space<hbm>>) dst(%arg10 : memref<128xi32, #tpu.memory_space<vmem>>)
      %dma_wait3A_145 = arith.constant 0 : i32
      %dma_wait3A_146 = tpu.memref_slice %arg4[%dma_wait3A_145] : memref<320000xi32, #tpu.memory_space<hbm>> -> memref<128xi32, #tpu.memory_space<hbm>>
      %dma_wait3A_147 = arith.constant 0 : i32
      %dma_wait3A_148 = tpu.memref_slice %arg4[%dma_wait3A_147] : memref<320000xi32, #tpu.memory_space<hbm>> -> memref<128xi32, #tpu.memory_space<hbm>>
      tpu.wait_dma2 semaphore(%arg20 : memref<!tpu.dma_semaphore, #tpu.memory_space<semaphore_mem>>) src(%dma_wait3A_148 : memref<128xi32, #tpu.memory_space<hbm>>) dst(%arg14 : memref<128xi32, #tpu.memory_space<vmem>>)
      %dma_start3A_149 = arith.constant 0 : i32
      %dma_start3A_150 = arith.constant 0 : i32
      %dma_start3A_151 = tpu.memref_slice %arg2[%dma_start3A_149, %dma_start3A_150] : memref<10000x128xf32, #tpu.memory_space<hbm>> -> memref<10000x128xf32, #tpu.memory_space<hbm>>
      tpu.enqueue_indirect_dma source(%dma_start3A_151 : memref<10000x128xf32, #tpu.memory_space<hbm>>) target(%arg16 : memref<128x128xf32, #tpu.memory_space<vmem>>) offsets(%arg10 : memref<128xi32, #tpu.memory_space<vmem>>) semaphore(%arg18 : memref<!tpu.dma_semaphore, #tpu.memory_space<semaphore_mem>>)
      %add3A_152 = arith.constant 2 : i32
      %add3A_153 = arith.addi %mul3A_80, %add3A_152 : i32
      %add3A_154 = arith.constant 3 : i32
      %add3A_155 = arith.addi %add3A_153, %add3A_154 : i32
      %mul3A_156 = arith.constant 32 : i32
      %mul3A_157 = arith.muli %add3A_155, %mul3A_156 : i32
      %add3A_158 = arith.addi %add3A, %mul3A_157 : i32
      %min3A_159 = arith.constant 2499 : i32
      %min3A_160 = arith.minsi %add3A_158, %min3A_159 : i32
      %mul3A_161 = arith.constant 128 : i32
      %mul3A_162 = arith.muli %min3A_160, %mul3A_161 : i32
      %dma_start3A_163 = tpu.memref_slice %arg3[%mul3A_162] : memref<320000xi32, #tpu.memory_space<hbm>> -> memref<128xi32, #tpu.memory_space<hbm>>
      %dma_start3A_164 = tpu.memref_slice %arg3[%mul3A_162] : memref<320000xi32, #tpu.memory_space<hbm>> -> memref<128xi32, #tpu.memory_space<hbm>>
      tpu.enqueue_dma source(%dma_start3A_164 : memref<128xi32, #tpu.memory_space<hbm>>) target(%arg8 : memref<128xi32, #tpu.memory_space<vmem>>) target_semaphore(%arg20 : memref<!tpu.dma_semaphore, #tpu.memory_space<semaphore_mem>>)
      %dma_start3A_165 = tpu.memref_slice %arg4[%mul3A_162] : memref<320000xi32, #tpu.memory_space<hbm>> -> memref<128xi32, #tpu.memory_space<hbm>>
      %dma_start3A_166 = tpu.memref_slice %arg4[%mul3A_162] : memref<320000xi32, #tpu.memory_space<hbm>> -> memref<128xi32, #tpu.memory_space<hbm>>
      tpu.enqueue_dma source(%dma_start3A_166 : memref<128xi32, #tpu.memory_space<hbm>>) target(%arg12 : memref<128xi32, #tpu.memory_space<vmem>>) target_semaphore(%arg20 : memref<!tpu.dma_semaphore, #tpu.memory_space<semaphore_mem>>)
      %dma_wait3A_167 = arith.constant 0 : i32
      %dma_wait3A_168 = arith.constant 0 : i32
      %dma_wait3A_169 = tpu.memref_slice %arg2[%dma_wait3A_167, %dma_wait3A_168] : memref<10000x128xf32, #tpu.memory_space<hbm>> -> memref<10000x128xf32, #tpu.memory_space<hbm>>
      tpu.wait_indirect_dma semaphore(%arg17 : memref<!tpu.dma_semaphore, #tpu.memory_space<semaphore_mem>>) src(%dma_wait3A_169 : memref<10000x128xf32, #tpu.memory_space<hbm>>) dst(%arg15 : memref<128x128xf32, #tpu.memory_space<vmem>>)
      %mul3A_170 = arith.constant 32 : i32
      %mul3A_171 = arith.muli %add3A_153, %mul3A_170 : i32
      %add3A_172 = arith.addi %add3A, %mul3A_171 : i32
      %lt3A_173 = arith.constant 2500 : i32
      %lt3A_174 = arith.cmpi slt, %add3A_172, %lt3A_173 : i32
      %convert_element_type3A_175 = arith.extui %lt3A_174 : i1 to i32
      %cond3A_176 = arith.constant 0 : i32
      %cond3A_177 = arith.cmpi ne, %convert_element_type3A_175, %cond3A_176 : i32
      scf.if %cond3A_177 {
        "tpu.region"() ({
          %run_scoped3A = tpu.sem_alloc : memref<!tpu.dma_semaphore, #tpu.memory_space<semaphore_mem>>
          %dma_start3A_227 = arith.constant 0 : i32
          %dma_start3A_228 = arith.constant 0 : i32
          %dma_start3A_229 = tpu.memref_slice %arg6[%dma_start3A_227, %dma_start3A_228] : memref<10240x128xf32, #tpu.memory_space<vmem_shared>> -> memref<10240x128xf32, #tpu.memory_space<vmem_shared>>
          tpu.enqueue_indirect_dma source(%arg15 : memref<128x128xf32, #tpu.memory_space<vmem>>) target(%dma_start3A_229 : memref<10240x128xf32, #tpu.memory_space<vmem_shared>>) offsets(%arg13 : memref<128xi32, #tpu.memory_space<vmem>>) semaphore(%run_scoped3A : memref<!tpu.dma_semaphore, #tpu.memory_space<semaphore_mem>>) {add = true}
          %dma_wait3A_230 = arith.constant 0 : i32
          %dma_wait3A_231 = arith.constant 0 : i32
          %dma_wait3A_232 = tpu.memref_slice %arg6[%dma_wait3A_230, %dma_wait3A_231] : memref<10240x128xf32, #tpu.memory_space<vmem_shared>> -> memref<10240x128xf32, #tpu.memory_space<vmem_shared>>
          tpu.wait_indirect_dma semaphore(%run_scoped3A : memref<!tpu.dma_semaphore, #tpu.memory_space<semaphore_mem>>) src(%arg15 : memref<128x128xf32, #tpu.memory_space<vmem>>) dst(%dma_wait3A_232 : memref<10240x128xf32, #tpu.memory_space<vmem_shared>>)
          tpu.yield
        }) : () -> ()
      } else {
      }
      %dma_wait3A_178 = arith.constant 0 : i32
      %dma_wait3A_179 = tpu.memref_slice %arg3[%dma_wait3A_178] : memref<320000xi32, #tpu.memory_space<hbm>> -> memref<128xi32, #tpu.memory_space<hbm>>
      %dma_wait3A_180 = arith.constant 0 : i32
      %dma_wait3A_181 = tpu.memref_slice %arg3[%dma_wait3A_180] : memref<320000xi32, #tpu.memory_space<hbm>> -> memref<128xi32, #tpu.memory_space<hbm>>
      tpu.wait_dma2 semaphore(%arg19 : memref<!tpu.dma_semaphore, #tpu.memory_space<semaphore_mem>>) src(%dma_wait3A_181 : memref<128xi32, #tpu.memory_space<hbm>>) dst(%arg7 : memref<128xi32, #tpu.memory_space<vmem>>)
      %dma_wait3A_182 = arith.constant 0 : i32
      %dma_wait3A_183 = tpu.memref_slice %arg4[%dma_wait3A_182] : memref<320000xi32, #tpu.memory_space<hbm>> -> memref<128xi32, #tpu.memory_space<hbm>>
      %dma_wait3A_184 = arith.constant 0 : i32
      %dma_wait3A_185 = tpu.memref_slice %arg4[%dma_wait3A_184] : memref<320000xi32, #tpu.memory_space<hbm>> -> memref<128xi32, #tpu.memory_space<hbm>>
      tpu.wait_dma2 semaphore(%arg19 : memref<!tpu.dma_semaphore, #tpu.memory_space<semaphore_mem>>) src(%dma_wait3A_185 : memref<128xi32, #tpu.memory_space<hbm>>) dst(%arg11 : memref<128xi32, #tpu.memory_space<vmem>>)
      %dma_start3A_186 = arith.constant 0 : i32
      %dma_start3A_187 = arith.constant 0 : i32
      %dma_start3A_188 = tpu.memref_slice %arg2[%dma_start3A_186, %dma_start3A_187] : memref<10000x128xf32, #tpu.memory_space<hbm>> -> memref<10000x128xf32, #tpu.memory_space<hbm>>
      tpu.enqueue_indirect_dma source(%dma_start3A_188 : memref<10000x128xf32, #tpu.memory_space<hbm>>) target(%arg15 : memref<128x128xf32, #tpu.memory_space<vmem>>) offsets(%arg7 : memref<128xi32, #tpu.memory_space<vmem>>) semaphore(%arg17 : memref<!tpu.dma_semaphore, #tpu.memory_space<semaphore_mem>>)
      %add3A_189 = arith.constant 3 : i32
      %add3A_190 = arith.addi %mul3A_80, %add3A_189 : i32
      %add3A_191 = arith.constant 3 : i32
      %add3A_192 = arith.addi %add3A_190, %add3A_191 : i32
      %mul3A_193 = arith.constant 32 : i32
      %mul3A_194 = arith.muli %add3A_192, %mul3A_193 : i32
      %add3A_195 = arith.addi %add3A, %mul3A_194 : i32
      %min3A_196 = arith.constant 2499 : i32
      %min3A_197 = arith.minsi %add3A_195, %min3A_196 : i32
      %mul3A_198 = arith.constant 128 : i32
      %mul3A_199 = arith.muli %min3A_197, %mul3A_198 : i32
      %dma_start3A_200 = tpu.memref_slice %arg3[%mul3A_199] : memref<320000xi32, #tpu.memory_space<hbm>> -> memref<128xi32, #tpu.memory_space<hbm>>
      %dma_start3A_201 = tpu.memref_slice %arg3[%mul3A_199] : memref<320000xi32, #tpu.memory_space<hbm>> -> memref<128xi32, #tpu.memory_space<hbm>>
      tpu.enqueue_dma source(%dma_start3A_201 : memref<128xi32, #tpu.memory_space<hbm>>) target(%arg9 : memref<128xi32, #tpu.memory_space<vmem>>) target_semaphore(%arg19 : memref<!tpu.dma_semaphore, #tpu.memory_space<semaphore_mem>>)
      %dma_start3A_202 = tpu.memref_slice %arg4[%mul3A_199] : memref<320000xi32, #tpu.memory_space<hbm>> -> memref<128xi32, #tpu.memory_space<hbm>>
      %dma_start3A_203 = tpu.memref_slice %arg4[%mul3A_199] : memref<320000xi32, #tpu.memory_space<hbm>> -> memref<128xi32, #tpu.memory_space<hbm>>
      tpu.enqueue_dma source(%dma_start3A_203 : memref<128xi32, #tpu.memory_space<hbm>>) target(%arg13 : memref<128xi32, #tpu.memory_space<vmem>>) target_semaphore(%arg19 : memref<!tpu.dma_semaphore, #tpu.memory_space<semaphore_mem>>)
      %dma_wait3A_204 = arith.constant 0 : i32
      %dma_wait3A_205 = arith.constant 0 : i32
      %dma_wait3A_206 = tpu.memref_slice %arg2[%dma_wait3A_204, %dma_wait3A_205] : memref<10000x128xf32, #tpu.memory_space<hbm>> -> memref<10000x128xf32, #tpu.memory_space<hbm>>
      tpu.wait_indirect_dma semaphore(%arg18 : memref<!tpu.dma_semaphore, #tpu.memory_space<semaphore_mem>>) src(%dma_wait3A_206 : memref<10000x128xf32, #tpu.memory_space<hbm>>) dst(%arg16 : memref<128x128xf32, #tpu.memory_space<vmem>>)
      %mul3A_207 = arith.constant 32 : i32
      %mul3A_208 = arith.muli %add3A_190, %mul3A_207 : i32
      %add3A_209 = arith.addi %add3A, %mul3A_208 : i32
      %lt3A_210 = arith.constant 2500 : i32
      %lt3A_211 = arith.cmpi slt, %add3A_209, %lt3A_210 : i32
      %convert_element_type3A_212 = arith.extui %lt3A_211 : i1 to i32
      %cond3A_213 = arith.constant 0 : i32
      %cond3A_214 = arith.cmpi ne, %convert_element_type3A_212, %cond3A_213 : i32
      scf.if %cond3A_214 {
        "tpu.region"() ({
          %run_scoped3A = tpu.sem_alloc : memref<!tpu.dma_semaphore, #tpu.memory_space<semaphore_mem>>
          %dma_start3A_227 = arith.constant 0 : i32
          %dma_start3A_228 = arith.constant 0 : i32
          %dma_start3A_229 = tpu.memref_slice %arg6[%dma_start3A_227, %dma_start3A_228] : memref<10240x128xf32, #tpu.memory_space<vmem_shared>> -> memref<10240x128xf32, #tpu.memory_space<vmem_shared>>
          tpu.enqueue_indirect_dma source(%arg16 : memref<128x128xf32, #tpu.memory_space<vmem>>) target(%dma_start3A_229 : memref<10240x128xf32, #tpu.memory_space<vmem_shared>>) offsets(%arg14 : memref<128xi32, #tpu.memory_space<vmem>>) semaphore(%run_scoped3A : memref<!tpu.dma_semaphore, #tpu.memory_space<semaphore_mem>>) {add = true}
          %dma_wait3A_230 = arith.constant 0 : i32
          %dma_wait3A_231 = arith.constant 0 : i32
          %dma_wait3A_232 = tpu.memref_slice %arg6[%dma_wait3A_230, %dma_wait3A_231] : memref<10240x128xf32, #tpu.memory_space<vmem_shared>> -> memref<10240x128xf32, #tpu.memory_space<vmem_shared>>
          tpu.wait_indirect_dma semaphore(%run_scoped3A : memref<!tpu.dma_semaphore, #tpu.memory_space<semaphore_mem>>) src(%arg16 : memref<128x128xf32, #tpu.memory_space<vmem>>) dst(%dma_wait3A_232 : memref<10240x128xf32, #tpu.memory_space<vmem_shared>>)
          tpu.yield
        }) : () -> ()
      } else {
      }
      %dma_wait3A_215 = arith.constant 0 : i32
      %dma_wait3A_216 = tpu.memref_slice %arg3[%dma_wait3A_215] : memref<320000xi32, #tpu.memory_space<hbm>> -> memref<128xi32, #tpu.memory_space<hbm>>
      %dma_wait3A_217 = arith.constant 0 : i32
      %dma_wait3A_218 = tpu.memref_slice %arg3[%dma_wait3A_217] : memref<320000xi32, #tpu.memory_space<hbm>> -> memref<128xi32, #tpu.memory_space<hbm>>
      tpu.wait_dma2 semaphore(%arg20 : memref<!tpu.dma_semaphore, #tpu.memory_space<semaphore_mem>>) src(%dma_wait3A_218 : memref<128xi32, #tpu.memory_space<hbm>>) dst(%arg8 : memref<128xi32, #tpu.memory_space<vmem>>)
      %dma_wait3A_219 = arith.constant 0 : i32
      %dma_wait3A_220 = tpu.memref_slice %arg4[%dma_wait3A_219] : memref<320000xi32, #tpu.memory_space<hbm>> -> memref<128xi32, #tpu.memory_space<hbm>>
      %dma_wait3A_221 = arith.constant 0 : i32
      %dma_wait3A_222 = tpu.memref_slice %arg4[%dma_wait3A_221] : memref<320000xi32, #tpu.memory_space<hbm>> -> memref<128xi32, #tpu.memory_space<hbm>>
      tpu.wait_dma2 semaphore(%arg20 : memref<!tpu.dma_semaphore, #tpu.memory_space<semaphore_mem>>) src(%dma_wait3A_222 : memref<128xi32, #tpu.memory_space<hbm>>) dst(%arg12 : memref<128xi32, #tpu.memory_space<vmem>>)
      %dma_start3A_223 = arith.constant 0 : i32
      %dma_start3A_224 = arith.constant 0 : i32
      %dma_start3A_225 = tpu.memref_slice %arg2[%dma_start3A_223, %dma_start3A_224] : memref<10000x128xf32, #tpu.memory_space<hbm>> -> memref<10000x128xf32, #tpu.memory_space<hbm>>
      tpu.enqueue_indirect_dma source(%dma_start3A_225 : memref<10000x128xf32, #tpu.memory_space<hbm>>) target(%arg16 : memref<128x128xf32, #tpu.memory_space<vmem>>) offsets(%arg8 : memref<128xi32, #tpu.memory_space<vmem>>) semaphore(%arg18 : memref<!tpu.dma_semaphore, #tpu.memory_space<semaphore_mem>>)
      %scan3A_226 = arith.constant 0 : i32
      scf.yield %scan3A_226 : i32
    }
    %scan3A_52 = arith.constant 20 : i32
    %dma_wait3A = arith.constant 0 : i32
    %dma_wait3A_53 = arith.constant 0 : i32
    %dma_wait3A_54 = tpu.memref_slice %arg2[%dma_wait3A, %dma_wait3A_53] : memref<10000x128xf32, #tpu.memory_space<hbm>> -> memref<10000x128xf32, #tpu.memory_space<hbm>>
    tpu.wait_indirect_dma semaphore(%arg17 : memref<!tpu.dma_semaphore, #tpu.memory_space<semaphore_mem>>) src(%dma_wait3A_54 : memref<10000x128xf32, #tpu.memory_space<hbm>>) dst(%arg15 : memref<128x128xf32, #tpu.memory_space<vmem>>)
    %dma_wait3A_55 = arith.constant 0 : i32
    %dma_wait3A_56 = arith.constant 0 : i32
    %dma_wait3A_57 = tpu.memref_slice %arg2[%dma_wait3A_55, %dma_wait3A_56] : memref<10000x128xf32, #tpu.memory_space<hbm>> -> memref<10000x128xf32, #tpu.memory_space<hbm>>
    tpu.wait_indirect_dma semaphore(%arg18 : memref<!tpu.dma_semaphore, #tpu.memory_space<semaphore_mem>>) src(%dma_wait3A_57 : memref<10000x128xf32, #tpu.memory_space<hbm>>) dst(%arg16 : memref<128x128xf32, #tpu.memory_space<vmem>>)
    %dma_wait3A_58 = arith.constant 0 : i32
    %dma_wait3A_59 = tpu.memref_slice %arg3[%dma_wait3A_58] : memref<320000xi32, #tpu.memory_space<hbm>> -> memref<128xi32, #tpu.memory_space<hbm>>
    %dma_wait3A_60 = arith.constant 0 : i32
    %dma_wait3A_61 = tpu.memref_slice %arg3[%dma_wait3A_60] : memref<320000xi32, #tpu.memory_space<hbm>> -> memref<128xi32, #tpu.memory_space<hbm>>
    tpu.wait_dma2 semaphore(%arg19 : memref<!tpu.dma_semaphore, #tpu.memory_space<semaphore_mem>>) src(%dma_wait3A_61 : memref<128xi32, #tpu.memory_space<hbm>>) dst(%arg9 : memref<128xi32, #tpu.memory_space<vmem>>)
    %dma_wait3A_62 = arith.constant 0 : i32
    %dma_wait3A_63 = tpu.memref_slice %arg4[%dma_wait3A_62] : memref<320000xi32, #tpu.memory_space<hbm>> -> memref<128xi32, #tpu.memory_space<hbm>>
    %dma_wait3A_64 = arith.constant 0 : i32
    %dma_wait3A_65 = tpu.memref_slice %arg4[%dma_wait3A_64] : memref<320000xi32, #tpu.memory_space<hbm>> -> memref<128xi32, #tpu.memory_space<hbm>>
    tpu.wait_dma2 semaphore(%arg19 : memref<!tpu.dma_semaphore, #tpu.memory_space<semaphore_mem>>) src(%dma_wait3A_65 : memref<128xi32, #tpu.memory_space<hbm>>) dst(%arg13 : memref<128xi32, #tpu.memory_space<vmem>>)
    %barrier3A_66 = arith.constant 0 : index
    tpu.barrier barrier_id(%barrier3A_66)
    %add3A_67 = arith.constant 0 : i32
    %add3A_68 = arith.addi %mul3A_9, %add3A_67 : i32
    "tpu.region"() ({
      %run_scoped3A = tpu.sem_alloc : memref<!tpu.dma_semaphore, #tpu.memory_space<semaphore_mem>>
      %dma_start3A_77 = arith.constant 0 : i32
      %dma_start3A_78 = tpu.memref_slice %arg5[%arg0, %add3A_68, %dma_start3A_77] : memref<2x10240x128xf32, #tpu.memory_space<hbm>> -> memref<1x128x128xf32, #tpu.memory_space<hbm>>
      %dma_start3A_79 = tpu.memref_squeeze %dma_start3A_78 : memref<1x128x128xf32, #tpu.memory_space<hbm>> -> memref<128x128xf32, #tpu.memory_space<hbm>>
      %dma_start3A_80 = arith.constant 0 : i32
      %dma_start3A_81 = tpu.memref_slice %arg6[%add3A_68, %dma_start3A_80] : memref<10240x128xf32, #tpu.memory_space<vmem_shared>> -> memref<128x128xf32, #tpu.memory_space<vmem_shared>>
      tpu.enqueue_dma source(%dma_start3A_81 : memref<128x128xf32, #tpu.memory_space<vmem_shared>>) target(%dma_start3A_79 : memref<128x128xf32, #tpu.memory_space<hbm>>) target_semaphore(%run_scoped3A : memref<!tpu.dma_semaphore, #tpu.memory_space<semaphore_mem>>)
      %dma_wait3A_82 = arith.constant 0 : i32
      %dma_wait3A_83 = tpu.memref_slice %arg5[%arg0, %add3A_68, %dma_wait3A_82] : memref<2x10240x128xf32, #tpu.memory_space<hbm>> -> memref<1x128x128xf32, #tpu.memory_space<hbm>>
      %dma_wait3A_84 = tpu.memref_squeeze %dma_wait3A_83 : memref<1x128x128xf32, #tpu.memory_space<hbm>> -> memref<128x128xf32, #tpu.memory_space<hbm>>
      %dma_wait3A_85 = arith.constant 0 : i32
      %dma_wait3A_86 = tpu.memref_slice %arg6[%add3A_68, %dma_wait3A_85] : memref<10240x128xf32, #tpu.memory_space<vmem_shared>> -> memref<128x128xf32, #tpu.memory_space<vmem_shared>>
      tpu.wait_dma2 semaphore(%run_scoped3A : memref<!tpu.dma_semaphore, #tpu.memory_space<semaphore_mem>>) src(%dma_wait3A_86 : memref<128x128xf32, #tpu.memory_space<vmem_shared>>) dst(%dma_wait3A_84 : memref<128x128xf32, #tpu.memory_space<hbm>>)
      tpu.yield
    }) : () -> ()
    %add3A_69 = arith.constant 128 : i32
    %add3A_70 = arith.addi %mul3A_9, %add3A_69 : i32
    "tpu.region"() ({
      %run_scoped3A = tpu.sem_alloc : memref<!tpu.dma_semaphore, #tpu.memory_space<semaphore_mem>>
      %dma_start3A_77 = arith.constant 0 : i32
      %dma_start3A_78 = tpu.memref_slice %arg5[%arg0, %add3A_70, %dma_start3A_77] : memref<2x10240x128xf32, #tpu.memory_space<hbm>> -> memref<1x128x128xf32, #tpu.memory_space<hbm>>
      %dma_start3A_79 = tpu.memref_squeeze %dma_start3A_78 : memref<1x128x128xf32, #tpu.memory_space<hbm>> -> memref<128x128xf32, #tpu.memory_space<hbm>>
      %dma_start3A_80 = arith.constant 0 : i32
      %dma_start3A_81 = tpu.memref_slice %arg6[%add3A_70, %dma_start3A_80] : memref<10240x128xf32, #tpu.memory_space<vmem_shared>> -> memref<128x128xf32, #tpu.memory_space<vmem_shared>>
      tpu.enqueue_dma source(%dma_start3A_81 : memref<128x128xf32, #tpu.memory_space<vmem_shared>>) target(%dma_start3A_79 : memref<128x128xf32, #tpu.memory_space<hbm>>) target_semaphore(%run_scoped3A : memref<!tpu.dma_semaphore, #tpu.memory_space<semaphore_mem>>)
      %dma_wait3A_82 = arith.constant 0 : i32
      %dma_wait3A_83 = tpu.memref_slice %arg5[%arg0, %add3A_70, %dma_wait3A_82] : memref<2x10240x128xf32, #tpu.memory_space<hbm>> -> memref<1x128x128xf32, #tpu.memory_space<hbm>>
      %dma_wait3A_84 = tpu.memref_squeeze %dma_wait3A_83 : memref<1x128x128xf32, #tpu.memory_space<hbm>> -> memref<128x128xf32, #tpu.memory_space<hbm>>
      %dma_wait3A_85 = arith.constant 0 : i32
      %dma_wait3A_86 = tpu.memref_slice %arg6[%add3A_70, %dma_wait3A_85] : memref<10240x128xf32, #tpu.memory_space<vmem_shared>> -> memref<128x128xf32, #tpu.memory_space<vmem_shared>>
      tpu.wait_dma2 semaphore(%run_scoped3A : memref<!tpu.dma_semaphore, #tpu.memory_space<semaphore_mem>>) src(%dma_wait3A_86 : memref<128x128xf32, #tpu.memory_space<vmem_shared>>) dst(%dma_wait3A_84 : memref<128x128xf32, #tpu.memory_space<hbm>>)
      tpu.yield
    }) : () -> ()
    %add3A_71 = arith.constant 256 : i32
    %add3A_72 = arith.addi %mul3A_9, %add3A_71 : i32
    "tpu.region"() ({
      %run_scoped3A = tpu.sem_alloc : memref<!tpu.dma_semaphore, #tpu.memory_space<semaphore_mem>>
      %dma_start3A_77 = arith.constant 0 : i32
      %dma_start3A_78 = tpu.memref_slice %arg5[%arg0, %add3A_72, %dma_start3A_77] : memref<2x10240x128xf32, #tpu.memory_space<hbm>> -> memref<1x128x128xf32, #tpu.memory_space<hbm>>
      %dma_start3A_79 = tpu.memref_squeeze %dma_start3A_78 : memref<1x128x128xf32, #tpu.memory_space<hbm>> -> memref<128x128xf32, #tpu.memory_space<hbm>>
      %dma_start3A_80 = arith.constant 0 : i32
      %dma_start3A_81 = tpu.memref_slice %arg6[%add3A_72, %dma_start3A_80] : memref<10240x128xf32, #tpu.memory_space<vmem_shared>> -> memref<128x128xf32, #tpu.memory_space<vmem_shared>>
      tpu.enqueue_dma source(%dma_start3A_81 : memref<128x128xf32, #tpu.memory_space<vmem_shared>>) target(%dma_start3A_79 : memref<128x128xf32, #tpu.memory_space<hbm>>) target_semaphore(%run_scoped3A : memref<!tpu.dma_semaphore, #tpu.memory_space<semaphore_mem>>)
      %dma_wait3A_82 = arith.constant 0 : i32
      %dma_wait3A_83 = tpu.memref_slice %arg5[%arg0, %add3A_72, %dma_wait3A_82] : memref<2x10240x128xf32, #tpu.memory_space<hbm>> -> memref<1x128x128xf32, #tpu.memory_space<hbm>>
      %dma_wait3A_84 = tpu.memref_squeeze %dma_wait3A_83 : memref<1x128x128xf32, #tpu.memory_space<hbm>> -> memref<128x128xf32, #tpu.memory_space<hbm>>
      %dma_wait3A_85 = arith.constant 0 : i32
      %dma_wait3A_86 = tpu.memref_slice %arg6[%add3A_72, %dma_wait3A_85] : memref<10240x128xf32, #tpu.memory_space<vmem_shared>> -> memref<128x128xf32, #tpu.memory_space<vmem_shared>>
      tpu.wait_dma2 semaphore(%run_scoped3A : memref<!tpu.dma_semaphore, #tpu.memory_space<semaphore_mem>>) src(%dma_wait3A_86 : memref<128x128xf32, #tpu.memory_space<vmem_shared>>) dst(%dma_wait3A_84 : memref<128x128xf32, #tpu.memory_space<hbm>>)
      tpu.yield
    }) : () -> ()
    %add3A_73 = arith.constant 384 : i32
    %add3A_74 = arith.addi %mul3A_9, %add3A_73 : i32
    "tpu.region"() ({
      %run_scoped3A = tpu.sem_alloc : memref<!tpu.dma_semaphore, #tpu.memory_space<semaphore_mem>>
      %dma_start3A_77 = arith.constant 0 : i32
      %dma_start3A_78 = tpu.memref_slice %arg5[%arg0, %add3A_74, %dma_start3A_77] : memref<2x10240x128xf32, #tpu.memory_space<hbm>> -> memref<1x128x128xf32, #tpu.memory_space<hbm>>
      %dma_start3A_79 = tpu.memref_squeeze %dma_start3A_78 : memref<1x128x128xf32, #tpu.memory_space<hbm>> -> memref<128x128xf32, #tpu.memory_space<hbm>>
      %dma_start3A_80 = arith.constant 0 : i32
      %dma_start3A_81 = tpu.memref_slice %arg6[%add3A_74, %dma_start3A_80] : memref<10240x128xf32, #tpu.memory_space<vmem_shared>> -> memref<128x128xf32, #tpu.memory_space<vmem_shared>>
      tpu.enqueue_dma source(%dma_start3A_81 : memref<128x128xf32, #tpu.memory_space<vmem_shared>>) target(%dma_start3A_79 : memref<128x128xf32, #tpu.memory_space<hbm>>) target_semaphore(%run_scoped3A : memref<!tpu.dma_semaphore, #tpu.memory_space<semaphore_mem>>)
      %dma_wait3A_82 = arith.constant 0 : i32
      %dma_wait3A_83 = tpu.memref_slice %arg5[%arg0, %add3A_74, %dma_wait3A_82] : memref<2x10240x128xf32, #tpu.memory_space<hbm>> -> memref<1x128x128xf32, #tpu.memory_space<hbm>>
      %dma_wait3A_84 = tpu.memref_squeeze %dma_wait3A_83 : memref<1x128x128xf32, #tpu.memory_space<hbm>> -> memref<128x128xf32, #tpu.memory_space<hbm>>
      %dma_wait3A_85 = arith.constant 0 : i32
      %dma_wait3A_86 = tpu.memref_slice %arg6[%add3A_74, %dma_wait3A_85] : memref<10240x128xf32, #tpu.memory_space<vmem_shared>> -> memref<128x128xf32, #tpu.memory_space<vmem_shared>>
      tpu.wait_dma2 semaphore(%run_scoped3A : memref<!tpu.dma_semaphore, #tpu.memory_space<semaphore_mem>>) src(%dma_wait3A_86 : memref<128x128xf32, #tpu.memory_space<vmem_shared>>) dst(%dma_wait3A_84 : memref<128x128xf32, #tpu.memory_space<hbm>>)
      tpu.yield
    }) : () -> ()
    %add3A_75 = arith.constant 512 : i32
    %add3A_76 = arith.addi %mul3A_9, %add3A_75 : i32
    "tpu.region"() ({
      %run_scoped3A = tpu.sem_alloc : memref<!tpu.dma_semaphore, #tpu.memory_space<semaphore_mem>>
      %dma_start3A_77 = arith.constant 0 : i32
      %dma_start3A_78 = tpu.memref_slice %arg5[%arg0, %add3A_76, %dma_start3A_77] : memref<2x10240x128xf32, #tpu.memory_space<hbm>> -> memref<1x128x128xf32, #tpu.memory_space<hbm>>
      %dma_start3A_79 = tpu.memref_squeeze %dma_start3A_78 : memref<1x128x128xf32, #tpu.memory_space<hbm>> -> memref<128x128xf32, #tpu.memory_space<hbm>>
      %dma_start3A_80 = arith.constant 0 : i32
      %dma_start3A_81 = tpu.memref_slice %arg6[%add3A_76, %dma_start3A_80] : memref<10240x128xf32, #tpu.memory_space<vmem_shared>> -> memref<128x128xf32, #tpu.memory_space<vmem_shared>>
      tpu.enqueue_dma source(%dma_start3A_81 : memref<128x128xf32, #tpu.memory_space<vmem_shared>>) target(%dma_start3A_79 : memref<128x128xf32, #tpu.memory_space<hbm>>) target_semaphore(%run_scoped3A : memref<!tpu.dma_semaphore, #tpu.memory_space<semaphore_mem>>)
      %dma_wait3A_82 = arith.constant 0 : i32
      %dma_wait3A_83 = tpu.memref_slice %arg5[%arg0, %add3A_76, %dma_wait3A_82] : memref<2x10240x128xf32, #tpu.memory_space<hbm>> -> memref<1x128x128xf32, #tpu.memory_space<hbm>>
      %dma_wait3A_84 = tpu.memref_squeeze %dma_wait3A_83 : memref<1x128x128xf32, #tpu.memory_space<hbm>> -> memref<128x128xf32, #tpu.memory_space<hbm>>
      %dma_wait3A_85 = arith.constant 0 : i32
      %dma_wait3A_86 = tpu.memref_slice %arg6[%add3A_76, %dma_wait3A_85] : memref<10240x128xf32, #tpu.memory_space<vmem_shared>> -> memref<128x128xf32, #tpu.memory_space<vmem_shared>>
      tpu.wait_dma2 semaphore(%run_scoped3A : memref<!tpu.dma_semaphore, #tpu.memory_space<semaphore_mem>>) src(%dma_wait3A_86 : memref<128x128xf32, #tpu.memory_space<vmem_shared>>) dst(%dma_wait3A_84 : memref<128x128xf32, #tpu.memory_space<hbm>>)
      tpu.yield
    }) : () -> ()
    return
  }
}

#map = affine_map<(d0, d1) -> (0)>
#map1 = affine_map<(d0, d1) -> (0, 0, 0)>
module attributes {stable_mosaic.version = 14 : i64} {
  func.func @_cnt_body(%arg0: i32, %arg1: i32, %arg2: memref<320000xi32, #tpu.memory_space<hbm>>, %arg3: memref<2x10240x128xf32, #tpu.memory_space<hbm>>, %arg4: memref<10240x128xf32, #tpu.memory_space<vmem_shared>>, %arg5: memref<128xi32, #tpu.memory_space<vmem>>, %arg6: memref<128xi32, #tpu.memory_space<vmem>>, %arg7: memref<128xi32, #tpu.memory_space<vmem>>, %arg8: memref<128xi32, #tpu.memory_space<vmem>>, %arg9: memref<128x128xf32, #tpu.memory_space<vmem>>, %arg10: memref<!tpu.dma_semaphore, #tpu.memory_space<semaphore_mem>>, %arg11: memref<!tpu.dma_semaphore, #tpu.memory_space<semaphore_mem>>) attributes {dimension_semantics = [#tpu.dimension_semantics<core_parallel>, #tpu.dimension_semantics<subcore_parallel>], iteration_bounds = array<i64: 2, 16>, scalar_prefetch = 0 : i64, scratch_operands = 8 : i64, tpu.core_type = #tpu.core_type<sc_vector_subcore>, window_params = [{transform_indices = #map}, {transform_indices = #map1}]} {
    %mul3A = arith.constant 2 : i32
    %mul3A_0 = arith.muli %arg1, %mul3A : i32
    %add3A = arith.addi %mul3A_0, %arg0 : i32
    %broadcast_in_dim3A = arith.constant 1.000000e+00 : f32
    %broadcast_in_dim3A_1 = vector.broadcast %broadcast_in_dim3A : f32 to vector<16xf32>
    %broadcast_in_dim3A_2 = arith.constant 0.000000e+00 : f32
    %broadcast_in_dim3A_3 = vector.broadcast %broadcast_in_dim3A_2 : f32 to vector<16xf32>
    %scan3A = arith.constant 0 : i32
    %scan3A_4 = arith.constant 0 : i32
    %scan3A_5 = arith.constant 128 : i32
    %scan3A_6 = arith.addi %scan3A_4, %scan3A_5 : i32
    %scan3A_7 = arith.constant 1 : i32
    %scan3A_8 = scf.for %scan3A_68 = %scan3A_4 to %scan3A_6 step %scan3A_7 iter_args(%scan3A_69 = %scan3A) -> (i32)  : i32 {
      %swap3A = arith.index_cast %scan3A_68 : i32 to index
      %swap3A_70 = arith.constant 0 : index
      %swap3A_71 = tpu.vector_load %arg9[%swap3A, %swap3A_70] {strides = array<i32>} : memref<128x128xf32, #tpu.memory_space<vmem>>, vector<1x16xf32>,
      %swap3A_72 = vector.shape_cast %swap3A_71 : vector<1x16xf32> to vector<16xf32>
      %swap3A_73 = vector.shape_cast %broadcast_in_dim3A_3 : vector<16xf32> to vector<1x16xf32>
      tpu.vector_store %arg9[%swap3A, %swap3A_70], %swap3A_73 {strides = array<i32>} : memref<128x128xf32, #tpu.memory_space<vmem>>, vector<1x16xf32>,
      %swap3A_74 = arith.index_cast %scan3A_68 : i32 to index
      %swap3A_75 = arith.constant 16 : index
      %swap3A_76 = tpu.vector_load %arg9[%swap3A_74, %swap3A_75] {strides = array<i32>} : memref<128x128xf32, #tpu.memory_space<vmem>>, vector<1x16xf32>,
      %swap3A_77 = vector.shape_cast %swap3A_76 : vector<1x16xf32> to vector<16xf32>
      %swap3A_78 = vector.shape_cast %broadcast_in_dim3A_3 : vector<16xf32> to vector<1x16xf32>
      tpu.vector_store %arg9[%swap3A_74, %swap3A_75], %swap3A_78 {strides = array<i32>} : memref<128x128xf32, #tpu.memory_space<vmem>>, vector<1x16xf32>,
      %swap3A_79 = arith.index_cast %scan3A_68 : i32 to index
      %swap3A_80 = arith.constant 32 : index
      %swap3A_81 = tpu.vector_load %arg9[%swap3A_79, %swap3A_80] {strides = array<i32>} : memref<128x128xf32, #tpu.memory_space<vmem>>, vector<1x16xf32>,
      %swap3A_82 = vector.shape_cast %swap3A_81 : vector<1x16xf32> to vector<16xf32>
      %swap3A_83 = vector.shape_cast %broadcast_in_dim3A_3 : vector<16xf32> to vector<1x16xf32>
      tpu.vector_store %arg9[%swap3A_79, %swap3A_80], %swap3A_83 {strides = array<i32>} : memref<128x128xf32, #tpu.memory_space<vmem>>, vector<1x16xf32>,
      %swap3A_84 = arith.index_cast %scan3A_68 : i32 to index
      %swap3A_85 = arith.constant 48 : index
      %swap3A_86 = tpu.vector_load %arg9[%swap3A_84, %swap3A_85] {strides = array<i32>} : memref<128x128xf32, #tpu.memory_space<vmem>>, vector<1x16xf32>,
      %swap3A_87 = vector.shape_cast %swap3A_86 : vector<1x16xf32> to vector<16xf32>
      %swap3A_88 = vector.shape_cast %broadcast_in_dim3A_3 : vector<16xf32> to vector<1x16xf32>
      tpu.vector_store %arg9[%swap3A_84, %swap3A_85], %swap3A_88 {strides = array<i32>} : memref<128x128xf32, #tpu.memory_space<vmem>>, vector<1x16xf32>,
      %swap3A_89 = arith.index_cast %scan3A_68 : i32 to index
      %swap3A_90 = arith.constant 64 : index
      %swap3A_91 = tpu.vector_load %arg9[%swap3A_89, %swap3A_90] {strides = array<i32>} : memref<128x128xf32, #tpu.memory_space<vmem>>, vector<1x16xf32>,
      %swap3A_92 = vector.shape_cast %swap3A_91 : vector<1x16xf32> to vector<16xf32>
      %swap3A_93 = vector.shape_cast %broadcast_in_dim3A_3 : vector<16xf32> to vector<1x16xf32>
      tpu.vector_store %arg9[%swap3A_89, %swap3A_90], %swap3A_93 {strides = array<i32>} : memref<128x128xf32, #tpu.memory_space<vmem>>, vector<1x16xf32>,
      %swap3A_94 = arith.index_cast %scan3A_68 : i32 to index
      %swap3A_95 = arith.constant 80 : index
      %swap3A_96 = tpu.vector_load %arg9[%swap3A_94, %swap3A_95] {strides = array<i32>} : memref<128x128xf32, #tpu.memory_space<vmem>>, vector<1x16xf32>,
      %swap3A_97 = vector.shape_cast %swap3A_96 : vector<1x16xf32> to vector<16xf32>
      %swap3A_98 = vector.shape_cast %broadcast_in_dim3A_3 : vector<16xf32> to vector<1x16xf32>
      tpu.vector_store %arg9[%swap3A_94, %swap3A_95], %swap3A_98 {strides = array<i32>} : memref<128x128xf32, #tpu.memory_space<vmem>>, vector<1x16xf32>,
      %swap3A_99 = arith.index_cast %scan3A_68 : i32 to index
      %swap3A_100 = arith.constant 96 : index
      %swap3A_101 = tpu.vector_load %arg9[%swap3A_99, %swap3A_100] {strides = array<i32>} : memref<128x128xf32, #tpu.memory_space<vmem>>, vector<1x16xf32>,
      %swap3A_102 = vector.shape_cast %swap3A_101 : vector<1x16xf32> to vector<16xf32>
      %swap3A_103 = vector.shape_cast %broadcast_in_dim3A_3 : vector<16xf32> to vector<1x16xf32>
      tpu.vector_store %arg9[%swap3A_99, %swap3A_100], %swap3A_103 {strides = array<i32>} : memref<128x128xf32, #tpu.memory_space<vmem>>, vector<1x16xf32>,
      %swap3A_104 = arith.index_cast %scan3A_68 : i32 to index
      %swap3A_105 = arith.constant 112 : index
      %swap3A_106 = tpu.vector_load %arg9[%swap3A_104, %swap3A_105] {strides = array<i32>} : memref<128x128xf32, #tpu.memory_space<vmem>>, vector<1x16xf32>,
      %swap3A_107 = vector.shape_cast %swap3A_106 : vector<1x16xf32> to vector<16xf32>
      %swap3A_108 = vector.shape_cast %broadcast_in_dim3A_3 : vector<16xf32> to vector<1x16xf32>
      tpu.vector_store %arg9[%swap3A_104, %swap3A_105], %swap3A_108 {strides = array<i32>} : memref<128x128xf32, #tpu.memory_space<vmem>>, vector<1x16xf32>,
      %scan3A_109 = arith.constant 0 : i32
      scf.yield %scan3A_109 : i32
    }
    %scan3A_9 = arith.constant 128 : i32
    %mul3A_10 = arith.constant 640 : i32
    %mul3A_11 = arith.muli %arg1, %mul3A_10 : i32
    %add3A_12 = arith.constant 0 : i32
    %add3A_13 = arith.addi %mul3A_11, %add3A_12 : i32
    "tpu.region"() ({
      %run_scoped3A = tpu.sem_alloc : memref<!tpu.dma_semaphore, #tpu.memory_space<semaphore_mem>>
      %dma_start3A_68 = arith.constant 0 : i32
      %dma_start3A_69 = tpu.memref_slice %arg4[%add3A_13, %dma_start3A_68] : memref<10240x128xf32, #tpu.memory_space<vmem_shared>> -> memref<128x128xf32, #tpu.memory_space<vmem_shared>>
      %dma_start3A_70 = arith.constant 0 : i32
      %dma_start3A_71 = tpu.memref_slice %arg4[%add3A_13, %dma_start3A_70] : memref<10240x128xf32, #tpu.memory_space<vmem_shared>> -> memref<128x128xf32, #tpu.memory_space<vmem_shared>>
      tpu.enqueue_dma source(%arg9 : memref<128x128xf32, #tpu.memory_space<vmem>>) target(%dma_start3A_71 : memref<128x128xf32, #tpu.memory_space<vmem_shared>>) target_semaphore(%run_scoped3A : memref<!tpu.dma_semaphore, #tpu.memory_space<semaphore_mem>>)
      %dma_wait3A_72 = arith.constant 0 : i32
      %dma_wait3A_73 = tpu.memref_slice %arg4[%add3A_13, %dma_wait3A_72] : memref<10240x128xf32, #tpu.memory_space<vmem_shared>> -> memref<128x128xf32, #tpu.memory_space<vmem_shared>>
      %dma_wait3A_74 = arith.constant 0 : i32
      %dma_wait3A_75 = tpu.memref_slice %arg4[%add3A_13, %dma_wait3A_74] : memref<10240x128xf32, #tpu.memory_space<vmem_shared>> -> memref<128x128xf32, #tpu.memory_space<vmem_shared>>
      tpu.wait_dma2 semaphore(%run_scoped3A : memref<!tpu.dma_semaphore, #tpu.memory_space<semaphore_mem>>) src(%arg9 : memref<128x128xf32, #tpu.memory_space<vmem>>) dst(%dma_wait3A_75 : memref<128x128xf32, #tpu.memory_space<vmem_shared>>)
      tpu.yield
    }) : () -> ()
    %add3A_14 = arith.constant 128 : i32
    %add3A_15 = arith.addi %mul3A_11, %add3A_14 : i32
    "tpu.region"() ({
      %run_scoped3A = tpu.sem_alloc : memref<!tpu.dma_semaphore, #tpu.memory_space<semaphore_mem>>
      %dma_start3A_68 = arith.constant 0 : i32
      %dma_start3A_69 = tpu.memref_slice %arg4[%add3A_15, %dma_start3A_68] : memref<10240x128xf32, #tpu.memory_space<vmem_shared>> -> memref<128x128xf32, #tpu.memory_space<vmem_shared>>
      %dma_start3A_70 = arith.constant 0 : i32
      %dma_start3A_71 = tpu.memref_slice %arg4[%add3A_15, %dma_start3A_70] : memref<10240x128xf32, #tpu.memory_space<vmem_shared>> -> memref<128x128xf32, #tpu.memory_space<vmem_shared>>
      tpu.enqueue_dma source(%arg9 : memref<128x128xf32, #tpu.memory_space<vmem>>) target(%dma_start3A_71 : memref<128x128xf32, #tpu.memory_space<vmem_shared>>) target_semaphore(%run_scoped3A : memref<!tpu.dma_semaphore, #tpu.memory_space<semaphore_mem>>)
      %dma_wait3A_72 = arith.constant 0 : i32
      %dma_wait3A_73 = tpu.memref_slice %arg4[%add3A_15, %dma_wait3A_72] : memref<10240x128xf32, #tpu.memory_space<vmem_shared>> -> memref<128x128xf32, #tpu.memory_space<vmem_shared>>
      %dma_wait3A_74 = arith.constant 0 : i32
      %dma_wait3A_75 = tpu.memref_slice %arg4[%add3A_15, %dma_wait3A_74] : memref<10240x128xf32, #tpu.memory_space<vmem_shared>> -> memref<128x128xf32, #tpu.memory_space<vmem_shared>>
      tpu.wait_dma2 semaphore(%run_scoped3A : memref<!tpu.dma_semaphore, #tpu.memory_space<semaphore_mem>>) src(%arg9 : memref<128x128xf32, #tpu.memory_space<vmem>>) dst(%dma_wait3A_75 : memref<128x128xf32, #tpu.memory_space<vmem_shared>>)
      tpu.yield
    }) : () -> ()
    %add3A_16 = arith.constant 256 : i32
    %add3A_17 = arith.addi %mul3A_11, %add3A_16 : i32
    "tpu.region"() ({
      %run_scoped3A = tpu.sem_alloc : memref<!tpu.dma_semaphore, #tpu.memory_space<semaphore_mem>>
      %dma_start3A_68 = arith.constant 0 : i32
      %dma_start3A_69 = tpu.memref_slice %arg4[%add3A_17, %dma_start3A_68] : memref<10240x128xf32, #tpu.memory_space<vmem_shared>> -> memref<128x128xf32, #tpu.memory_space<vmem_shared>>
      %dma_start3A_70 = arith.constant 0 : i32
      %dma_start3A_71 = tpu.memref_slice %arg4[%add3A_17, %dma_start3A_70] : memref<10240x128xf32, #tpu.memory_space<vmem_shared>> -> memref<128x128xf32, #tpu.memory_space<vmem_shared>>
      tpu.enqueue_dma source(%arg9 : memref<128x128xf32, #tpu.memory_space<vmem>>) target(%dma_start3A_71 : memref<128x128xf32, #tpu.memory_space<vmem_shared>>) target_semaphore(%run_scoped3A : memref<!tpu.dma_semaphore, #tpu.memory_space<semaphore_mem>>)
      %dma_wait3A_72 = arith.constant 0 : i32
      %dma_wait3A_73 = tpu.memref_slice %arg4[%add3A_17, %dma_wait3A_72] : memref<10240x128xf32, #tpu.memory_space<vmem_shared>> -> memref<128x128xf32, #tpu.memory_space<vmem_shared>>
      %dma_wait3A_74 = arith.constant 0 : i32
      %dma_wait3A_75 = tpu.memref_slice %arg4[%add3A_17, %dma_wait3A_74] : memref<10240x128xf32, #tpu.memory_space<vmem_shared>> -> memref<128x128xf32, #tpu.memory_space<vmem_shared>>
      tpu.wait_dma2 semaphore(%run_scoped3A : memref<!tpu.dma_semaphore, #tpu.memory_space<semaphore_mem>>) src(%arg9 : memref<128x128xf32, #tpu.memory_space<vmem>>) dst(%dma_wait3A_75 : memref<128x128xf32, #tpu.memory_space<vmem_shared>>)
      tpu.yield
    }) : () -> ()
    %add3A_18 = arith.constant 384 : i32
    %add3A_19 = arith.addi %mul3A_11, %add3A_18 : i32
    "tpu.region"() ({
      %run_scoped3A = tpu.sem_alloc : memref<!tpu.dma_semaphore, #tpu.memory_space<semaphore_mem>>
      %dma_start3A_68 = arith.constant 0 : i32
      %dma_start3A_69 = tpu.memref_slice %arg4[%add3A_19, %dma_start3A_68] : memref<10240x128xf32, #tpu.memory_space<vmem_shared>> -> memref<128x128xf32, #tpu.memory_space<vmem_shared>>
      %dma_start3A_70 = arith.constant 0 : i32
      %dma_start3A_71 = tpu.memref_slice %arg4[%add3A_19, %dma_start3A_70] : memref<10240x128xf32, #tpu.memory_space<vmem_shared>> -> memref<128x128xf32, #tpu.memory_space<vmem_shared>>
      tpu.enqueue_dma source(%arg9 : memref<128x128xf32, #tpu.memory_space<vmem>>) target(%dma_start3A_71 : memref<128x128xf32, #tpu.memory_space<vmem_shared>>) target_semaphore(%run_scoped3A : memref<!tpu.dma_semaphore, #tpu.memory_space<semaphore_mem>>)
      %dma_wait3A_72 = arith.constant 0 : i32
      %dma_wait3A_73 = tpu.memref_slice %arg4[%add3A_19, %dma_wait3A_72] : memref<10240x128xf32, #tpu.memory_space<vmem_shared>> -> memref<128x128xf32, #tpu.memory_space<vmem_shared>>
      %dma_wait3A_74 = arith.constant 0 : i32
      %dma_wait3A_75 = tpu.memref_slice %arg4[%add3A_19, %dma_wait3A_74] : memref<10240x128xf32, #tpu.memory_space<vmem_shared>> -> memref<128x128xf32, #tpu.memory_space<vmem_shared>>
      tpu.wait_dma2 semaphore(%run_scoped3A : memref<!tpu.dma_semaphore, #tpu.memory_space<semaphore_mem>>) src(%arg9 : memref<128x128xf32, #tpu.memory_space<vmem>>) dst(%dma_wait3A_75 : memref<128x128xf32, #tpu.memory_space<vmem_shared>>)
      tpu.yield
    }) : () -> ()
    %add3A_20 = arith.constant 512 : i32
    %add3A_21 = arith.addi %mul3A_11, %add3A_20 : i32
    "tpu.region"() ({
      %run_scoped3A = tpu.sem_alloc : memref<!tpu.dma_semaphore, #tpu.memory_space<semaphore_mem>>
      %dma_start3A_68 = arith.constant 0 : i32
      %dma_start3A_69 = tpu.memref_slice %arg4[%add3A_21, %dma_start3A_68] : memref<10240x128xf32, #tpu.memory_space<vmem_shared>> -> memref<128x128xf32, #tpu.memory_space<vmem_shared>>
      %dma_start3A_70 = arith.constant 0 : i32
      %dma_start3A_71 = tpu.memref_slice %arg4[%add3A_21, %dma_start3A_70] : memref<10240x128xf32, #tpu.memory_space<vmem_shared>> -> memref<128x128xf32, #tpu.memory_space<vmem_shared>>
      tpu.enqueue_dma source(%arg9 : memref<128x128xf32, #tpu.memory_space<vmem>>) target(%dma_start3A_71 : memref<128x128xf32, #tpu.memory_space<vmem_shared>>) target_semaphore(%run_scoped3A : memref<!tpu.dma_semaphore, #tpu.memory_space<semaphore_mem>>)
      %dma_wait3A_72 = arith.constant 0 : i32
      %dma_wait3A_73 = tpu.memref_slice %arg4[%add3A_21, %dma_wait3A_72] : memref<10240x128xf32, #tpu.memory_space<vmem_shared>> -> memref<128x128xf32, #tpu.memory_space<vmem_shared>>
      %dma_wait3A_74 = arith.constant 0 : i32
      %dma_wait3A_75 = tpu.memref_slice %arg4[%add3A_21, %dma_wait3A_74] : memref<10240x128xf32, #tpu.memory_space<vmem_shared>> -> memref<128x128xf32, #tpu.memory_space<vmem_shared>>
      tpu.wait_dma2 semaphore(%run_scoped3A : memref<!tpu.dma_semaphore, #tpu.memory_space<semaphore_mem>>) src(%arg9 : memref<128x128xf32, #tpu.memory_space<vmem>>) dst(%dma_wait3A_75 : memref<128x128xf32, #tpu.memory_space<vmem_shared>>)
      tpu.yield
    }) : () -> ()
    %scan3A_22 = arith.constant 0 : i32
    %scan3A_23 = arith.constant 0 : i32
    %scan3A_24 = arith.constant 128 : i32
    %scan3A_25 = arith.addi %scan3A_23, %scan3A_24 : i32
    %scan3A_26 = arith.constant 1 : i32
    %scan3A_27 = scf.for %scan3A_68 = %scan3A_23 to %scan3A_25 step %scan3A_26 iter_args(%scan3A_69 = %scan3A_22) -> (i32)  : i32 {
      %swap3A = arith.index_cast %scan3A_68 : i32 to index
      %swap3A_70 = arith.constant 0 : index
      %swap3A_71 = tpu.vector_load %arg9[%swap3A, %swap3A_70] {strides = array<i32>} : memref<128x128xf32, #tpu.memory_space<vmem>>, vector<1x16xf32>,
      %swap3A_72 = vector.shape_cast %swap3A_71 : vector<1x16xf32> to vector<16xf32>
      %swap3A_73 = vector.shape_cast %broadcast_in_dim3A_1 : vector<16xf32> to vector<1x16xf32>
      tpu.vector_store %arg9[%swap3A, %swap3A_70], %swap3A_73 {strides = array<i32>} : memref<128x128xf32, #tpu.memory_space<vmem>>, vector<1x16xf32>,
      %swap3A_74 = arith.index_cast %scan3A_68 : i32 to index
      %swap3A_75 = arith.constant 16 : index
      %swap3A_76 = tpu.vector_load %arg9[%swap3A_74, %swap3A_75] {strides = array<i32>} : memref<128x128xf32, #tpu.memory_space<vmem>>, vector<1x16xf32>,
      %swap3A_77 = vector.shape_cast %swap3A_76 : vector<1x16xf32> to vector<16xf32>
      %swap3A_78 = vector.shape_cast %broadcast_in_dim3A_1 : vector<16xf32> to vector<1x16xf32>
      tpu.vector_store %arg9[%swap3A_74, %swap3A_75], %swap3A_78 {strides = array<i32>} : memref<128x128xf32, #tpu.memory_space<vmem>>, vector<1x16xf32>,
      %swap3A_79 = arith.index_cast %scan3A_68 : i32 to index
      %swap3A_80 = arith.constant 32 : index
      %swap3A_81 = tpu.vector_load %arg9[%swap3A_79, %swap3A_80] {strides = array<i32>} : memref<128x128xf32, #tpu.memory_space<vmem>>, vector<1x16xf32>,
      %swap3A_82 = vector.shape_cast %swap3A_81 : vector<1x16xf32> to vector<16xf32>
      %swap3A_83 = vector.shape_cast %broadcast_in_dim3A_1 : vector<16xf32> to vector<1x16xf32>
      tpu.vector_store %arg9[%swap3A_79, %swap3A_80], %swap3A_83 {strides = array<i32>} : memref<128x128xf32, #tpu.memory_space<vmem>>, vector<1x16xf32>,
      %swap3A_84 = arith.index_cast %scan3A_68 : i32 to index
      %swap3A_85 = arith.constant 48 : index
      %swap3A_86 = tpu.vector_load %arg9[%swap3A_84, %swap3A_85] {strides = array<i32>} : memref<128x128xf32, #tpu.memory_space<vmem>>, vector<1x16xf32>,
      %swap3A_87 = vector.shape_cast %swap3A_86 : vector<1x16xf32> to vector<16xf32>
      %swap3A_88 = vector.shape_cast %broadcast_in_dim3A_1 : vector<16xf32> to vector<1x16xf32>
      tpu.vector_store %arg9[%swap3A_84, %swap3A_85], %swap3A_88 {strides = array<i32>} : memref<128x128xf32, #tpu.memory_space<vmem>>, vector<1x16xf32>,
      %swap3A_89 = arith.index_cast %scan3A_68 : i32 to index
      %swap3A_90 = arith.constant 64 : index
      %swap3A_91 = tpu.vector_load %arg9[%swap3A_89, %swap3A_90] {strides = array<i32>} : memref<128x128xf32, #tpu.memory_space<vmem>>, vector<1x16xf32>,
      %swap3A_92 = vector.shape_cast %swap3A_91 : vector<1x16xf32> to vector<16xf32>
      %swap3A_93 = vector.shape_cast %broadcast_in_dim3A_1 : vector<16xf32> to vector<1x16xf32>
      tpu.vector_store %arg9[%swap3A_89, %swap3A_90], %swap3A_93 {strides = array<i32>} : memref<128x128xf32, #tpu.memory_space<vmem>>, vector<1x16xf32>,
      %swap3A_94 = arith.index_cast %scan3A_68 : i32 to index
      %swap3A_95 = arith.constant 80 : index
      %swap3A_96 = tpu.vector_load %arg9[%swap3A_94, %swap3A_95] {strides = array<i32>} : memref<128x128xf32, #tpu.memory_space<vmem>>, vector<1x16xf32>,
      %swap3A_97 = vector.shape_cast %swap3A_96 : vector<1x16xf32> to vector<16xf32>
      %swap3A_98 = vector.shape_cast %broadcast_in_dim3A_1 : vector<16xf32> to vector<1x16xf32>
      tpu.vector_store %arg9[%swap3A_94, %swap3A_95], %swap3A_98 {strides = array<i32>} : memref<128x128xf32, #tpu.memory_space<vmem>>, vector<1x16xf32>,
      %swap3A_99 = arith.index_cast %scan3A_68 : i32 to index
      %swap3A_100 = arith.constant 96 : index
      %swap3A_101 = tpu.vector_load %arg9[%swap3A_99, %swap3A_100] {strides = array<i32>} : memref<128x128xf32, #tpu.memory_space<vmem>>, vector<1x16xf32>,
      %swap3A_102 = vector.shape_cast %swap3A_101 : vector<1x16xf32> to vector<16xf32>
      %swap3A_103 = vector.shape_cast %broadcast_in_dim3A_1 : vector<16xf32> to vector<1x16xf32>
      tpu.vector_store %arg9[%swap3A_99, %swap3A_100], %swap3A_103 {strides = array<i32>} : memref<128x128xf32, #tpu.memory_space<vmem>>, vector<1x16xf32>,
      %swap3A_104 = arith.index_cast %scan3A_68 : i32 to index
      %swap3A_105 = arith.constant 112 : index
      %swap3A_106 = tpu.vector_load %arg9[%swap3A_104, %swap3A_105] {strides = array<i32>} : memref<128x128xf32, #tpu.memory_space<vmem>>, vector<1x16xf32>,
      %swap3A_107 = vector.shape_cast %swap3A_106 : vector<1x16xf32> to vector<16xf32>
      %swap3A_108 = vector.shape_cast %broadcast_in_dim3A_1 : vector<16xf32> to vector<1x16xf32>
      tpu.vector_store %arg9[%swap3A_104, %swap3A_105], %swap3A_108 {strides = array<i32>} : memref<128x128xf32, #tpu.memory_space<vmem>>, vector<1x16xf32>,
      %scan3A_109 = arith.constant 0 : i32
      scf.yield %scan3A_109 : i32
    }
    %scan3A_28 = arith.constant 128 : i32
    %barrier3A = arith.constant 0 : index
    tpu.barrier barrier_id(%barrier3A)
    %add3A_29 = arith.constant 0 : i32
    %add3A_30 = arith.addi %add3A, %add3A_29 : i32
    %min3A = arith.constant 2499 : i32
    %min3A_31 = arith.minsi %add3A_30, %min3A : i32
    %mul3A_32 = arith.constant 128 : i32
    %mul3A_33 = arith.muli %min3A_31, %mul3A_32 : i32
    %dma_start3A = tpu.memref_slice %arg2[%mul3A_33] : memref<320000xi32, #tpu.memory_space<hbm>> -> memref<128xi32, #tpu.memory_space<hbm>>
    %dma_start3A_34 = tpu.memref_slice %arg2[%mul3A_33] : memref<320000xi32, #tpu.memory_space<hbm>> -> memref<128xi32, #tpu.memory_space<hbm>>
    tpu.enqueue_dma source(%dma_start3A_34 : memref<128xi32, #tpu.memory_space<hbm>>) target(%arg5 : memref<128xi32, #tpu.memory_space<vmem>>) target_semaphore(%arg10 : memref<!tpu.dma_semaphore, #tpu.memory_space<semaphore_mem>>)
    %add3A_35 = arith.constant 32 : i32
    %add3A_36 = arith.addi %add3A, %add3A_35 : i32
    %min3A_37 = arith.constant 2499 : i32
    %min3A_38 = arith.minsi %add3A_36, %min3A_37 : i32
    %mul3A_39 = arith.constant 128 : i32
    %mul3A_40 = arith.muli %min3A_38, %mul3A_39 : i32
    %dma_start3A_41 = tpu.memref_slice %arg2[%mul3A_40] : memref<320000xi32, #tpu.memory_space<hbm>> -> memref<128xi32, #tpu.memory_space<hbm>>
    %dma_start3A_42 = tpu.memref_slice %arg2[%mul3A_40] : memref<320000xi32, #tpu.memory_space<hbm>> -> memref<128xi32, #tpu.memory_space<hbm>>
    tpu.enqueue_dma source(%dma_start3A_42 : memref<128xi32, #tpu.memory_space<hbm>>) target(%arg6 : memref<128xi32, #tpu.memory_space<vmem>>) target_semaphore(%arg11 : memref<!tpu.dma_semaphore, #tpu.memory_space<semaphore_mem>>)
    %scan3A_43 = arith.constant 0 : i32
    %scan3A_44 = arith.constant 0 : i32
    %scan3A_45 = arith.constant 20 : i32
    %scan3A_46 = arith.addi %scan3A_44, %scan3A_45 : i32
    %scan3A_47 = arith.constant 1 : i32
    %scan3A_48 = scf.for %scan3A_68 = %scan3A_44 to %scan3A_46 step %scan3A_47 iter_args(%scan3A_69 = %scan3A_43) -> (i32)  : i32 {
      %mul3A_70 = arith.constant 4 : i32
      %mul3A_71 = arith.muli %scan3A_68, %mul3A_70 : i32
      %add3A_72 = arith.constant 0 : i32
      %add3A_73 = arith.addi %mul3A_71, %add3A_72 : i32
      %dma_wait3A_74 = arith.constant 0 : i32
      %dma_wait3A_75 = tpu.memref_slice %arg2[%dma_wait3A_74] : memref<320000xi32, #tpu.memory_space<hbm>> -> memref<128xi32, #tpu.memory_space<hbm>>
      %dma_wait3A_76 = arith.constant 0 : i32
      %dma_wait3A_77 = tpu.memref_slice %arg2[%dma_wait3A_76] : memref<320000xi32, #tpu.memory_space<hbm>> -> memref<128xi32, #tpu.memory_space<hbm>>
      tpu.wait_dma2 semaphore(%arg10 : memref<!tpu.dma_semaphore, #tpu.memory_space<semaphore_mem>>) src(%dma_wait3A_77 : memref<128xi32, #tpu.memory_space<hbm>>) dst(%arg5 : memref<128xi32, #tpu.memory_space<vmem>>)
      %add3A_78 = arith.constant 2 : i32
      %add3A_79 = arith.addi %add3A_73, %add3A_78 : i32
      %mul3A_80 = arith.constant 32 : i32
      %mul3A_81 = arith.muli %add3A_79, %mul3A_80 : i32
      %add3A_82 = arith.addi %add3A, %mul3A_81 : i32
      %min3A_83 = arith.constant 2499 : i32
      %min3A_84 = arith.minsi %add3A_82, %min3A_83 : i32
      %mul3A_85 = arith.constant 128 : i32
      %mul3A_86 = arith.muli %min3A_84, %mul3A_85 : i32
      %dma_start3A_87 = tpu.memref_slice %arg2[%mul3A_86] : memref<320000xi32, #tpu.memory_space<hbm>> -> memref<128xi32, #tpu.memory_space<hbm>>
      %dma_start3A_88 = tpu.memref_slice %arg2[%mul3A_86] : memref<320000xi32, #tpu.memory_space<hbm>> -> memref<128xi32, #tpu.memory_space<hbm>>
      tpu.enqueue_dma source(%dma_start3A_88 : memref<128xi32, #tpu.memory_space<hbm>>) target(%arg7 : memref<128xi32, #tpu.memory_space<vmem>>) target_semaphore(%arg10 : memref<!tpu.dma_semaphore, #tpu.memory_space<semaphore_mem>>)
      %mul3A_89 = arith.constant 32 : i32
      %mul3A_90 = arith.muli %add3A_73, %mul3A_89 : i32
      %add3A_91 = arith.addi %add3A, %mul3A_90 : i32
      %lt3A = arith.constant 2500 : i32
      %lt3A_92 = arith.cmpi slt, %add3A_91, %lt3A : i32
      %convert_element_type3A = arith.extui %lt3A_92 : i1 to i32
      %cond3A = arith.constant 0 : i32
      %cond3A_93 = arith.cmpi ne, %convert_element_type3A, %cond3A : i32
      scf.if %cond3A_93 {
        "tpu.region"() ({
          %run_scoped3A = tpu.sem_alloc : memref<!tpu.dma_semaphore, #tpu.memory_space<semaphore_mem>>
          %dma_start3A_170 = arith.constant 0 : i32
          %dma_start3A_171 = arith.constant 0 : i32
          %dma_start3A_172 = tpu.memref_slice %arg4[%dma_start3A_170, %dma_start3A_171] : memref<10240x128xf32, #tpu.memory_space<vmem_shared>> -> memref<10240x128xf32, #tpu.memory_space<vmem_shared>>
          tpu.enqueue_indirect_dma source(%arg9 : memref<128x128xf32, #tpu.memory_space<vmem>>) target(%dma_start3A_172 : memref<10240x128xf32, #tpu.memory_space<vmem_shared>>) offsets(%arg5 : memref<128xi32, #tpu.memory_space<vmem>>) semaphore(%run_scoped3A : memref<!tpu.dma_semaphore, #tpu.memory_space<semaphore_mem>>) {add = true}
          %dma_wait3A_173 = arith.constant 0 : i32
          %dma_wait3A_174 = arith.constant 0 : i32
          %dma_wait3A_175 = tpu.memref_slice %arg4[%dma_wait3A_173, %dma_wait3A_174] : memref<10240x128xf32, #tpu.memory_space<vmem_shared>> -> memref<10240x128xf32, #tpu.memory_space<vmem_shared>>
          tpu.wait_indirect_dma semaphore(%run_scoped3A : memref<!tpu.dma_semaphore, #tpu.memory_space<semaphore_mem>>) src(%arg9 : memref<128x128xf32, #tpu.memory_space<vmem>>) dst(%dma_wait3A_175 : memref<10240x128xf32, #tpu.memory_space<vmem_shared>>)
          tpu.yield
        }) : () -> ()
      } else {
      }
      %add3A_94 = arith.constant 1 : i32
      %add3A_95 = arith.addi %mul3A_71, %add3A_94 : i32
      %dma_wait3A_96 = arith.constant 0 : i32
      %dma_wait3A_97 = tpu.memref_slice %arg2[%dma_wait3A_96] : memref<320000xi32, #tpu.memory_space<hbm>> -> memref<128xi32, #tpu.memory_space<hbm>>
      %dma_wait3A_98 = arith.constant 0 : i32
      %dma_wait3A_99 = tpu.memref_slice %arg2[%dma_wait3A_98] : memref<320000xi32, #tpu.memory_space<hbm>> -> memref<128xi32, #tpu.memory_space<hbm>>
      tpu.wait_dma2 semaphore(%arg11 : memref<!tpu.dma_semaphore, #tpu.memory_space<semaphore_mem>>) src(%dma_wait3A_99 : memref<128xi32, #tpu.memory_space<hbm>>) dst(%arg6 : memref<128xi32, #tpu.memory_space<vmem>>)
      %add3A_100 = arith.constant 2 : i32
      %add3A_101 = arith.addi %add3A_95, %add3A_100 : i32
      %mul3A_102 = arith.constant 32 : i32
      %mul3A_103 = arith.muli %add3A_101, %mul3A_102 : i32
      %add3A_104 = arith.addi %add3A, %mul3A_103 : i32
      %min3A_105 = arith.constant 2499 : i32
      %min3A_106 = arith.minsi %add3A_104, %min3A_105 : i32
      %mul3A_107 = arith.constant 128 : i32
      %mul3A_108 = arith.muli %min3A_106, %mul3A_107 : i32
      %dma_start3A_109 = tpu.memref_slice %arg2[%mul3A_108] : memref<320000xi32, #tpu.memory_space<hbm>> -> memref<128xi32, #tpu.memory_space<hbm>>
      %dma_start3A_110 = tpu.memref_slice %arg2[%mul3A_108] : memref<320000xi32, #tpu.memory_space<hbm>> -> memref<128xi32, #tpu.memory_space<hbm>>
      tpu.enqueue_dma source(%dma_start3A_110 : memref<128xi32, #tpu.memory_space<hbm>>) target(%arg8 : memref<128xi32, #tpu.memory_space<vmem>>) target_semaphore(%arg11 : memref<!tpu.dma_semaphore, #tpu.memory_space<semaphore_mem>>)
      %mul3A_111 = arith.constant 32 : i32
      %mul3A_112 = arith.muli %add3A_95, %mul3A_111 : i32
      %add3A_113 = arith.addi %add3A, %mul3A_112 : i32
      %lt3A_114 = arith.constant 2500 : i32
      %lt3A_115 = arith.cmpi slt, %add3A_113, %lt3A_114 : i32
      %convert_element_type3A_116 = arith.extui %lt3A_115 : i1 to i32
      %cond3A_117 = arith.constant 0 : i32
      %cond3A_118 = arith.cmpi ne, %convert_element_type3A_116, %cond3A_117 : i32
      scf.if %cond3A_118 {
        "tpu.region"() ({
          %run_scoped3A = tpu.sem_alloc : memref<!tpu.dma_semaphore, #tpu.memory_space<semaphore_mem>>
          %dma_start3A_170 = arith.constant 0 : i32
          %dma_start3A_171 = arith.constant 0 : i32
          %dma_start3A_172 = tpu.memref_slice %arg4[%dma_start3A_170, %dma_start3A_171] : memref<10240x128xf32, #tpu.memory_space<vmem_shared>> -> memref<10240x128xf32, #tpu.memory_space<vmem_shared>>
          tpu.enqueue_indirect_dma source(%arg9 : memref<128x128xf32, #tpu.memory_space<vmem>>) target(%dma_start3A_172 : memref<10240x128xf32, #tpu.memory_space<vmem_shared>>) offsets(%arg6 : memref<128xi32, #tpu.memory_space<vmem>>) semaphore(%run_scoped3A : memref<!tpu.dma_semaphore, #tpu.memory_space<semaphore_mem>>) {add = true}
          %dma_wait3A_173 = arith.constant 0 : i32
          %dma_wait3A_174 = arith.constant 0 : i32
          %dma_wait3A_175 = tpu.memref_slice %arg4[%dma_wait3A_173, %dma_wait3A_174] : memref<10240x128xf32, #tpu.memory_space<vmem_shared>> -> memref<10240x128xf32, #tpu.memory_space<vmem_shared>>
          tpu.wait_indirect_dma semaphore(%run_scoped3A : memref<!tpu.dma_semaphore, #tpu.memory_space<semaphore_mem>>) src(%arg9 : memref<128x128xf32, #tpu.memory_space<vmem>>) dst(%dma_wait3A_175 : memref<10240x128xf32, #tpu.memory_space<vmem_shared>>)
          tpu.yield
        }) : () -> ()
      } else {
      }
      %add3A_119 = arith.constant 2 : i32
      %add3A_120 = arith.addi %mul3A_71, %add3A_119 : i32
      %dma_wait3A_121 = arith.constant 0 : i32
      %dma_wait3A_122 = tpu.memref_slice %arg2[%dma_wait3A_121] : memref<320000xi32, #tpu.memory_space<hbm>> -> memref<128xi32, #tpu.memory_space<hbm>>
      %dma_wait3A_123 = arith.constant 0 : i32
      %dma_wait3A_124 = tpu.memref_slice %arg2[%dma_wait3A_123] : memref<320000xi32, #tpu.memory_space<hbm>> -> memref<128xi32, #tpu.memory_space<hbm>>
      tpu.wait_dma2 semaphore(%arg10 : memref<!tpu.dma_semaphore, #tpu.memory_space<semaphore_mem>>) src(%dma_wait3A_124 : memref<128xi32, #tpu.memory_space<hbm>>) dst(%arg7 : memref<128xi32, #tpu.memory_space<vmem>>)
      %add3A_125 = arith.constant 2 : i32
      %add3A_126 = arith.addi %add3A_120, %add3A_125 : i32
      %mul3A_127 = arith.constant 32 : i32
      %mul3A_128 = arith.muli %add3A_126, %mul3A_127 : i32
      %add3A_129 = arith.addi %add3A, %mul3A_128 : i32
      %min3A_130 = arith.constant 2499 : i32
      %min3A_131 = arith.minsi %add3A_129, %min3A_130 : i32
      %mul3A_132 = arith.constant 128 : i32
      %mul3A_133 = arith.muli %min3A_131, %mul3A_132 : i32
      %dma_start3A_134 = tpu.memref_slice %arg2[%mul3A_133] : memref<320000xi32, #tpu.memory_space<hbm>> -> memref<128xi32, #tpu.memory_space<hbm>>
      %dma_start3A_135 = tpu.memref_slice %arg2[%mul3A_133] : memref<320000xi32, #tpu.memory_space<hbm>> -> memref<128xi32, #tpu.memory_space<hbm>>
      tpu.enqueue_dma source(%dma_start3A_135 : memref<128xi32, #tpu.memory_space<hbm>>) target(%arg5 : memref<128xi32, #tpu.memory_space<vmem>>) target_semaphore(%arg10 : memref<!tpu.dma_semaphore, #tpu.memory_space<semaphore_mem>>)
      %mul3A_136 = arith.constant 32 : i32
      %mul3A_137 = arith.muli %add3A_120, %mul3A_136 : i32
      %add3A_138 = arith.addi %add3A, %mul3A_137 : i32
      %lt3A_139 = arith.constant 2500 : i32
      %lt3A_140 = arith.cmpi slt, %add3A_138, %lt3A_139 : i32
      %convert_element_type3A_141 = arith.extui %lt3A_140 : i1 to i32
      %cond3A_142 = arith.constant 0 : i32
      %cond3A_143 = arith.cmpi ne, %convert_element_type3A_141, %cond3A_142 : i32
      scf.if %cond3A_143 {
        "tpu.region"() ({
          %run_scoped3A = tpu.sem_alloc : memref<!tpu.dma_semaphore, #tpu.memory_space<semaphore_mem>>
          %dma_start3A_170 = arith.constant 0 : i32
          %dma_start3A_171 = arith.constant 0 : i32
          %dma_start3A_172 = tpu.memref_slice %arg4[%dma_start3A_170, %dma_start3A_171] : memref<10240x128xf32, #tpu.memory_space<vmem_shared>> -> memref<10240x128xf32, #tpu.memory_space<vmem_shared>>
          tpu.enqueue_indirect_dma source(%arg9 : memref<128x128xf32, #tpu.memory_space<vmem>>) target(%dma_start3A_172 : memref<10240x128xf32, #tpu.memory_space<vmem_shared>>) offsets(%arg7 : memref<128xi32, #tpu.memory_space<vmem>>) semaphore(%run_scoped3A : memref<!tpu.dma_semaphore, #tpu.memory_space<semaphore_mem>>) {add = true}
          %dma_wait3A_173 = arith.constant 0 : i32
          %dma_wait3A_174 = arith.constant 0 : i32
          %dma_wait3A_175 = tpu.memref_slice %arg4[%dma_wait3A_173, %dma_wait3A_174] : memref<10240x128xf32, #tpu.memory_space<vmem_shared>> -> memref<10240x128xf32, #tpu.memory_space<vmem_shared>>
          tpu.wait_indirect_dma semaphore(%run_scoped3A : memref<!tpu.dma_semaphore, #tpu.memory_space<semaphore_mem>>) src(%arg9 : memref<128x128xf32, #tpu.memory_space<vmem>>) dst(%dma_wait3A_175 : memref<10240x128xf32, #tpu.memory_space<vmem_shared>>)
          tpu.yield
        }) : () -> ()
      } else {
      }
      %add3A_144 = arith.constant 3 : i32
      %add3A_145 = arith.addi %mul3A_71, %add3A_144 : i32
      %dma_wait3A_146 = arith.constant 0 : i32
      %dma_wait3A_147 = tpu.memref_slice %arg2[%dma_wait3A_146] : memref<320000xi32, #tpu.memory_space<hbm>> -> memref<128xi32, #tpu.memory_space<hbm>>
      %dma_wait3A_148 = arith.constant 0 : i32
      %dma_wait3A_149 = tpu.memref_slice %arg2[%dma_wait3A_148] : memref<320000xi32, #tpu.memory_space<hbm>> -> memref<128xi32, #tpu.memory_space<hbm>>
      tpu.wait_dma2 semaphore(%arg11 : memref<!tpu.dma_semaphore, #tpu.memory_space<semaphore_mem>>) src(%dma_wait3A_149 : memref<128xi32, #tpu.memory_space<hbm>>) dst(%arg8 : memref<128xi32, #tpu.memory_space<vmem>>)
      %add3A_150 = arith.constant 2 : i32
      %add3A_151 = arith.addi %add3A_145, %add3A_150 : i32
      %mul3A_152 = arith.constant 32 : i32
      %mul3A_153 = arith.muli %add3A_151, %mul3A_152 : i32
      %add3A_154 = arith.addi %add3A, %mul3A_153 : i32
      %min3A_155 = arith.constant 2499 : i32
      %min3A_156 = arith.minsi %add3A_154, %min3A_155 : i32
      %mul3A_157 = arith.constant 128 : i32
      %mul3A_158 = arith.muli %min3A_156, %mul3A_157 : i32
      %dma_start3A_159 = tpu.memref_slice %arg2[%mul3A_158] : memref<320000xi32, #tpu.memory_space<hbm>> -> memref<128xi32, #tpu.memory_space<hbm>>
      %dma_start3A_160 = tpu.memref_slice %arg2[%mul3A_158] : memref<320000xi32, #tpu.memory_space<hbm>> -> memref<128xi32, #tpu.memory_space<hbm>>
      tpu.enqueue_dma source(%dma_start3A_160 : memref<128xi32, #tpu.memory_space<hbm>>) target(%arg6 : memref<128xi32, #tpu.memory_space<vmem>>) target_semaphore(%arg11 : memref<!tpu.dma_semaphore, #tpu.memory_space<semaphore_mem>>)
      %mul3A_161 = arith.constant 32 : i32
      %mul3A_162 = arith.muli %add3A_145, %mul3A_161 : i32
      %add3A_163 = arith.addi %add3A, %mul3A_162 : i32
      %lt3A_164 = arith.constant 2500 : i32
      %lt3A_165 = arith.cmpi slt, %add3A_163, %lt3A_164 : i32
      %convert_element_type3A_166 = arith.extui %lt3A_165 : i1 to i32
      %cond3A_167 = arith.constant 0 : i32
      %cond3A_168 = arith.cmpi ne, %convert_element_type3A_166, %cond3A_167 : i32
      scf.if %cond3A_168 {
        "tpu.region"() ({
          %run_scoped3A = tpu.sem_alloc : memref<!tpu.dma_semaphore, #tpu.memory_space<semaphore_mem>>
          %dma_start3A_170 = arith.constant 0 : i32
          %dma_start3A_171 = arith.constant 0 : i32
          %dma_start3A_172 = tpu.memref_slice %arg4[%dma_start3A_170, %dma_start3A_171] : memref<10240x128xf32, #tpu.memory_space<vmem_shared>> -> memref<10240x128xf32, #tpu.memory_space<vmem_shared>>
          tpu.enqueue_indirect_dma source(%arg9 : memref<128x128xf32, #tpu.memory_space<vmem>>) target(%dma_start3A_172 : memref<10240x128xf32, #tpu.memory_space<vmem_shared>>) offsets(%arg8 : memref<128xi32, #tpu.memory_space<vmem>>) semaphore(%run_scoped3A : memref<!tpu.dma_semaphore, #tpu.memory_space<semaphore_mem>>) {add = true}
          %dma_wait3A_173 = arith.constant 0 : i32
          %dma_wait3A_174 = arith.constant 0 : i32
          %dma_wait3A_175 = tpu.memref_slice %arg4[%dma_wait3A_173, %dma_wait3A_174] : memref<10240x128xf32, #tpu.memory_space<vmem_shared>> -> memref<10240x128xf32, #tpu.memory_space<vmem_shared>>
          tpu.wait_indirect_dma semaphore(%run_scoped3A : memref<!tpu.dma_semaphore, #tpu.memory_space<semaphore_mem>>) src(%arg9 : memref<128x128xf32, #tpu.memory_space<vmem>>) dst(%dma_wait3A_175 : memref<10240x128xf32, #tpu.memory_space<vmem_shared>>)
          tpu.yield
        }) : () -> ()
      } else {
      }
      %scan3A_169 = arith.constant 0 : i32
      scf.yield %scan3A_169 : i32
    }
    %scan3A_49 = arith.constant 20 : i32
    %dma_wait3A = arith.constant 0 : i32
    %dma_wait3A_50 = tpu.memref_slice %arg2[%dma_wait3A] : memref<320000xi32, #tpu.memory_space<hbm>> -> memref<128xi32, #tpu.memory_space<hbm>>
    %dma_wait3A_51 = arith.constant 0 : i32
    %dma_wait3A_52 = tpu.memref_slice %arg2[%dma_wait3A_51] : memref<320000xi32, #tpu.memory_space<hbm>> -> memref<128xi32, #tpu.memory_space<hbm>>
    tpu.wait_dma2 semaphore(%arg10 : memref<!tpu.dma_semaphore, #tpu.memory_space<semaphore_mem>>) src(%dma_wait3A_52 : memref<128xi32, #tpu.memory_space<hbm>>) dst(%arg5 : memref<128xi32, #tpu.memory_space<vmem>>)
    %dma_wait3A_53 = arith.constant 0 : i32
    %dma_wait3A_54 = tpu.memref_slice %arg2[%dma_wait3A_53] : memref<320000xi32, #tpu.memory_space<hbm>> -> memref<128xi32, #tpu.memory_space<hbm>>
    %dma_wait3A_55 = arith.constant 0 : i32
    %dma_wait3A_56 = tpu.memref_slice %arg2[%dma_wait3A_55] : memref<320000xi32, #tpu.memory_space<hbm>> -> memref<128xi32, #tpu.memory_space<hbm>>
    tpu.wait_dma2 semaphore(%arg11 : memref<!tpu.dma_semaphore, #tpu.memory_space<semaphore_mem>>) src(%dma_wait3A_56 : memref<128xi32, #tpu.memory_space<hbm>>) dst(%arg6 : memref<128xi32, #tpu.memory_space<vmem>>)
    %barrier3A_57 = arith.constant 0 : index
    tpu.barrier barrier_id(%barrier3A_57)
    %add3A_58 = arith.constant 0 : i32
    %add3A_59 = arith.addi %mul3A_11, %add3A_58 : i32
    "tpu.region"() ({
      %run_scoped3A = tpu.sem_alloc : memref<!tpu.dma_semaphore, #tpu.memory_space<semaphore_mem>>
      %dma_start3A_68 = arith.constant 0 : i32
      %dma_start3A_69 = tpu.memref_slice %arg3[%arg0, %add3A_59, %dma_start3A_68] : memref<2x10240x128xf32, #tpu.memory_space<hbm>> -> memref<1x128x128xf32, #tpu.memory_space<hbm>>
      %dma_start3A_70 = tpu.memref_squeeze %dma_start3A_69 : memref<1x128x128xf32, #tpu.memory_space<hbm>> -> memref<128x128xf32, #tpu.memory_space<hbm>>
      %dma_start3A_71 = arith.constant 0 : i32
      %dma_start3A_72 = tpu.memref_slice %arg4[%add3A_59, %dma_start3A_71] : memref<10240x128xf32, #tpu.memory_space<vmem_shared>> -> memref<128x128xf32, #tpu.memory_space<vmem_shared>>
      tpu.enqueue_dma source(%dma_start3A_72 : memref<128x128xf32, #tpu.memory_space<vmem_shared>>) target(%dma_start3A_70 : memref<128x128xf32, #tpu.memory_space<hbm>>) target_semaphore(%run_scoped3A : memref<!tpu.dma_semaphore, #tpu.memory_space<semaphore_mem>>)
      %dma_wait3A_73 = arith.constant 0 : i32
      %dma_wait3A_74 = tpu.memref_slice %arg3[%arg0, %add3A_59, %dma_wait3A_73] : memref<2x10240x128xf32, #tpu.memory_space<hbm>> -> memref<1x128x128xf32, #tpu.memory_space<hbm>>
      %dma_wait3A_75 = tpu.memref_squeeze %dma_wait3A_74 : memref<1x128x128xf32, #tpu.memory_space<hbm>> -> memref<128x128xf32, #tpu.memory_space<hbm>>
      %dma_wait3A_76 = arith.constant 0 : i32
      %dma_wait3A_77 = tpu.memref_slice %arg4[%add3A_59, %dma_wait3A_76] : memref<10240x128xf32, #tpu.memory_space<vmem_shared>> -> memref<128x128xf32, #tpu.memory_space<vmem_shared>>
      tpu.wait_dma2 semaphore(%run_scoped3A : memref<!tpu.dma_semaphore, #tpu.memory_space<semaphore_mem>>) src(%dma_wait3A_77 : memref<128x128xf32, #tpu.memory_space<vmem_shared>>) dst(%dma_wait3A_75 : memref<128x128xf32, #tpu.memory_space<hbm>>)
      tpu.yield
    }) : () -> ()
    %add3A_60 = arith.constant 128 : i32
    %add3A_61 = arith.addi %mul3A_11, %add3A_60 : i32
    "tpu.region"() ({
      %run_scoped3A = tpu.sem_alloc : memref<!tpu.dma_semaphore, #tpu.memory_space<semaphore_mem>>
      %dma_start3A_68 = arith.constant 0 : i32
      %dma_start3A_69 = tpu.memref_slice %arg3[%arg0, %add3A_61, %dma_start3A_68] : memref<2x10240x128xf32, #tpu.memory_space<hbm>> -> memref<1x128x128xf32, #tpu.memory_space<hbm>>
      %dma_start3A_70 = tpu.memref_squeeze %dma_start3A_69 : memref<1x128x128xf32, #tpu.memory_space<hbm>> -> memref<128x128xf32, #tpu.memory_space<hbm>>
      %dma_start3A_71 = arith.constant 0 : i32
      %dma_start3A_72 = tpu.memref_slice %arg4[%add3A_61, %dma_start3A_71] : memref<10240x128xf32, #tpu.memory_space<vmem_shared>> -> memref<128x128xf32, #tpu.memory_space<vmem_shared>>
      tpu.enqueue_dma source(%dma_start3A_72 : memref<128x128xf32, #tpu.memory_space<vmem_shared>>) target(%dma_start3A_70 : memref<128x128xf32, #tpu.memory_space<hbm>>) target_semaphore(%run_scoped3A : memref<!tpu.dma_semaphore, #tpu.memory_space<semaphore_mem>>)
      %dma_wait3A_73 = arith.constant 0 : i32
      %dma_wait3A_74 = tpu.memref_slice %arg3[%arg0, %add3A_61, %dma_wait3A_73] : memref<2x10240x128xf32, #tpu.memory_space<hbm>> -> memref<1x128x128xf32, #tpu.memory_space<hbm>>
      %dma_wait3A_75 = tpu.memref_squeeze %dma_wait3A_74 : memref<1x128x128xf32, #tpu.memory_space<hbm>> -> memref<128x128xf32, #tpu.memory_space<hbm>>
      %dma_wait3A_76 = arith.constant 0 : i32
      %dma_wait3A_77 = tpu.memref_slice %arg4[%add3A_61, %dma_wait3A_76] : memref<10240x128xf32, #tpu.memory_space<vmem_shared>> -> memref<128x128xf32, #tpu.memory_space<vmem_shared>>
      tpu.wait_dma2 semaphore(%run_scoped3A : memref<!tpu.dma_semaphore, #tpu.memory_space<semaphore_mem>>) src(%dma_wait3A_77 : memref<128x128xf32, #tpu.memory_space<vmem_shared>>) dst(%dma_wait3A_75 : memref<128x128xf32, #tpu.memory_space<hbm>>)
      tpu.yield
    }) : () -> ()
    %add3A_62 = arith.constant 256 : i32
    %add3A_63 = arith.addi %mul3A_11, %add3A_62 : i32
    "tpu.region"() ({
      %run_scoped3A = tpu.sem_alloc : memref<!tpu.dma_semaphore, #tpu.memory_space<semaphore_mem>>
      %dma_start3A_68 = arith.constant 0 : i32
      %dma_start3A_69 = tpu.memref_slice %arg3[%arg0, %add3A_63, %dma_start3A_68] : memref<2x10240x128xf32, #tpu.memory_space<hbm>> -> memref<1x128x128xf32, #tpu.memory_space<hbm>>
      %dma_start3A_70 = tpu.memref_squeeze %dma_start3A_69 : memref<1x128x128xf32, #tpu.memory_space<hbm>> -> memref<128x128xf32, #tpu.memory_space<hbm>>
      %dma_start3A_71 = arith.constant 0 : i32
      %dma_start3A_72 = tpu.memref_slice %arg4[%add3A_63, %dma_start3A_71] : memref<10240x128xf32, #tpu.memory_space<vmem_shared>> -> memref<128x128xf32, #tpu.memory_space<vmem_shared>>
      tpu.enqueue_dma source(%dma_start3A_72 : memref<128x128xf32, #tpu.memory_space<vmem_shared>>) target(%dma_start3A_70 : memref<128x128xf32, #tpu.memory_space<hbm>>) target_semaphore(%run_scoped3A : memref<!tpu.dma_semaphore, #tpu.memory_space<semaphore_mem>>)
      %dma_wait3A_73 = arith.constant 0 : i32
      %dma_wait3A_74 = tpu.memref_slice %arg3[%arg0, %add3A_63, %dma_wait3A_73] : memref<2x10240x128xf32, #tpu.memory_space<hbm>> -> memref<1x128x128xf32, #tpu.memory_space<hbm>>
      %dma_wait3A_75 = tpu.memref_squeeze %dma_wait3A_74 : memref<1x128x128xf32, #tpu.memory_space<hbm>> -> memref<128x128xf32, #tpu.memory_space<hbm>>
      %dma_wait3A_76 = arith.constant 0 : i32
      %dma_wait3A_77 = tpu.memref_slice %arg4[%add3A_63, %dma_wait3A_76] : memref<10240x128xf32, #tpu.memory_space<vmem_shared>> -> memref<128x128xf32, #tpu.memory_space<vmem_shared>>
      tpu.wait_dma2 semaphore(%run_scoped3A : memref<!tpu.dma_semaphore, #tpu.memory_space<semaphore_mem>>) src(%dma_wait3A_77 : memref<128x128xf32, #tpu.memory_space<vmem_shared>>) dst(%dma_wait3A_75 : memref<128x128xf32, #tpu.memory_space<hbm>>)
      tpu.yield
    }) : () -> ()
    %add3A_64 = arith.constant 384 : i32
    %add3A_65 = arith.addi %mul3A_11, %add3A_64 : i32
    "tpu.region"() ({
      %run_scoped3A = tpu.sem_alloc : memref<!tpu.dma_semaphore, #tpu.memory_space<semaphore_mem>>
      %dma_start3A_68 = arith.constant 0 : i32
      %dma_start3A_69 = tpu.memref_slice %arg3[%arg0, %add3A_65, %dma_start3A_68] : memref<2x10240x128xf32, #tpu.memory_space<hbm>> -> memref<1x128x128xf32, #tpu.memory_space<hbm>>
      %dma_start3A_70 = tpu.memref_squeeze %dma_start3A_69 : memref<1x128x128xf32, #tpu.memory_space<hbm>> -> memref<128x128xf32, #tpu.memory_space<hbm>>
      %dma_start3A_71 = arith.constant 0 : i32
      %dma_start3A_72 = tpu.memref_slice %arg4[%add3A_65, %dma_start3A_71] : memref<10240x128xf32, #tpu.memory_space<vmem_shared>> -> memref<128x128xf32, #tpu.memory_space<vmem_shared>>
      tpu.enqueue_dma source(%dma_start3A_72 : memref<128x128xf32, #tpu.memory_space<vmem_shared>>) target(%dma_start3A_70 : memref<128x128xf32, #tpu.memory_space<hbm>>) target_semaphore(%run_scoped3A : memref<!tpu.dma_semaphore, #tpu.memory_space<semaphore_mem>>)
      %dma_wait3A_73 = arith.constant 0 : i32
      %dma_wait3A_74 = tpu.memref_slice %arg3[%arg0, %add3A_65, %dma_wait3A_73] : memref<2x10240x128xf32, #tpu.memory_space<hbm>> -> memref<1x128x128xf32, #tpu.memory_space<hbm>>
      %dma_wait3A_75 = tpu.memref_squeeze %dma_wait3A_74 : memref<1x128x128xf32, #tpu.memory_space<hbm>> -> memref<128x128xf32, #tpu.memory_space<hbm>>
      %dma_wait3A_76 = arith.constant 0 : i32
      %dma_wait3A_77 = tpu.memref_slice %arg4[%add3A_65, %dma_wait3A_76] : memref<10240x128xf32, #tpu.memory_space<vmem_shared>> -> memref<128x128xf32, #tpu.memory_space<vmem_shared>>
      tpu.wait_dma2 semaphore(%run_scoped3A : memref<!tpu.dma_semaphore, #tpu.memory_space<semaphore_mem>>) src(%dma_wait3A_77 : memref<128x128xf32, #tpu.memory_space<vmem_shared>>) dst(%dma_wait3A_75 : memref<128x128xf32, #tpu.memory_space<hbm>>)
      tpu.yield
    }) : () -> ()
    %add3A_66 = arith.constant 512 : i32
    %add3A_67 = arith.addi %mul3A_11, %add3A_66 : i32
    "tpu.region"() ({
      %run_scoped3A = tpu.sem_alloc : memref<!tpu.dma_semaphore, #tpu.memory_space<semaphore_mem>>
      %dma_start3A_68 = arith.constant 0 : i32
      %dma_start3A_69 = tpu.memref_slice %arg3[%arg0, %add3A_67, %dma_start3A_68] : memref<2x10240x128xf32, #tpu.memory_space<hbm>> -> memref<1x128x128xf32, #tpu.memory_space<hbm>>
      %dma_start3A_70 = tpu.memref_squeeze %dma_start3A_69 : memref<1x128x128xf32, #tpu.memory_space<hbm>> -> memref<128x128xf32, #tpu.memory_space<hbm>>
      %dma_start3A_71 = arith.constant 0 : i32
      %dma_start3A_72 = tpu.memref_slice %arg4[%add3A_67, %dma_start3A_71] : memref<10240x128xf32, #tpu.memory_space<vmem_shared>> -> memref<128x128xf32, #tpu.memory_space<vmem_shared>>
      tpu.enqueue_dma source(%dma_start3A_72 : memref<128x128xf32, #tpu.memory_space<vmem_shared>>) target(%dma_start3A_70 : memref<128x128xf32, #tpu.memory_space<hbm>>) target_semaphore(%run_scoped3A : memref<!tpu.dma_semaphore, #tpu.memory_space<semaphore_mem>>)
      %dma_wait3A_73 = arith.constant 0 : i32
      %dma_wait3A_74 = tpu.memref_slice %arg3[%arg0, %add3A_67, %dma_wait3A_73] : memref<2x10240x128xf32, #tpu.memory_space<hbm>> -> memref<1x128x128xf32, #tpu.memory_space<hbm>>
      %dma_wait3A_75 = tpu.memref_squeeze %dma_wait3A_74 : memref<1x128x128xf32, #tpu.memory_space<hbm>> -> memref<128x128xf32, #tpu.memory_space<hbm>>
      %dma_wait3A_76 = arith.constant 0 : i32
      %dma_wait3A_77 = tpu.memref_slice %arg4[%add3A_67, %dma_wait3A_76] : memref<10240x128xf32, #tpu.memory_space<vmem_shared>> -> memref<128x128xf32, #tpu.memory_space<vmem_shared>>
      tpu.wait_dma2 semaphore(%run_scoped3A : memref<!tpu.dma_semaphore, #tpu.memory_space<semaphore_mem>>) src(%dma_wait3A_77 : memref<128x128xf32, #tpu.memory_space<vmem_shared>>) dst(%dma_wait3A_75 : memref<128x128xf32, #tpu.memory_space<hbm>>)
      tpu.yield
    }) : () -> ()
    return
  }
}

#map = affine_map<(d0, d1) -> (0, 0)>
#map1 = affine_map<(d0, d1) -> (0)>
#map2 = affine_map<(d0, d1) -> (0, 0, 0)>
module attributes {stable_mosaic.version = 14 : i64} {
  func.func @_agg_body(%arg0: i32, %arg1: i32, %arg2: memref<10000x128xf32, #tpu.memory_space<hbm>>, %arg3: memref<320000xi32, #tpu.memory_space<hbm>>, %arg4: memref<320000xi32, #tpu.memory_space<hbm>>, %arg5: memref<2x10240x128xf32, #tpu.memory_space<hbm>>, %arg6: memref<10240x128xf32, #tpu.memory_space<vmem_shared>>, %arg7: memref<128xi32, #tpu.memory_space<vmem>>, %arg8: memref<128xi32, #tpu.memory_space<vmem>>, %arg9: memref<128xi32, #tpu.memory_space<vmem>>, %arg10: memref<128xi32, #tpu.memory_space<vmem>>, %arg11: memref<128xi32, #tpu.memory_space<vmem>>, %arg12: memref<128xi32, #tpu.memory_space<vmem>>, %arg13: memref<128xi32, #tpu.memory_space<vmem>>, %arg14: memref<128xi32, #tpu.memory_space<vmem>>, %arg15: memref<128x128xf32, #tpu.memory_space<vmem>>, %arg16: memref<128x128xf32, #tpu.memory_space<vmem>>, %arg17: memref<!tpu.dma_semaphore, #tpu.memory_space<semaphore_mem>>, %arg18: memref<!tpu.dma_semaphore, #tpu.memory_space<semaphore_mem>>, %arg19: memref<!tpu.dma_semaphore, #tpu.memory_space<semaphore_mem>>, %arg20: memref<!tpu.dma_semaphore, #tpu.memory_space<semaphore_mem>>) attributes {dimension_semantics = [#tpu.dimension_semantics<core_parallel>, #tpu.dimension_semantics<subcore_parallel>], iteration_bounds = array<i64: 2, 16>, scalar_prefetch = 0 : i64, scratch_operands = 15 : i64, tpu.core_type = #tpu.core_type<sc_vector_subcore>, window_params = [{transform_indices = #map}, {transform_indices = #map1}, {transform_indices = #map1}, {transform_indices = #map2}]} {
    %mul3A = arith.constant 2 : i32
    %mul3A_0 = arith.muli %arg1, %mul3A : i32
    %add3A = arith.addi %mul3A_0, %arg0 : i32
    %broadcast_in_dim3A = arith.constant 0.000000e+00 : f32
    %broadcast_in_dim3A_1 = vector.broadcast %broadcast_in_dim3A : f32 to vector<16xf32>
    %scan3A = arith.constant 0 : i32
    %scan3A_2 = arith.constant 0 : i32
    %scan3A_3 = arith.constant 128 : i32
    %scan3A_4 = arith.addi %scan3A_2, %scan3A_3 : i32
    %scan3A_5 = arith.constant 1 : i32
    %scan3A_6 = scf.for %scan3A_77 = %scan3A_2 to %scan3A_4 step %scan3A_5 iter_args(%scan3A_78 = %scan3A) -> (i32)  : i32 {
      %swap3A = arith.index_cast %scan3A_77 : i32 to index
      %swap3A_79 = arith.constant 0 : index
      %swap3A_80 = tpu.vector_load %arg15[%swap3A, %swap3A_79] {strides = array<i32>} : memref<128x128xf32, #tpu.memory_space<vmem>>, vector<1x16xf32>,
      %swap3A_81 = vector.shape_cast %swap3A_80 : vector<1x16xf32> to vector<16xf32>
      %swap3A_82 = vector.shape_cast %broadcast_in_dim3A_1 : vector<16xf32> to vector<1x16xf32>
      tpu.vector_store %arg15[%swap3A, %swap3A_79], %swap3A_82 {strides = array<i32>} : memref<128x128xf32, #tpu.memory_space<vmem>>, vector<1x16xf32>,
      %swap3A_83 = arith.index_cast %scan3A_77 : i32 to index
      %swap3A_84 = arith.constant 16 : index
      %swap3A_85 = tpu.vector_load %arg15[%swap3A_83, %swap3A_84] {strides = array<i32>} : memref<128x128xf32, #tpu.memory_space<vmem>>, vector<1x16xf32>,
      %swap3A_86 = vector.shape_cast %swap3A_85 : vector<1x16xf32> to vector<16xf32>
      %swap3A_87 = vector.shape_cast %broadcast_in_dim3A_1 : vector<16xf32> to vector<1x16xf32>
      tpu.vector_store %arg15[%swap3A_83, %swap3A_84], %swap3A_87 {strides = array<i32>} : memref<128x128xf32, #tpu.memory_space<vmem>>, vector<1x16xf32>,
      %swap3A_88 = arith.index_cast %scan3A_77 : i32 to index
      %swap3A_89 = arith.constant 32 : index
      %swap3A_90 = tpu.vector_load %arg15[%swap3A_88, %swap3A_89] {strides = array<i32>} : memref<128x128xf32, #tpu.memory_space<vmem>>, vector<1x16xf32>,
      %swap3A_91 = vector.shape_cast %swap3A_90 : vector<1x16xf32> to vector<16xf32>
      %swap3A_92 = vector.shape_cast %broadcast_in_dim3A_1 : vector<16xf32> to vector<1x16xf32>
      tpu.vector_store %arg15[%swap3A_88, %swap3A_89], %swap3A_92 {strides = array<i32>} : memref<128x128xf32, #tpu.memory_space<vmem>>, vector<1x16xf32>,
      %swap3A_93 = arith.index_cast %scan3A_77 : i32 to index
      %swap3A_94 = arith.constant 48 : index
      %swap3A_95 = tpu.vector_load %arg15[%swap3A_93, %swap3A_94] {strides = array<i32>} : memref<128x128xf32, #tpu.memory_space<vmem>>, vector<1x16xf32>,
      %swap3A_96 = vector.shape_cast %swap3A_95 : vector<1x16xf32> to vector<16xf32>
      %swap3A_97 = vector.shape_cast %broadcast_in_dim3A_1 : vector<16xf32> to vector<1x16xf32>
      tpu.vector_store %arg15[%swap3A_93, %swap3A_94], %swap3A_97 {strides = array<i32>} : memref<128x128xf32, #tpu.memory_space<vmem>>, vector<1x16xf32>,
      %swap3A_98 = arith.index_cast %scan3A_77 : i32 to index
      %swap3A_99 = arith.constant 64 : index
      %swap3A_100 = tpu.vector_load %arg15[%swap3A_98, %swap3A_99] {strides = array<i32>} : memref<128x128xf32, #tpu.memory_space<vmem>>, vector<1x16xf32>,
      %swap3A_101 = vector.shape_cast %swap3A_100 : vector<1x16xf32> to vector<16xf32>
      %swap3A_102 = vector.shape_cast %broadcast_in_dim3A_1 : vector<16xf32> to vector<1x16xf32>
      tpu.vector_store %arg15[%swap3A_98, %swap3A_99], %swap3A_102 {strides = array<i32>} : memref<128x128xf32, #tpu.memory_space<vmem>>, vector<1x16xf32>,
      %swap3A_103 = arith.index_cast %scan3A_77 : i32 to index
      %swap3A_104 = arith.constant 80 : index
      %swap3A_105 = tpu.vector_load %arg15[%swap3A_103, %swap3A_104] {strides = array<i32>} : memref<128x128xf32, #tpu.memory_space<vmem>>, vector<1x16xf32>,
      %swap3A_106 = vector.shape_cast %swap3A_105 : vector<1x16xf32> to vector<16xf32>
      %swap3A_107 = vector.shape_cast %broadcast_in_dim3A_1 : vector<16xf32> to vector<1x16xf32>
      tpu.vector_store %arg15[%swap3A_103, %swap3A_104], %swap3A_107 {strides = array<i32>} : memref<128x128xf32, #tpu.memory_space<vmem>>, vector<1x16xf32>,
      %swap3A_108 = arith.index_cast %scan3A_77 : i32 to index
      %swap3A_109 = arith.constant 96 : index
      %swap3A_110 = tpu.vector_load %arg15[%swap3A_108, %swap3A_109] {strides = array<i32>} : memref<128x128xf32, #tpu.memory_space<vmem>>, vector<1x16xf32>,
      %swap3A_111 = vector.shape_cast %swap3A_110 : vector<1x16xf32> to vector<16xf32>
      %swap3A_112 = vector.shape_cast %broadcast_in_dim3A_1 : vector<16xf32> to vector<1x16xf32>
      tpu.vector_store %arg15[%swap3A_108, %swap3A_109], %swap3A_112 {strides = array<i32>} : memref<128x128xf32, #tpu.memory_space<vmem>>, vector<1x16xf32>,
      %swap3A_113 = arith.index_cast %scan3A_77 : i32 to index
      %swap3A_114 = arith.constant 112 : index
      %swap3A_115 = tpu.vector_load %arg15[%swap3A_113, %swap3A_114] {strides = array<i32>} : memref<128x128xf32, #tpu.memory_space<vmem>>, vector<1x16xf32>,
      %swap3A_116 = vector.shape_cast %swap3A_115 : vector<1x16xf32> to vector<16xf32>
      %swap3A_117 = vector.shape_cast %broadcast_in_dim3A_1 : vector<16xf32> to vector<1x16xf32>
      tpu.vector_store %arg15[%swap3A_113, %swap3A_114], %swap3A_117 {strides = array<i32>} : memref<128x128xf32, #tpu.memory_space<vmem>>, vector<1x16xf32>,
      %scan3A_118 = arith.constant 0 : i32
      scf.yield %scan3A_118 : i32
    }
    %scan3A_7 = arith.constant 128 : i32
    %mul3A_8 = arith.constant 640 : i32
    %mul3A_9 = arith.muli %arg1, %mul3A_8 : i32
    %add3A_10 = arith.constant 0 : i32
    %add3A_11 = arith.addi %mul3A_9, %add3A_10 : i32
    "tpu.region"() ({
      %run_scoped3A = tpu.sem_alloc : memref<!tpu.dma_semaphore, #tpu.memory_space<semaphore_mem>>
      %dma_start3A_77 = arith.constant 0 : i32
      %dma_start3A_78 = tpu.memref_slice %arg6[%add3A_11, %dma_start3A_77] : memref<10240x128xf32, #tpu.memory_space<vmem_shared>> -> memref<128x128xf32, #tpu.memory_space<vmem_shared>>
      %dma_start3A_79 = arith.constant 0 : i32
      %dma_start3A_80 = tpu.memref_slice %arg6[%add3A_11, %dma_start3A_79] : memref<10240x128xf32, #tpu.memory_space<vmem_shared>> -> memref<128x128xf32, #tpu.memory_space<vmem_shared>>
      tpu.enqueue_dma source(%arg15 : memref<128x128xf32, #tpu.memory_space<vmem>>) target(%dma_start3A_80 : memref<128x128xf32, #tpu.memory_space<vmem_shared>>) target_semaphore(%run_scoped3A : memref<!tpu.dma_semaphore, #tpu.memory_space<semaphore_mem>>)
      %dma_wait3A_81 = arith.constant 0 : i32
      %dma_wait3A_82 = tpu.memref_slice %arg6[%add3A_11, %dma_wait3A_81] : memref<10240x128xf32, #tpu.memory_space<vmem_shared>> -> memref<128x128xf32, #tpu.memory_space<vmem_shared>>
      %dma_wait3A_83 = arith.constant 0 : i32
      %dma_wait3A_84 = tpu.memref_slice %arg6[%add3A_11, %dma_wait3A_83] : memref<10240x128xf32, #tpu.memory_space<vmem_shared>> -> memref<128x128xf32, #tpu.memory_space<vmem_shared>>
      tpu.wait_dma2 semaphore(%run_scoped3A : memref<!tpu.dma_semaphore, #tpu.memory_space<semaphore_mem>>) src(%arg15 : memref<128x128xf32, #tpu.memory_space<vmem>>) dst(%dma_wait3A_84 : memref<128x128xf32, #tpu.memory_space<vmem_shared>>)
      tpu.yield
    }) : () -> ()
    %add3A_12 = arith.constant 128 : i32
    %add3A_13 = arith.addi %mul3A_9, %add3A_12 : i32
    "tpu.region"() ({
      %run_scoped3A = tpu.sem_alloc : memref<!tpu.dma_semaphore, #tpu.memory_space<semaphore_mem>>
      %dma_start3A_77 = arith.constant 0 : i32
      %dma_start3A_78 = tpu.memref_slice %arg6[%add3A_13, %dma_start3A_77] : memref<10240x128xf32, #tpu.memory_space<vmem_shared>> -> memref<128x128xf32, #tpu.memory_space<vmem_shared>>
      %dma_start3A_79 = arith.constant 0 : i32
      %dma_start3A_80 = tpu.memref_slice %arg6[%add3A_13, %dma_start3A_79] : memref<10240x128xf32, #tpu.memory_space<vmem_shared>> -> memref<128x128xf32, #tpu.memory_space<vmem_shared>>
      tpu.enqueue_dma source(%arg15 : memref<128x128xf32, #tpu.memory_space<vmem>>) target(%dma_start3A_80 : memref<128x128xf32, #tpu.memory_space<vmem_shared>>) target_semaphore(%run_scoped3A : memref<!tpu.dma_semaphore, #tpu.memory_space<semaphore_mem>>)
      %dma_wait3A_81 = arith.constant 0 : i32
      %dma_wait3A_82 = tpu.memref_slice %arg6[%add3A_13, %dma_wait3A_81] : memref<10240x128xf32, #tpu.memory_space<vmem_shared>> -> memref<128x128xf32, #tpu.memory_space<vmem_shared>>
      %dma_wait3A_83 = arith.constant 0 : i32
      %dma_wait3A_84 = tpu.memref_slice %arg6[%add3A_13, %dma_wait3A_83] : memref<10240x128xf32, #tpu.memory_space<vmem_shared>> -> memref<128x128xf32, #tpu.memory_space<vmem_shared>>
      tpu.wait_dma2 semaphore(%run_scoped3A : memref<!tpu.dma_semaphore, #tpu.memory_space<semaphore_mem>>) src(%arg15 : memref<128x128xf32, #tpu.memory_space<vmem>>) dst(%dma_wait3A_84 : memref<128x128xf32, #tpu.memory_space<vmem_shared>>)
      tpu.yield
    }) : () -> ()
    %add3A_14 = arith.constant 256 : i32
    %add3A_15 = arith.addi %mul3A_9, %add3A_14 : i32
    "tpu.region"() ({
      %run_scoped3A = tpu.sem_alloc : memref<!tpu.dma_semaphore, #tpu.memory_space<semaphore_mem>>
      %dma_start3A_77 = arith.constant 0 : i32
      %dma_start3A_78 = tpu.memref_slice %arg6[%add3A_15, %dma_start3A_77] : memref<10240x128xf32, #tpu.memory_space<vmem_shared>> -> memref<128x128xf32, #tpu.memory_space<vmem_shared>>
      %dma_start3A_79 = arith.constant 0 : i32
      %dma_start3A_80 = tpu.memref_slice %arg6[%add3A_15, %dma_start3A_79] : memref<10240x128xf32, #tpu.memory_space<vmem_shared>> -> memref<128x128xf32, #tpu.memory_space<vmem_shared>>
      tpu.enqueue_dma source(%arg15 : memref<128x128xf32, #tpu.memory_space<vmem>>) target(%dma_start3A_80 : memref<128x128xf32, #tpu.memory_space<vmem_shared>>) target_semaphore(%run_scoped3A : memref<!tpu.dma_semaphore, #tpu.memory_space<semaphore_mem>>)
      %dma_wait3A_81 = arith.constant 0 : i32
      %dma_wait3A_82 = tpu.memref_slice %arg6[%add3A_15, %dma_wait3A_81] : memref<10240x128xf32, #tpu.memory_space<vmem_shared>> -> memref<128x128xf32, #tpu.memory_space<vmem_shared>>
      %dma_wait3A_83 = arith.constant 0 : i32
      %dma_wait3A_84 = tpu.memref_slice %arg6[%add3A_15, %dma_wait3A_83] : memref<10240x128xf32, #tpu.memory_space<vmem_shared>> -> memref<128x128xf32, #tpu.memory_space<vmem_shared>>
      tpu.wait_dma2 semaphore(%run_scoped3A : memref<!tpu.dma_semaphore, #tpu.memory_space<semaphore_mem>>) src(%arg15 : memref<128x128xf32, #tpu.memory_space<vmem>>) dst(%dma_wait3A_84 : memref<128x128xf32, #tpu.memory_space<vmem_shared>>)
      tpu.yield
    }) : () -> ()
    %add3A_16 = arith.constant 384 : i32
    %add3A_17 = arith.addi %mul3A_9, %add3A_16 : i32
    "tpu.region"() ({
      %run_scoped3A = tpu.sem_alloc : memref<!tpu.dma_semaphore, #tpu.memory_space<semaphore_mem>>
      %dma_start3A_77 = arith.constant 0 : i32
      %dma_start3A_78 = tpu.memref_slice %arg6[%add3A_17, %dma_start3A_77] : memref<10240x128xf32, #tpu.memory_space<vmem_shared>> -> memref<128x128xf32, #tpu.memory_space<vmem_shared>>
      %dma_start3A_79 = arith.constant 0 : i32
      %dma_start3A_80 = tpu.memref_slice %arg6[%add3A_17, %dma_start3A_79] : memref<10240x128xf32, #tpu.memory_space<vmem_shared>> -> memref<128x128xf32, #tpu.memory_space<vmem_shared>>
      tpu.enqueue_dma source(%arg15 : memref<128x128xf32, #tpu.memory_space<vmem>>) target(%dma_start3A_80 : memref<128x128xf32, #tpu.memory_space<vmem_shared>>) target_semaphore(%run_scoped3A : memref<!tpu.dma_semaphore, #tpu.memory_space<semaphore_mem>>)
      %dma_wait3A_81 = arith.constant 0 : i32
      %dma_wait3A_82 = tpu.memref_slice %arg6[%add3A_17, %dma_wait3A_81] : memref<10240x128xf32, #tpu.memory_space<vmem_shared>> -> memref<128x128xf32, #tpu.memory_space<vmem_shared>>
      %dma_wait3A_83 = arith.constant 0 : i32
      %dma_wait3A_84 = tpu.memref_slice %arg6[%add3A_17, %dma_wait3A_83] : memref<10240x128xf32, #tpu.memory_space<vmem_shared>> -> memref<128x128xf32, #tpu.memory_space<vmem_shared>>
      tpu.wait_dma2 semaphore(%run_scoped3A : memref<!tpu.dma_semaphore, #tpu.memory_space<semaphore_mem>>) src(%arg15 : memref<128x128xf32, #tpu.memory_space<vmem>>) dst(%dma_wait3A_84 : memref<128x128xf32, #tpu.memory_space<vmem_shared>>)
      tpu.yield
    }) : () -> ()
    %add3A_18 = arith.constant 512 : i32
    %add3A_19 = arith.addi %mul3A_9, %add3A_18 : i32
    "tpu.region"() ({
      %run_scoped3A = tpu.sem_alloc : memref<!tpu.dma_semaphore, #tpu.memory_space<semaphore_mem>>
      %dma_start3A_77 = arith.constant 0 : i32
      %dma_start3A_78 = tpu.memref_slice %arg6[%add3A_19, %dma_start3A_77] : memref<10240x128xf32, #tpu.memory_space<vmem_shared>> -> memref<128x128xf32, #tpu.memory_space<vmem_shared>>
      %dma_start3A_79 = arith.constant 0 : i32
      %dma_start3A_80 = tpu.memref_slice %arg6[%add3A_19, %dma_start3A_79] : memref<10240x128xf32, #tpu.memory_space<vmem_shared>> -> memref<128x128xf32, #tpu.memory_space<vmem_shared>>
      tpu.enqueue_dma source(%arg15 : memref<128x128xf32, #tpu.memory_space<vmem>>) target(%dma_start3A_80 : memref<128x128xf32, #tpu.memory_space<vmem_shared>>) target_semaphore(%run_scoped3A : memref<!tpu.dma_semaphore, #tpu.memory_space<semaphore_mem>>)
      %dma_wait3A_81 = arith.constant 0 : i32
      %dma_wait3A_82 = tpu.memref_slice %arg6[%add3A_19, %dma_wait3A_81] : memref<10240x128xf32, #tpu.memory_space<vmem_shared>> -> memref<128x128xf32, #tpu.memory_space<vmem_shared>>
      %dma_wait3A_83 = arith.constant 0 : i32
      %dma_wait3A_84 = tpu.memref_slice %arg6[%add3A_19, %dma_wait3A_83] : memref<10240x128xf32, #tpu.memory_space<vmem_shared>> -> memref<128x128xf32, #tpu.memory_space<vmem_shared>>
      tpu.wait_dma2 semaphore(%run_scoped3A : memref<!tpu.dma_semaphore, #tpu.memory_space<semaphore_mem>>) src(%arg15 : memref<128x128xf32, #tpu.memory_space<vmem>>) dst(%dma_wait3A_84 : memref<128x128xf32, #tpu.memory_space<vmem_shared>>)
      tpu.yield
    }) : () -> ()
    %barrier3A = arith.constant 0 : index
    tpu.barrier barrier_id(%barrier3A)
    %add3A_20 = arith.constant 0 : i32
    %add3A_21 = arith.addi %add3A, %add3A_20 : i32
    %min3A = arith.constant 2499 : i32
    %min3A_22 = arith.minsi %add3A_21, %min3A : i32
    %mul3A_23 = arith.constant 128 : i32
    %mul3A_24 = arith.muli %min3A_22, %mul3A_23 : i32
    "tpu.region"() ({
      %run_scoped3A = tpu.sem_alloc : memref<!tpu.dma_semaphore, #tpu.memory_space<semaphore_mem>>
      %dma_start3A_77 = tpu.memref_slice %arg3[%mul3A_24] : memref<320000xi32, #tpu.memory_space<hbm>> -> memref<128xi32, #tpu.memory_space<hbm>>
      %dma_start3A_78 = tpu.memref_slice %arg3[%mul3A_24] : memref<320000xi32, #tpu.memory_space<hbm>> -> memref<128xi32, #tpu.memory_space<hbm>>
      tpu.enqueue_dma source(%dma_start3A_78 : memref<128xi32, #tpu.memory_space<hbm>>) target(%arg7 : memref<128xi32, #tpu.memory_space<vmem>>) target_semaphore(%run_scoped3A : memref<!tpu.dma_semaphore, #tpu.memory_space<semaphore_mem>>)
      %dma_wait3A_79 = tpu.memref_slice %arg3[%mul3A_24] : memref<320000xi32, #tpu.memory_space<hbm>> -> memref<128xi32, #tpu.memory_space<hbm>>
      %dma_wait3A_80 = tpu.memref_slice %arg3[%mul3A_24] : memref<320000xi32, #tpu.memory_space<hbm>> -> memref<128xi32, #tpu.memory_space<hbm>>
      tpu.wait_dma2 semaphore(%run_scoped3A : memref<!tpu.dma_semaphore, #tpu.memory_space<semaphore_mem>>) src(%dma_wait3A_80 : memref<128xi32, #tpu.memory_space<hbm>>) dst(%arg7 : memref<128xi32, #tpu.memory_space<vmem>>)
      tpu.yield
    }) : () -> ()
    "tpu.region"() ({
      %run_scoped3A = tpu.sem_alloc : memref<!tpu.dma_semaphore, #tpu.memory_space<semaphore_mem>>
      %dma_start3A_77 = tpu.memref_slice %arg4[%mul3A_24] : memref<320000xi32, #tpu.memory_space<hbm>> -> memref<128xi32, #tpu.memory_space<hbm>>
      %dma_start3A_78 = tpu.memref_slice %arg4[%mul3A_24] : memref<320000xi32, #tpu.memory_space<hbm>> -> memref<128xi32, #tpu.memory_space<hbm>>
      tpu.enqueue_dma source(%dma_start3A_78 : memref<128xi32, #tpu.memory_space<hbm>>) target(%arg11 : memref<128xi32, #tpu.memory_space<vmem>>) target_semaphore(%run_scoped3A : memref<!tpu.dma_semaphore, #tpu.memory_space<semaphore_mem>>)
      %dma_wait3A_79 = tpu.memref_slice %arg4[%mul3A_24] : memref<320000xi32, #tpu.memory_space<hbm>> -> memref<128xi32, #tpu.memory_space<hbm>>
      %dma_wait3A_80 = tpu.memref_slice %arg4[%mul3A_24] : memref<320000xi32, #tpu.memory_space<hbm>> -> memref<128xi32, #tpu.memory_space<hbm>>
      tpu.wait_dma2 semaphore(%run_scoped3A : memref<!tpu.dma_semaphore, #tpu.memory_space<semaphore_mem>>) src(%dma_wait3A_80 : memref<128xi32, #tpu.memory_space<hbm>>) dst(%arg11 : memref<128xi32, #tpu.memory_space<vmem>>)
      tpu.yield
    }) : () -> ()
    %dma_start3A = arith.constant 0 : i32
    %dma_start3A_25 = arith.constant 0 : i32
    %dma_start3A_26 = tpu.memref_slice %arg2[%dma_start3A, %dma_start3A_25] : memref<10000x128xf32, #tpu.memory_space<hbm>> -> memref<10000x128xf32, #tpu.memory_space<hbm>>
    tpu.enqueue_indirect_dma source(%dma_start3A_26 : memref<10000x128xf32, #tpu.memory_space<hbm>>) target(%arg15 : memref<128x128xf32, #tpu.memory_space<vmem>>) offsets(%arg7 : memref<128xi32, #tpu.memory_space<vmem>>) semaphore(%arg17 : memref<!tpu.dma_semaphore, #tpu.memory_space<semaphore_mem>>)
    %add3A_27 = arith.constant 32 : i32
    %add3A_28 = arith.addi %add3A, %add3A_27 : i32
    %min3A_29 = arith.constant 2499 : i32
    %min3A_30 = arith.minsi %add3A_28, %min3A_29 : i32
    %mul3A_31 = arith.constant 128 : i32
    %mul3A_32 = arith.muli %min3A_30, %mul3A_31 : i32
    "tpu.region"() ({
      %run_scoped3A = tpu.sem_alloc : memref<!tpu.dma_semaphore, #tpu.memory_space<semaphore_mem>>
      %dma_start3A_77 = tpu.memref_slice %arg3[%mul3A_32] : memref<320000xi32, #tpu.memory_space<hbm>> -> memref<128xi32, #tpu.memory_space<hbm>>
      %dma_start3A_78 = tpu.memref_slice %arg3[%mul3A_32] : memref<320000xi32, #tpu.memory_space<hbm>> -> memref<128xi32, #tpu.memory_space<hbm>>
      tpu.enqueue_dma source(%dma_start3A_78 : memref<128xi32, #tpu.memory_space<hbm>>) target(%arg8 : memref<128xi32, #tpu.memory_space<vmem>>) target_semaphore(%run_scoped3A : memref<!tpu.dma_semaphore, #tpu.memory_space<semaphore_mem>>)
      %dma_wait3A_79 = tpu.memref_slice %arg3[%mul3A_32] : memref<320000xi32, #tpu.memory_space<hbm>> -> memref<128xi32, #tpu.memory_space<hbm>>
      %dma_wait3A_80 = tpu.memref_slice %arg3[%mul3A_32] : memref<320000xi32, #tpu.memory_space<hbm>> -> memref<128xi32, #tpu.memory_space<hbm>>
      tpu.wait_dma2 semaphore(%run_scoped3A : memref<!tpu.dma_semaphore, #tpu.memory_space<semaphore_mem>>) src(%dma_wait3A_80 : memref<128xi32, #tpu.memory_space<hbm>>) dst(%arg8 : memref<128xi32, #tpu.memory_space<vmem>>)
      tpu.yield
    }) : () -> ()
    "tpu.region"() ({
      %run_scoped3A = tpu.sem_alloc : memref<!tpu.dma_semaphore, #tpu.memory_space<semaphore_mem>>
      %dma_start3A_77 = tpu.memref_slice %arg4[%mul3A_32] : memref<320000xi32, #tpu.memory_space<hbm>> -> memref<128xi32, #tpu.memory_space<hbm>>
      %dma_start3A_78 = tpu.memref_slice %arg4[%mul3A_32] : memref<320000xi32, #tpu.memory_space<hbm>> -> memref<128xi32, #tpu.memory_space<hbm>>
      tpu.enqueue_dma source(%dma_start3A_78 : memref<128xi32, #tpu.memory_space<hbm>>) target(%arg12 : memref<128xi32, #tpu.memory_space<vmem>>) target_semaphore(%run_scoped3A : memref<!tpu.dma_semaphore, #tpu.memory_space<semaphore_mem>>)
      %dma_wait3A_79 = tpu.memref_slice %arg4[%mul3A_32] : memref<320000xi32, #tpu.memory_space<hbm>> -> memref<128xi32, #tpu.memory_space<hbm>>
      %dma_wait3A_80 = tpu.memref_slice %arg4[%mul3A_32] : memref<320000xi32, #tpu.memory_space<hbm>> -> memref<128xi32, #tpu.memory_space<hbm>>
      tpu.wait_dma2 semaphore(%run_scoped3A : memref<!tpu.dma_semaphore, #tpu.memory_space<semaphore_mem>>) src(%dma_wait3A_80 : memref<128xi32, #tpu.memory_space<hbm>>) dst(%arg12 : memref<128xi32, #tpu.memory_space<vmem>>)
      tpu.yield
    }) : () -> ()
    %dma_start3A_33 = arith.constant 0 : i32
    %dma_start3A_34 = arith.constant 0 : i32
    %dma_start3A_35 = tpu.memref_slice %arg2[%dma_start3A_33, %dma_start3A_34] : memref<10000x128xf32, #tpu.memory_space<hbm>> -> memref<10000x128xf32, #tpu.memory_space<hbm>>
    tpu.enqueue_indirect_dma source(%dma_start3A_35 : memref<10000x128xf32, #tpu.memory_space<hbm>>) target(%arg16 : memref<128x128xf32, #tpu.memory_space<vmem>>) offsets(%arg8 : memref<128xi32, #tpu.memory_space<vmem>>) semaphore(%arg18 : memref<!tpu.dma_semaphore, #tpu.memory_space<semaphore_mem>>)
    %add3A_36 = arith.constant 64 : i32
    %add3A_37 = arith.addi %add3A, %add3A_36 : i32
    %min3A_38 = arith.constant 2499 : i32
    %min3A_39 = arith.minsi %add3A_37, %min3A_38 : i32
    %mul3A_40 = arith.constant 128 : i32
    %mul3A_41 = arith.muli %min3A_39, %mul3A_40 : i32
    %dma_start3A_42 = tpu.memref_slice %arg3[%mul3A_41] : memref<320000xi32, #tpu.memory_space<hbm>> -> memref<128xi32, #tpu.memory_space<hbm>>
    %dma_start3A_43 = tpu.memref_slice %arg3[%mul3A_41] : memref<320000xi32, #tpu.memory_space<hbm>> -> memref<128xi32, #tpu.memory_space<hbm>>
    tpu.enqueue_dma source(%dma_start3A_43 : memref<128xi32, #tpu.memory_space<hbm>>) target(%arg9 : memref<128xi32, #tpu.memory_space<vmem>>) target_semaphore(%arg19 : memref<!tpu.dma_semaphore, #tpu.memory_space<semaphore_mem>>)
    %dma_start3A_44 = tpu.memref_slice %arg4[%mul3A_41] : memref<320000xi32, #tpu.memory_space<hbm>> -> memref<128xi32, #tpu.memory_space<hbm>>
    %dma_start3A_45 = tpu.memref_slice %arg4[%mul3A_41] : memref<320000xi32, #tpu.memory_space<hbm>> -> memref<128xi32, #tpu.memory_space<hbm>>
    tpu.enqueue_dma source(%dma_start3A_45 : memref<128xi32, #tpu.memory_space<hbm>>) target(%arg13 : memref<128xi32, #tpu.memory_space<vmem>>) target_semaphore(%arg19 : memref<!tpu.dma_semaphore, #tpu.memory_space<semaphore_mem>>)
    %scan3A_46 = arith.constant 0 : i32
    %scan3A_47 = arith.constant 0 : i32
    %scan3A_48 = arith.constant 20 : i32
    %scan3A_49 = arith.addi %scan3A_47, %scan3A_48 : i32
    %scan3A_50 = arith.constant 1 : i32
    %scan3A_51 = scf.for %scan3A_77 = %scan3A_47 to %scan3A_49 step %scan3A_50 iter_args(%scan3A_78 = %scan3A_46) -> (i32)  : i32 {
      %mul3A_79 = arith.constant 4 : i32
      %mul3A_80 = arith.muli %scan3A_77, %mul3A_79 : i32
      %add3A_81 = arith.constant 0 : i32
      %add3A_82 = arith.addi %mul3A_80, %add3A_81 : i32
      %add3A_83 = arith.constant 3 : i32
      %add3A_84 = arith.addi %add3A_82, %add3A_83 : i32
      %mul3A_85 = arith.constant 32 : i32
      %mul3A_86 = arith.muli %add3A_84, %mul3A_85 : i32
      %add3A_87 = arith.addi %add3A, %mul3A_86 : i32
      %min3A_88 = arith.constant 2499 : i32
      %min3A_89 = arith.minsi %add3A_87, %min3A_88 : i32
      %mul3A_90 = arith.constant 128 : i32
      %mul3A_91 = arith.muli %min3A_89, %mul3A_90 : i32
      %dma_start3A_92 = tpu.memref_slice %arg3[%mul3A_91] : memref<320000xi32, #tpu.memory_space<hbm>> -> memref<128xi32, #tpu.memory_space<hbm>>
      %dma_start3A_93 = tpu.memref_slice %arg3[%mul3A_91] : memref<320000xi32, #tpu.memory_space<hbm>> -> memref<128xi32, #tpu.memory_space<hbm>>
      tpu.enqueue_dma source(%dma_start3A_93 : memref<128xi32, #tpu.memory_space<hbm>>) target(%arg10 : memref<128xi32, #tpu.memory_space<vmem>>) target_semaphore(%arg20 : memref<!tpu.dma_semaphore, #tpu.memory_space<semaphore_mem>>)
      %dma_start3A_94 = tpu.memref_slice %arg4[%mul3A_91] : memref<320000xi32, #tpu.memory_space<hbm>> -> memref<128xi32, #tpu.memory_space<hbm>>
      %dma_start3A_95 = tpu.memref_slice %arg4[%mul3A_91] : memref<320000xi32, #tpu.memory_space<hbm>> -> memref<128xi32, #tpu.memory_space<hbm>>
      tpu.enqueue_dma source(%dma_start3A_95 : memref<128xi32, #tpu.memory_space<hbm>>) target(%arg14 : memref<128xi32, #tpu.memory_space<vmem>>) target_semaphore(%arg20 : memref<!tpu.dma_semaphore, #tpu.memory_space<semaphore_mem>>)
      %dma_wait3A_96 = arith.constant 0 : i32
      %dma_wait3A_97 = arith.constant 0 : i32
      %dma_wait3A_98 = tpu.memref_slice %arg2[%dma_wait3A_96, %dma_wait3A_97] : memref<10000x128xf32, #tpu.memory_space<hbm>> -> memref<10000x128xf32, #tpu.memory_space<hbm>>
      tpu.wait_indirect_dma semaphore(%arg17 : memref<!tpu.dma_semaphore, #tpu.memory_space<semaphore_mem>>) src(%dma_wait3A_98 : memref<10000x128xf32, #tpu.memory_space<hbm>>) dst(%arg15 : memref<128x128xf32, #tpu.memory_space<vmem>>)
      %mul3A_99 = arith.constant 32 : i32
      %mul3A_100 = arith.muli %add3A_82, %mul3A_99 : i32
      %add3A_101 = arith.addi %add3A, %mul3A_100 : i32
      %lt3A = arith.constant 2500 : i32
      %lt3A_102 = arith.cmpi slt, %add3A_101, %lt3A : i32
      %convert_element_type3A = arith.extui %lt3A_102 : i1 to i32
      %cond3A = arith.constant 0 : i32
      %cond3A_103 = arith.cmpi ne, %convert_element_type3A, %cond3A : i32
      scf.if %cond3A_103 {
        "tpu.region"() ({
          %run_scoped3A = tpu.sem_alloc : memref<!tpu.dma_semaphore, #tpu.memory_space<semaphore_mem>>
          %dma_start3A_227 = arith.constant 0 : i32
          %dma_start3A_228 = arith.constant 0 : i32
          %dma_start3A_229 = tpu.memref_slice %arg6[%dma_start3A_227, %dma_start3A_228] : memref<10240x128xf32, #tpu.memory_space<vmem_shared>> -> memref<10240x128xf32, #tpu.memory_space<vmem_shared>>
          tpu.enqueue_indirect_dma source(%arg15 : memref<128x128xf32, #tpu.memory_space<vmem>>) target(%dma_start3A_229 : memref<10240x128xf32, #tpu.memory_space<vmem_shared>>) offsets(%arg11 : memref<128xi32, #tpu.memory_space<vmem>>) semaphore(%run_scoped3A : memref<!tpu.dma_semaphore, #tpu.memory_space<semaphore_mem>>) {add = true}
          %dma_wait3A_230 = arith.constant 0 : i32
          %dma_wait3A_231 = arith.constant 0 : i32
          %dma_wait3A_232 = tpu.memref_slice %arg6[%dma_wait3A_230, %dma_wait3A_231] : memref<10240x128xf32, #tpu.memory_space<vmem_shared>> -> memref<10240x128xf32, #tpu.memory_space<vmem_shared>>
          tpu.wait_indirect_dma semaphore(%run_scoped3A : memref<!tpu.dma_semaphore, #tpu.memory_space<semaphore_mem>>) src(%arg15 : memref<128x128xf32, #tpu.memory_space<vmem>>) dst(%dma_wait3A_232 : memref<10240x128xf32, #tpu.memory_space<vmem_shared>>)
          tpu.yield
        }) : () -> ()
      } else {
      }
      %dma_wait3A_104 = arith.constant 0 : i32
      %dma_wait3A_105 = tpu.memref_slice %arg3[%dma_wait3A_104] : memref<320000xi32, #tpu.memory_space<hbm>> -> memref<128xi32, #tpu.memory_space<hbm>>
      %dma_wait3A_106 = arith.constant 0 : i32
      %dma_wait3A_107 = tpu.memref_slice %arg3[%dma_wait3A_106] : memref<320000xi32, #tpu.memory_space<hbm>> -> memref<128xi32, #tpu.memory_space<hbm>>
      tpu.wait_dma2 semaphore(%arg19 : memref<!tpu.dma_semaphore, #tpu.memory_space<semaphore_mem>>) src(%dma_wait3A_107 : memref<128xi32, #tpu.memory_space<hbm>>) dst(%arg9 : memref<128xi32, #tpu.memory_space<vmem>>)
      %dma_wait3A_108 = arith.constant 0 : i32
      %dma_wait3A_109 = tpu.memref_slice %arg4[%dma_wait3A_108] : memref<320000xi32, #tpu.memory_space<hbm>> -> memref<128xi32, #tpu.memory_space<hbm>>
      %dma_wait3A_110 = arith.constant 0 : i32
      %dma_wait3A_111 = tpu.memref_slice %arg4[%dma_wait3A_110] : memref<320000xi32, #tpu.memory_space<hbm>> -> memref<128xi32, #tpu.memory_space<hbm>>
      tpu.wait_dma2 semaphore(%arg19 : memref<!tpu.dma_semaphore, #tpu.memory_space<semaphore_mem>>) src(%dma_wait3A_111 : memref<128xi32, #tpu.memory_space<hbm>>) dst(%arg13 : memref<128xi32, #tpu.memory_space<vmem>>)
      %dma_start3A_112 = arith.constant 0 : i32
      %dma_start3A_113 = arith.constant 0 : i32
      %dma_start3A_114 = tpu.memref_slice %arg2[%dma_start3A_112, %dma_start3A_113] : memref<10000x128xf32, #tpu.memory_space<hbm>> -> memref<10000x128xf32, #tpu.memory_space<hbm>>
      tpu.enqueue_indirect_dma source(%dma_start3A_114 : memref<10000x128xf32, #tpu.memory_space<hbm>>) target(%arg15 : memref<128x128xf32, #tpu.memory_space<vmem>>) offsets(%arg9 : memref<128xi32, #tpu.memory_space<vmem>>) semaphore(%arg17 : memref<!tpu.dma_semaphore, #tpu.memory_space<semaphore_mem>>)
      %add3A_115 = arith.constant 1 : i32
      %add3A_116 = arith.addi %mul3A_80, %add3A_115 : i32
      %add3A_117 = arith.constant 3 : i32
      %add3A_118 = arith.addi %add3A_116, %add3A_117 : i32
      %mul3A_119 = arith.constant 32 : i32
      %mul3A_120 = arith.muli %add3A_118, %mul3A_119 : i32
      %add3A_121 = arith.addi %add3A, %mul3A_120 : i32
      %min3A_122 = arith.constant 2499 : i32
      %min3A_123 = arith.minsi %add3A_121, %min3A_122 : i32
      %mul3A_124 = arith.constant 128 : i32
      %mul3A_125 = arith.muli %min3A_123, %mul3A_124 : i32
      %dma_start3A_126 = tpu.memref_slice %arg3[%mul3A_125] : memref<320000xi32, #tpu.memory_space<hbm>> -> memref<128xi32, #tpu.memory_space<hbm>>
      %dma_start3A_127 = tpu.memref_slice %arg3[%mul3A_125] : memref<320000xi32, #tpu.memory_space<hbm>> -> memref<128xi32, #tpu.memory_space<hbm>>
      tpu.enqueue_dma source(%dma_start3A_127 : memref<128xi32, #tpu.memory_space<hbm>>) target(%arg7 : memref<128xi32, #tpu.memory_space<vmem>>) target_semaphore(%arg19 : memref<!tpu.dma_semaphore, #tpu.memory_space<semaphore_mem>>)
      %dma_start3A_128 = tpu.memref_slice %arg4[%mul3A_125] : memref<320000xi32, #tpu.memory_space<hbm>> -> memref<128xi32, #tpu.memory_space<hbm>>
      %dma_start3A_129 = tpu.memref_slice %arg4[%mul3A_125] : memref<320000xi32, #tpu.memory_space<hbm>> -> memref<128xi32, #tpu.memory_space<hbm>>
      tpu.enqueue_dma source(%dma_start3A_129 : memref<128xi32, #tpu.memory_space<hbm>>) target(%arg11 : memref<128xi32, #tpu.memory_space<vmem>>) target_semaphore(%arg19 : memref<!tpu.dma_semaphore, #tpu.memory_space<semaphore_mem>>)
      %dma_wait3A_130 = arith.constant 0 : i32
      %dma_wait3A_131 = arith.constant 0 : i32
      %dma_wait3A_132 = tpu.memref_slice %arg2[%dma_wait3A_130, %dma_wait3A_131] : memref<10000x128xf32, #tpu.memory_space<hbm>> -> memref<10000x128xf32, #tpu.memory_space<hbm>>
      tpu.wait_indirect_dma semaphore(%arg18 : memref<!tpu.dma_semaphore, #tpu.memory_space<semaphore_mem>>) src(%dma_wait3A_132 : memref<10000x128xf32, #tpu.memory_space<hbm>>) dst(%arg16 : memref<128x128xf32, #tpu.memory_space<vmem>>)
      %mul3A_133 = arith.constant 32 : i32
      %mul3A_134 = arith.muli %add3A_116, %mul3A_133 : i32
      %add3A_135 = arith.addi %add3A, %mul3A_134 : i32
      %lt3A_136 = arith.constant 2500 : i32
      %lt3A_137 = arith.cmpi slt, %add3A_135, %lt3A_136 : i32
      %convert_element_type3A_138 = arith.extui %lt3A_137 : i1 to i32
      %cond3A_139 = arith.constant 0 : i32
      %cond3A_140 = arith.cmpi ne, %convert_element_type3A_138, %cond3A_139 : i32
      scf.if %cond3A_140 {
        "tpu.region"() ({
          %run_scoped3A = tpu.sem_alloc : memref<!tpu.dma_semaphore, #tpu.memory_space<semaphore_mem>>
          %dma_start3A_227 = arith.constant 0 : i32
          %dma_start3A_228 = arith.constant 0 : i32
          %dma_start3A_229 = tpu.memref_slice %arg6[%dma_start3A_227, %dma_start3A_228] : memref<10240x128xf32, #tpu.memory_space<vmem_shared>> -> memref<10240x128xf32, #tpu.memory_space<vmem_shared>>
          tpu.enqueue_indirect_dma source(%arg16 : memref<128x128xf32, #tpu.memory_space<vmem>>) target(%dma_start3A_229 : memref<10240x128xf32, #tpu.memory_space<vmem_shared>>) offsets(%arg12 : memref<128xi32, #tpu.memory_space<vmem>>) semaphore(%run_scoped3A : memref<!tpu.dma_semaphore, #tpu.memory_space<semaphore_mem>>) {add = true}
          %dma_wait3A_230 = arith.constant 0 : i32
          %dma_wait3A_231 = arith.constant 0 : i32
          %dma_wait3A_232 = tpu.memref_slice %arg6[%dma_wait3A_230, %dma_wait3A_231] : memref<10240x128xf32, #tpu.memory_space<vmem_shared>> -> memref<10240x128xf32, #tpu.memory_space<vmem_shared>>
          tpu.wait_indirect_dma semaphore(%run_scoped3A : memref<!tpu.dma_semaphore, #tpu.memory_space<semaphore_mem>>) src(%arg16 : memref<128x128xf32, #tpu.memory_space<vmem>>) dst(%dma_wait3A_232 : memref<10240x128xf32, #tpu.memory_space<vmem_shared>>)
          tpu.yield
        }) : () -> ()
      } else {
      }
      %dma_wait3A_141 = arith.constant 0 : i32
      %dma_wait3A_142 = tpu.memref_slice %arg3[%dma_wait3A_141] : memref<320000xi32, #tpu.memory_space<hbm>> -> memref<128xi32, #tpu.memory_space<hbm>>
      %dma_wait3A_143 = arith.constant 0 : i32
      %dma_wait3A_144 = tpu.memref_slice %arg3[%dma_wait3A_143] : memref<320000xi32, #tpu.memory_space<hbm>> -> memref<128xi32, #tpu.memory_space<hbm>>
      tpu.wait_dma2 semaphore(%arg20 : memref<!tpu.dma_semaphore, #tpu.memory_space<semaphore_mem>>) src(%dma_wait3A_144 : memref<128xi32, #tpu.memory_space<hbm>>) dst(%arg10 : memref<128xi32, #tpu.memory_space<vmem>>)
      %dma_wait3A_145 = arith.constant 0 : i32
      %dma_wait3A_146 = tpu.memref_slice %arg4[%dma_wait3A_145] : memref<320000xi32, #tpu.memory_space<hbm>> -> memref<128xi32, #tpu.memory_space<hbm>>
      %dma_wait3A_147 = arith.constant 0 : i32
      %dma_wait3A_148 = tpu.memref_slice %arg4[%dma_wait3A_147] : memref<320000xi32, #tpu.memory_space<hbm>> -> memref<128xi32, #tpu.memory_space<hbm>>
      tpu.wait_dma2 semaphore(%arg20 : memref<!tpu.dma_semaphore, #tpu.memory_space<semaphore_mem>>) src(%dma_wait3A_148 : memref<128xi32, #tpu.memory_space<hbm>>) dst(%arg14 : memref<128xi32, #tpu.memory_space<vmem>>)
      %dma_start3A_149 = arith.constant 0 : i32
      %dma_start3A_150 = arith.constant 0 : i32
      %dma_start3A_151 = tpu.memref_slice %arg2[%dma_start3A_149, %dma_start3A_150] : memref<10000x128xf32, #tpu.memory_space<hbm>> -> memref<10000x128xf32, #tpu.memory_space<hbm>>
      tpu.enqueue_indirect_dma source(%dma_start3A_151 : memref<10000x128xf32, #tpu.memory_space<hbm>>) target(%arg16 : memref<128x128xf32, #tpu.memory_space<vmem>>) offsets(%arg10 : memref<128xi32, #tpu.memory_space<vmem>>) semaphore(%arg18 : memref<!tpu.dma_semaphore, #tpu.memory_space<semaphore_mem>>)
      %add3A_152 = arith.constant 2 : i32
      %add3A_153 = arith.addi %mul3A_80, %add3A_152 : i32
      %add3A_154 = arith.constant 3 : i32
      %add3A_155 = arith.addi %add3A_153, %add3A_154 : i32
      %mul3A_156 = arith.constant 32 : i32
      %mul3A_157 = arith.muli %add3A_155, %mul3A_156 : i32
      %add3A_158 = arith.addi %add3A, %mul3A_157 : i32
      %min3A_159 = arith.constant 2499 : i32
      %min3A_160 = arith.minsi %add3A_158, %min3A_159 : i32
      %mul3A_161 = arith.constant 128 : i32
      %mul3A_162 = arith.muli %min3A_160, %mul3A_161 : i32
      %dma_start3A_163 = tpu.memref_slice %arg3[%mul3A_162] : memref<320000xi32, #tpu.memory_space<hbm>> -> memref<128xi32, #tpu.memory_space<hbm>>
      %dma_start3A_164 = tpu.memref_slice %arg3[%mul3A_162] : memref<320000xi32, #tpu.memory_space<hbm>> -> memref<128xi32, #tpu.memory_space<hbm>>
      tpu.enqueue_dma source(%dma_start3A_164 : memref<128xi32, #tpu.memory_space<hbm>>) target(%arg8 : memref<128xi32, #tpu.memory_space<vmem>>) target_semaphore(%arg20 : memref<!tpu.dma_semaphore, #tpu.memory_space<semaphore_mem>>)
      %dma_start3A_165 = tpu.memref_slice %arg4[%mul3A_162] : memref<320000xi32, #tpu.memory_space<hbm>> -> memref<128xi32, #tpu.memory_space<hbm>>
      %dma_start3A_166 = tpu.memref_slice %arg4[%mul3A_162] : memref<320000xi32, #tpu.memory_space<hbm>> -> memref<128xi32, #tpu.memory_space<hbm>>
      tpu.enqueue_dma source(%dma_start3A_166 : memref<128xi32, #tpu.memory_space<hbm>>) target(%arg12 : memref<128xi32, #tpu.memory_space<vmem>>) target_semaphore(%arg20 : memref<!tpu.dma_semaphore, #tpu.memory_space<semaphore_mem>>)
      %dma_wait3A_167 = arith.constant 0 : i32
      %dma_wait3A_168 = arith.constant 0 : i32
      %dma_wait3A_169 = tpu.memref_slice %arg2[%dma_wait3A_167, %dma_wait3A_168] : memref<10000x128xf32, #tpu.memory_space<hbm>> -> memref<10000x128xf32, #tpu.memory_space<hbm>>
      tpu.wait_indirect_dma semaphore(%arg17 : memref<!tpu.dma_semaphore, #tpu.memory_space<semaphore_mem>>) src(%dma_wait3A_169 : memref<10000x128xf32, #tpu.memory_space<hbm>>) dst(%arg15 : memref<128x128xf32, #tpu.memory_space<vmem>>)
      %mul3A_170 = arith.constant 32 : i32
      %mul3A_171 = arith.muli %add3A_153, %mul3A_170 : i32
      %add3A_172 = arith.addi %add3A, %mul3A_171 : i32
      %lt3A_173 = arith.constant 2500 : i32
      %lt3A_174 = arith.cmpi slt, %add3A_172, %lt3A_173 : i32
      %convert_element_type3A_175 = arith.extui %lt3A_174 : i1 to i32
      %cond3A_176 = arith.constant 0 : i32
      %cond3A_177 = arith.cmpi ne, %convert_element_type3A_175, %cond3A_176 : i32
      scf.if %cond3A_177 {
        "tpu.region"() ({
          %run_scoped3A = tpu.sem_alloc : memref<!tpu.dma_semaphore, #tpu.memory_space<semaphore_mem>>
          %dma_start3A_227 = arith.constant 0 : i32
          %dma_start3A_228 = arith.constant 0 : i32
          %dma_start3A_229 = tpu.memref_slice %arg6[%dma_start3A_227, %dma_start3A_228] : memref<10240x128xf32, #tpu.memory_space<vmem_shared>> -> memref<10240x128xf32, #tpu.memory_space<vmem_shared>>
          tpu.enqueue_indirect_dma source(%arg15 : memref<128x128xf32, #tpu.memory_space<vmem>>) target(%dma_start3A_229 : memref<10240x128xf32, #tpu.memory_space<vmem_shared>>) offsets(%arg13 : memref<128xi32, #tpu.memory_space<vmem>>) semaphore(%run_scoped3A : memref<!tpu.dma_semaphore, #tpu.memory_space<semaphore_mem>>) {add = true}
          %dma_wait3A_230 = arith.constant 0 : i32
          %dma_wait3A_231 = arith.constant 0 : i32
          %dma_wait3A_232 = tpu.memref_slice %arg6[%dma_wait3A_230, %dma_wait3A_231] : memref<10240x128xf32, #tpu.memory_space<vmem_shared>> -> memref<10240x128xf32, #tpu.memory_space<vmem_shared>>
          tpu.wait_indirect_dma semaphore(%run_scoped3A : memref<!tpu.dma_semaphore, #tpu.memory_space<semaphore_mem>>) src(%arg15 : memref<128x128xf32, #tpu.memory_space<vmem>>) dst(%dma_wait3A_232 : memref<10240x128xf32, #tpu.memory_space<vmem_shared>>)
          tpu.yield
        }) : () -> ()
      } else {
      }
      %dma_wait3A_178 = arith.constant 0 : i32
      %dma_wait3A_179 = tpu.memref_slice %arg3[%dma_wait3A_178] : memref<320000xi32, #tpu.memory_space<hbm>> -> memref<128xi32, #tpu.memory_space<hbm>>
      %dma_wait3A_180 = arith.constant 0 : i32
      %dma_wait3A_181 = tpu.memref_slice %arg3[%dma_wait3A_180] : memref<320000xi32, #tpu.memory_space<hbm>> -> memref<128xi32, #tpu.memory_space<hbm>>
      tpu.wait_dma2 semaphore(%arg19 : memref<!tpu.dma_semaphore, #tpu.memory_space<semaphore_mem>>) src(%dma_wait3A_181 : memref<128xi32, #tpu.memory_space<hbm>>) dst(%arg7 : memref<128xi32, #tpu.memory_space<vmem>>)
      %dma_wait3A_182 = arith.constant 0 : i32
      %dma_wait3A_183 = tpu.memref_slice %arg4[%dma_wait3A_182] : memref<320000xi32, #tpu.memory_space<hbm>> -> memref<128xi32, #tpu.memory_space<hbm>>
      %dma_wait3A_184 = arith.constant 0 : i32
      %dma_wait3A_185 = tpu.memref_slice %arg4[%dma_wait3A_184] : memref<320000xi32, #tpu.memory_space<hbm>> -> memref<128xi32, #tpu.memory_space<hbm>>
      tpu.wait_dma2 semaphore(%arg19 : memref<!tpu.dma_semaphore, #tpu.memory_space<semaphore_mem>>) src(%dma_wait3A_185 : memref<128xi32, #tpu.memory_space<hbm>>) dst(%arg11 : memref<128xi32, #tpu.memory_space<vmem>>)
      %dma_start3A_186 = arith.constant 0 : i32
      %dma_start3A_187 = arith.constant 0 : i32
      %dma_start3A_188 = tpu.memref_slice %arg2[%dma_start3A_186, %dma_start3A_187] : memref<10000x128xf32, #tpu.memory_space<hbm>> -> memref<10000x128xf32, #tpu.memory_space<hbm>>
      tpu.enqueue_indirect_dma source(%dma_start3A_188 : memref<10000x128xf32, #tpu.memory_space<hbm>>) target(%arg15 : memref<128x128xf32, #tpu.memory_space<vmem>>) offsets(%arg7 : memref<128xi32, #tpu.memory_space<vmem>>) semaphore(%arg17 : memref<!tpu.dma_semaphore, #tpu.memory_space<semaphore_mem>>)
      %add3A_189 = arith.constant 3 : i32
      %add3A_190 = arith.addi %mul3A_80, %add3A_189 : i32
      %add3A_191 = arith.constant 3 : i32
      %add3A_192 = arith.addi %add3A_190, %add3A_191 : i32
      %mul3A_193 = arith.constant 32 : i32
      %mul3A_194 = arith.muli %add3A_192, %mul3A_193 : i32
      %add3A_195 = arith.addi %add3A, %mul3A_194 : i32
      %min3A_196 = arith.constant 2499 : i32
      %min3A_197 = arith.minsi %add3A_195, %min3A_196 : i32
      %mul3A_198 = arith.constant 128 : i32
      %mul3A_199 = arith.muli %min3A_197, %mul3A_198 : i32
      %dma_start3A_200 = tpu.memref_slice %arg3[%mul3A_199] : memref<320000xi32, #tpu.memory_space<hbm>> -> memref<128xi32, #tpu.memory_space<hbm>>
      %dma_start3A_201 = tpu.memref_slice %arg3[%mul3A_199] : memref<320000xi32, #tpu.memory_space<hbm>> -> memref<128xi32, #tpu.memory_space<hbm>>
      tpu.enqueue_dma source(%dma_start3A_201 : memref<128xi32, #tpu.memory_space<hbm>>) target(%arg9 : memref<128xi32, #tpu.memory_space<vmem>>) target_semaphore(%arg19 : memref<!tpu.dma_semaphore, #tpu.memory_space<semaphore_mem>>)
      %dma_start3A_202 = tpu.memref_slice %arg4[%mul3A_199] : memref<320000xi32, #tpu.memory_space<hbm>> -> memref<128xi32, #tpu.memory_space<hbm>>
      %dma_start3A_203 = tpu.memref_slice %arg4[%mul3A_199] : memref<320000xi32, #tpu.memory_space<hbm>> -> memref<128xi32, #tpu.memory_space<hbm>>
      tpu.enqueue_dma source(%dma_start3A_203 : memref<128xi32, #tpu.memory_space<hbm>>) target(%arg13 : memref<128xi32, #tpu.memory_space<vmem>>) target_semaphore(%arg19 : memref<!tpu.dma_semaphore, #tpu.memory_space<semaphore_mem>>)
      %dma_wait3A_204 = arith.constant 0 : i32
      %dma_wait3A_205 = arith.constant 0 : i32
      %dma_wait3A_206 = tpu.memref_slice %arg2[%dma_wait3A_204, %dma_wait3A_205] : memref<10000x128xf32, #tpu.memory_space<hbm>> -> memref<10000x128xf32, #tpu.memory_space<hbm>>
      tpu.wait_indirect_dma semaphore(%arg18 : memref<!tpu.dma_semaphore, #tpu.memory_space<semaphore_mem>>) src(%dma_wait3A_206 : memref<10000x128xf32, #tpu.memory_space<hbm>>) dst(%arg16 : memref<128x128xf32, #tpu.memory_space<vmem>>)
      %mul3A_207 = arith.constant 32 : i32
      %mul3A_208 = arith.muli %add3A_190, %mul3A_207 : i32
      %add3A_209 = arith.addi %add3A, %mul3A_208 : i32
      %lt3A_210 = arith.constant 2500 : i32
      %lt3A_211 = arith.cmpi slt, %add3A_209, %lt3A_210 : i32
      %convert_element_type3A_212 = arith.extui %lt3A_211 : i1 to i32
      %cond3A_213 = arith.constant 0 : i32
      %cond3A_214 = arith.cmpi ne, %convert_element_type3A_212, %cond3A_213 : i32
      scf.if %cond3A_214 {
        "tpu.region"() ({
          %run_scoped3A = tpu.sem_alloc : memref<!tpu.dma_semaphore, #tpu.memory_space<semaphore_mem>>
          %dma_start3A_227 = arith.constant 0 : i32
          %dma_start3A_228 = arith.constant 0 : i32
          %dma_start3A_229 = tpu.memref_slice %arg6[%dma_start3A_227, %dma_start3A_228] : memref<10240x128xf32, #tpu.memory_space<vmem_shared>> -> memref<10240x128xf32, #tpu.memory_space<vmem_shared>>
          tpu.enqueue_indirect_dma source(%arg16 : memref<128x128xf32, #tpu.memory_space<vmem>>) target(%dma_start3A_229 : memref<10240x128xf32, #tpu.memory_space<vmem_shared>>) offsets(%arg14 : memref<128xi32, #tpu.memory_space<vmem>>) semaphore(%run_scoped3A : memref<!tpu.dma_semaphore, #tpu.memory_space<semaphore_mem>>) {add = true}
          %dma_wait3A_230 = arith.constant 0 : i32
          %dma_wait3A_231 = arith.constant 0 : i32
          %dma_wait3A_232 = tpu.memref_slice %arg6[%dma_wait3A_230, %dma_wait3A_231] : memref<10240x128xf32, #tpu.memory_space<vmem_shared>> -> memref<10240x128xf32, #tpu.memory_space<vmem_shared>>
          tpu.wait_indirect_dma semaphore(%run_scoped3A : memref<!tpu.dma_semaphore, #tpu.memory_space<semaphore_mem>>) src(%arg16 : memref<128x128xf32, #tpu.memory_space<vmem>>) dst(%dma_wait3A_232 : memref<10240x128xf32, #tpu.memory_space<vmem_shared>>)
          tpu.yield
        }) : () -> ()
      } else {
      }
      %dma_wait3A_215 = arith.constant 0 : i32
      %dma_wait3A_216 = tpu.memref_slice %arg3[%dma_wait3A_215] : memref<320000xi32, #tpu.memory_space<hbm>> -> memref<128xi32, #tpu.memory_space<hbm>>
      %dma_wait3A_217 = arith.constant 0 : i32
      %dma_wait3A_218 = tpu.memref_slice %arg3[%dma_wait3A_217] : memref<320000xi32, #tpu.memory_space<hbm>> -> memref<128xi32, #tpu.memory_space<hbm>>
      tpu.wait_dma2 semaphore(%arg20 : memref<!tpu.dma_semaphore, #tpu.memory_space<semaphore_mem>>) src(%dma_wait3A_218 : memref<128xi32, #tpu.memory_space<hbm>>) dst(%arg8 : memref<128xi32, #tpu.memory_space<vmem>>)
      %dma_wait3A_219 = arith.constant 0 : i32
      %dma_wait3A_220 = tpu.memref_slice %arg4[%dma_wait3A_219] : memref<320000xi32, #tpu.memory_space<hbm>> -> memref<128xi32, #tpu.memory_space<hbm>>
      %dma_wait3A_221 = arith.constant 0 : i32
      %dma_wait3A_222 = tpu.memref_slice %arg4[%dma_wait3A_221] : memref<320000xi32, #tpu.memory_space<hbm>> -> memref<128xi32, #tpu.memory_space<hbm>>
      tpu.wait_dma2 semaphore(%arg20 : memref<!tpu.dma_semaphore, #tpu.memory_space<semaphore_mem>>) src(%dma_wait3A_222 : memref<128xi32, #tpu.memory_space<hbm>>) dst(%arg12 : memref<128xi32, #tpu.memory_space<vmem>>)
      %dma_start3A_223 = arith.constant 0 : i32
      %dma_start3A_224 = arith.constant 0 : i32
      %dma_start3A_225 = tpu.memref_slice %arg2[%dma_start3A_223, %dma_start3A_224] : memref<10000x128xf32, #tpu.memory_space<hbm>> -> memref<10000x128xf32, #tpu.memory_space<hbm>>
      tpu.enqueue_indirect_dma source(%dma_start3A_225 : memref<10000x128xf32, #tpu.memory_space<hbm>>) target(%arg16 : memref<128x128xf32, #tpu.memory_space<vmem>>) offsets(%arg8 : memref<128xi32, #tpu.memory_space<vmem>>) semaphore(%arg18 : memref<!tpu.dma_semaphore, #tpu.memory_space<semaphore_mem>>)
      %scan3A_226 = arith.constant 0 : i32
      scf.yield %scan3A_226 : i32
    }
    %scan3A_52 = arith.constant 20 : i32
    %dma_wait3A = arith.constant 0 : i32
    %dma_wait3A_53 = arith.constant 0 : i32
    %dma_wait3A_54 = tpu.memref_slice %arg2[%dma_wait3A, %dma_wait3A_53] : memref<10000x128xf32, #tpu.memory_space<hbm>> -> memref<10000x128xf32, #tpu.memory_space<hbm>>
    tpu.wait_indirect_dma semaphore(%arg17 : memref<!tpu.dma_semaphore, #tpu.memory_space<semaphore_mem>>) src(%dma_wait3A_54 : memref<10000x128xf32, #tpu.memory_space<hbm>>) dst(%arg15 : memref<128x128xf32, #tpu.memory_space<vmem>>)
    %dma_wait3A_55 = arith.constant 0 : i32
    %dma_wait3A_56 = arith.constant 0 : i32
    %dma_wait3A_57 = tpu.memref_slice %arg2[%dma_wait3A_55, %dma_wait3A_56] : memref<10000x128xf32, #tpu.memory_space<hbm>> -> memref<10000x128xf32, #tpu.memory_space<hbm>>
    tpu.wait_indirect_dma semaphore(%arg18 : memref<!tpu.dma_semaphore, #tpu.memory_space<semaphore_mem>>) src(%dma_wait3A_57 : memref<10000x128xf32, #tpu.memory_space<hbm>>) dst(%arg16 : memref<128x128xf32, #tpu.memory_space<vmem>>)
    %dma_wait3A_58 = arith.constant 0 : i32
    %dma_wait3A_59 = tpu.memref_slice %arg3[%dma_wait3A_58] : memref<320000xi32, #tpu.memory_space<hbm>> -> memref<128xi32, #tpu.memory_space<hbm>>
    %dma_wait3A_60 = arith.constant 0 : i32
    %dma_wait3A_61 = tpu.memref_slice %arg3[%dma_wait3A_60] : memref<320000xi32, #tpu.memory_space<hbm>> -> memref<128xi32, #tpu.memory_space<hbm>>
    tpu.wait_dma2 semaphore(%arg19 : memref<!tpu.dma_semaphore, #tpu.memory_space<semaphore_mem>>) src(%dma_wait3A_61 : memref<128xi32, #tpu.memory_space<hbm>>) dst(%arg9 : memref<128xi32, #tpu.memory_space<vmem>>)
    %dma_wait3A_62 = arith.constant 0 : i32
    %dma_wait3A_63 = tpu.memref_slice %arg4[%dma_wait3A_62] : memref<320000xi32, #tpu.memory_space<hbm>> -> memref<128xi32, #tpu.memory_space<hbm>>
    %dma_wait3A_64 = arith.constant 0 : i32
    %dma_wait3A_65 = tpu.memref_slice %arg4[%dma_wait3A_64] : memref<320000xi32, #tpu.memory_space<hbm>> -> memref<128xi32, #tpu.memory_space<hbm>>
    tpu.wait_dma2 semaphore(%arg19 : memref<!tpu.dma_semaphore, #tpu.memory_space<semaphore_mem>>) src(%dma_wait3A_65 : memref<128xi32, #tpu.memory_space<hbm>>) dst(%arg13 : memref<128xi32, #tpu.memory_space<vmem>>)
    %barrier3A_66 = arith.constant 0 : index
    tpu.barrier barrier_id(%barrier3A_66)
    %add3A_67 = arith.constant 0 : i32
    %add3A_68 = arith.addi %mul3A_9, %add3A_67 : i32
    "tpu.region"() ({
      %run_scoped3A = tpu.sem_alloc : memref<!tpu.dma_semaphore, #tpu.memory_space<semaphore_mem>>
      %dma_start3A_77 = arith.constant 0 : i32
      %dma_start3A_78 = tpu.memref_slice %arg5[%arg0, %add3A_68, %dma_start3A_77] : memref<2x10240x128xf32, #tpu.memory_space<hbm>> -> memref<1x128x128xf32, #tpu.memory_space<hbm>>
      %dma_start3A_79 = tpu.memref_squeeze %dma_start3A_78 : memref<1x128x128xf32, #tpu.memory_space<hbm>> -> memref<128x128xf32, #tpu.memory_space<hbm>>
      %dma_start3A_80 = arith.constant 0 : i32
      %dma_start3A_81 = tpu.memref_slice %arg6[%add3A_68, %dma_start3A_80] : memref<10240x128xf32, #tpu.memory_space<vmem_shared>> -> memref<128x128xf32, #tpu.memory_space<vmem_shared>>
      tpu.enqueue_dma source(%dma_start3A_81 : memref<128x128xf32, #tpu.memory_space<vmem_shared>>) target(%dma_start3A_79 : memref<128x128xf32, #tpu.memory_space<hbm>>) target_semaphore(%run_scoped3A : memref<!tpu.dma_semaphore, #tpu.memory_space<semaphore_mem>>)
      %dma_wait3A_82 = arith.constant 0 : i32
      %dma_wait3A_83 = tpu.memref_slice %arg5[%arg0, %add3A_68, %dma_wait3A_82] : memref<2x10240x128xf32, #tpu.memory_space<hbm>> -> memref<1x128x128xf32, #tpu.memory_space<hbm>>
      %dma_wait3A_84 = tpu.memref_squeeze %dma_wait3A_83 : memref<1x128x128xf32, #tpu.memory_space<hbm>> -> memref<128x128xf32, #tpu.memory_space<hbm>>
      %dma_wait3A_85 = arith.constant 0 : i32
      %dma_wait3A_86 = tpu.memref_slice %arg6[%add3A_68, %dma_wait3A_85] : memref<10240x128xf32, #tpu.memory_space<vmem_shared>> -> memref<128x128xf32, #tpu.memory_space<vmem_shared>>
      tpu.wait_dma2 semaphore(%run_scoped3A : memref<!tpu.dma_semaphore, #tpu.memory_space<semaphore_mem>>) src(%dma_wait3A_86 : memref<128x128xf32, #tpu.memory_space<vmem_shared>>) dst(%dma_wait3A_84 : memref<128x128xf32, #tpu.memory_space<hbm>>)
      tpu.yield
    }) : () -> ()
    %add3A_69 = arith.constant 128 : i32
    %add3A_70 = arith.addi %mul3A_9, %add3A_69 : i32
    "tpu.region"() ({
      %run_scoped3A = tpu.sem_alloc : memref<!tpu.dma_semaphore, #tpu.memory_space<semaphore_mem>>
      %dma_start3A_77 = arith.constant 0 : i32
      %dma_start3A_78 = tpu.memref_slice %arg5[%arg0, %add3A_70, %dma_start3A_77] : memref<2x10240x128xf32, #tpu.memory_space<hbm>> -> memref<1x128x128xf32, #tpu.memory_space<hbm>>
      %dma_start3A_79 = tpu.memref_squeeze %dma_start3A_78 : memref<1x128x128xf32, #tpu.memory_space<hbm>> -> memref<128x128xf32, #tpu.memory_space<hbm>>
      %dma_start3A_80 = arith.constant 0 : i32
      %dma_start3A_81 = tpu.memref_slice %arg6[%add3A_70, %dma_start3A_80] : memref<10240x128xf32, #tpu.memory_space<vmem_shared>> -> memref<128x128xf32, #tpu.memory_space<vmem_shared>>
      tpu.enqueue_dma source(%dma_start3A_81 : memref<128x128xf32, #tpu.memory_space<vmem_shared>>) target(%dma_start3A_79 : memref<128x128xf32, #tpu.memory_space<hbm>>) target_semaphore(%run_scoped3A : memref<!tpu.dma_semaphore, #tpu.memory_space<semaphore_mem>>)
      %dma_wait3A_82 = arith.constant 0 : i32
      %dma_wait3A_83 = tpu.memref_slice %arg5[%arg0, %add3A_70, %dma_wait3A_82] : memref<2x10240x128xf32, #tpu.memory_space<hbm>> -> memref<1x128x128xf32, #tpu.memory_space<hbm>>
      %dma_wait3A_84 = tpu.memref_squeeze %dma_wait3A_83 : memref<1x128x128xf32, #tpu.memory_space<hbm>> -> memref<128x128xf32, #tpu.memory_space<hbm>>
      %dma_wait3A_85 = arith.constant 0 : i32
      %dma_wait3A_86 = tpu.memref_slice %arg6[%add3A_70, %dma_wait3A_85] : memref<10240x128xf32, #tpu.memory_space<vmem_shared>> -> memref<128x128xf32, #tpu.memory_space<vmem_shared>>
      tpu.wait_dma2 semaphore(%run_scoped3A : memref<!tpu.dma_semaphore, #tpu.memory_space<semaphore_mem>>) src(%dma_wait3A_86 : memref<128x128xf32, #tpu.memory_space<vmem_shared>>) dst(%dma_wait3A_84 : memref<128x128xf32, #tpu.memory_space<hbm>>)
      tpu.yield
    }) : () -> ()
    %add3A_71 = arith.constant 256 : i32
    %add3A_72 = arith.addi %mul3A_9, %add3A_71 : i32
    "tpu.region"() ({
      %run_scoped3A = tpu.sem_alloc : memref<!tpu.dma_semaphore, #tpu.memory_space<semaphore_mem>>
      %dma_start3A_77 = arith.constant 0 : i32
      %dma_start3A_78 = tpu.memref_slice %arg5[%arg0, %add3A_72, %dma_start3A_77] : memref<2x10240x128xf32, #tpu.memory_space<hbm>> -> memref<1x128x128xf32, #tpu.memory_space<hbm>>
      %dma_start3A_79 = tpu.memref_squeeze %dma_start3A_78 : memref<1x128x128xf32, #tpu.memory_space<hbm>> -> memref<128x128xf32, #tpu.memory_space<hbm>>
      %dma_start3A_80 = arith.constant 0 : i32
      %dma_start3A_81 = tpu.memref_slice %arg6[%add3A_72, %dma_start3A_80] : memref<10240x128xf32, #tpu.memory_space<vmem_shared>> -> memref<128x128xf32, #tpu.memory_space<vmem_shared>>
      tpu.enqueue_dma source(%dma_start3A_81 : memref<128x128xf32, #tpu.memory_space<vmem_shared>>) target(%dma_start3A_79 : memref<128x128xf32, #tpu.memory_space<hbm>>) target_semaphore(%run_scoped3A : memref<!tpu.dma_semaphore, #tpu.memory_space<semaphore_mem>>)
      %dma_wait3A_82 = arith.constant 0 : i32
      %dma_wait3A_83 = tpu.memref_slice %arg5[%arg0, %add3A_72, %dma_wait3A_82] : memref<2x10240x128xf32, #tpu.memory_space<hbm>> -> memref<1x128x128xf32, #tpu.memory_space<hbm>>
      %dma_wait3A_84 = tpu.memref_squeeze %dma_wait3A_83 : memref<1x128x128xf32, #tpu.memory_space<hbm>> -> memref<128x128xf32, #tpu.memory_space<hbm>>
      %dma_wait3A_85 = arith.constant 0 : i32
      %dma_wait3A_86 = tpu.memref_slice %arg6[%add3A_72, %dma_wait3A_85] : memref<10240x128xf32, #tpu.memory_space<vmem_shared>> -> memref<128x128xf32, #tpu.memory_space<vmem_shared>>
      tpu.wait_dma2 semaphore(%run_scoped3A : memref<!tpu.dma_semaphore, #tpu.memory_space<semaphore_mem>>) src(%dma_wait3A_86 : memref<128x128xf32, #tpu.memory_space<vmem_shared>>) dst(%dma_wait3A_84 : memref<128x128xf32, #tpu.memory_space<hbm>>)
      tpu.yield
    }) : () -> ()
    %add3A_73 = arith.constant 384 : i32
    %add3A_74 = arith.addi %mul3A_9, %add3A_73 : i32
    "tpu.region"() ({
      %run_scoped3A = tpu.sem_alloc : memref<!tpu.dma_semaphore, #tpu.memory_space<semaphore_mem>>
      %dma_start3A_77 = arith.constant 0 : i32
      %dma_start3A_78 = tpu.memref_slice %arg5[%arg0, %add3A_74, %dma_start3A_77] : memref<2x10240x128xf32, #tpu.memory_space<hbm>> -> memref<1x128x128xf32, #tpu.memory_space<hbm>>
      %dma_start3A_79 = tpu.memref_squeeze %dma_start3A_78 : memref<1x128x128xf32, #tpu.memory_space<hbm>> -> memref<128x128xf32, #tpu.memory_space<hbm>>
      %dma_start3A_80 = arith.constant 0 : i32
      %dma_start3A_81 = tpu.memref_slice %arg6[%add3A_74, %dma_start3A_80] : memref<10240x128xf32, #tpu.memory_space<vmem_shared>> -> memref<128x128xf32, #tpu.memory_space<vmem_shared>>
      tpu.enqueue_dma source(%dma_start3A_81 : memref<128x128xf32, #tpu.memory_space<vmem_shared>>) target(%dma_start3A_79 : memref<128x128xf32, #tpu.memory_space<hbm>>) target_semaphore(%run_scoped3A : memref<!tpu.dma_semaphore, #tpu.memory_space<semaphore_mem>>)
      %dma_wait3A_82 = arith.constant 0 : i32
      %dma_wait3A_83 = tpu.memref_slice %arg5[%arg0, %add3A_74, %dma_wait3A_82] : memref<2x10240x128xf32, #tpu.memory_space<hbm>> -> memref<1x128x128xf32, #tpu.memory_space<hbm>>
      %dma_wait3A_84 = tpu.memref_squeeze %dma_wait3A_83 : memref<1x128x128xf32, #tpu.memory_space<hbm>> -> memref<128x128xf32, #tpu.memory_space<hbm>>
      %dma_wait3A_85 = arith.constant 0 : i32
      %dma_wait3A_86 = tpu.memref_slice %arg6[%add3A_74, %dma_wait3A_85] : memref<10240x128xf32, #tpu.memory_space<vmem_shared>> -> memref<128x128xf32, #tpu.memory_space<vmem_shared>>
      tpu.wait_dma2 semaphore(%run_scoped3A : memref<!tpu.dma_semaphore, #tpu.memory_space<semaphore_mem>>) src(%dma_wait3A_86 : memref<128x128xf32, #tpu.memory_space<vmem_shared>>) dst(%dma_wait3A_84 : memref<128x128xf32, #tpu.memory_space<hbm>>)
      tpu.yield
    }) : () -> ()
    %add3A_75 = arith.constant 512 : i32
    %add3A_76 = arith.addi %mul3A_9, %add3A_75 : i32
    "tpu.region"() ({
      %run_scoped3A = tpu.sem_alloc : memref<!tpu.dma_semaphore, #tpu.memory_space<semaphore_mem>>
      %dma_start3A_77 = arith.constant 0 : i32
      %dma_start3A_78 = tpu.memref_slice %arg5[%arg0, %add3A_76, %dma_start3A_77] : memref<2x10240x128xf32, #tpu.memory_space<hbm>> -> memref<1x128x128xf32, #tpu.memory_space<hbm>>
      %dma_start3A_79 = tpu.memref_squeeze %dma_start3A_78 : memref<1x128x128xf32, #tpu.memory_space<hbm>> -> memref<128x128xf32, #tpu.memory_space<hbm>>
      %dma_start3A_80 = arith.constant 0 : i32
      %dma_start3A_81 = tpu.memref_slice %arg6[%add3A_76, %dma_start3A_80] : memref<10240x128xf32, #tpu.memory_space<vmem_shared>> -> memref<128x128xf32, #tpu.memory_space<vmem_shared>>
      tpu.enqueue_dma source(%dma_start3A_81 : memref<128x128xf32, #tpu.memory_space<vmem_shared>>) target(%dma_start3A_79 : memref<128x128xf32, #tpu.memory_space<hbm>>) target_semaphore(%run_scoped3A : memref<!tpu.dma_semaphore, #tpu.memory_space<semaphore_mem>>)
      %dma_wait3A_82 = arith.constant 0 : i32
      %dma_wait3A_83 = tpu.memref_slice %arg5[%arg0, %add3A_76, %dma_wait3A_82] : memref<2x10240x128xf32, #tpu.memory_space<hbm>> -> memref<1x128x128xf32, #tpu.memory_space<hbm>>
      %dma_wait3A_84 = tpu.memref_squeeze %dma_wait3A_83 : memref<1x128x128xf32, #tpu.memory_space<hbm>> -> memref<128x128xf32, #tpu.memory_space<hbm>>
      %dma_wait3A_85 = arith.constant 0 : i32
      %dma_wait3A_86 = tpu.memref_slice %arg6[%add3A_76, %dma_wait3A_85] : memref<10240x128xf32, #tpu.memory_space<vmem_shared>> -> memref<128x128xf32, #tpu.memory_space<vmem_shared>>
      tpu.wait_dma2 semaphore(%run_scoped3A : memref<!tpu.dma_semaphore, #tpu.memory_space<semaphore_mem>>) src(%dma_wait3A_86 : memref<128x128xf32, #tpu.memory_space<vmem_shared>>) dst(%dma_wait3A_84 : memref<128x128xf32, #tpu.memory_space<hbm>>)
      tpu.yield
    }) : () -> ()
    return
  }
}

module attributes {stable_mosaic.version = 14 : i64} {
  func.func @_tc_body(%arg0: i32, %arg1: memref<2x1000x128xf32, #tpu.memory_space<vmem>>, %arg2: memref<2x1000x128xf32, #tpu.memory_space<vmem>>, %arg3: memref<1000x128xf32, #tpu.memory_space<vmem>>, %arg4: memref<128x128xf32, #tpu.memory_space<vmem>>, %arg5: memref<128x128xf32, #tpu.memory_space<vmem>>, %arg6: memref<1x128xf32, #tpu.memory_space<vmem>>, %arg7: memref<1000x128xf32, #tpu.memory_space<vmem>>) attributes {dimension_semantics = [#tpu.dimension_semantics<arbitrary>], iteration_bounds = array<i64: 10>, scalar_prefetch = 0 : i64, scratch_operands = 0 : i64, tpu.core_type = #tpu.core_type<tc>, window_params = [{transform_indices = @transform_0, window_bounds = array<i64: 2, 1000, 128>}, {transform_indices = @transform_1, window_bounds = array<i64: 2, 1000, 128>}, {transform_indices = @transform_2, window_bounds = array<i64: 1000, 128>}, {pipeline_mode = #tpu.pipeline_mode<synchronous>, transform_indices = @transform_3, window_bounds = array<i64: 128, 128>}, {pipeline_mode = #tpu.pipeline_mode<synchronous>, transform_indices = @transform_4, window_bounds = array<i64: 128, 128>}, {pipeline_mode = #tpu.pipeline_mode<synchronous>, transform_indices = @transform_5, window_bounds = array<i64: 1, 128>}, {transform_indices = @transform_6, window_bounds = array<i64: 1000, 128>}]} {
    %get3A = arith.constant 0 : index
    %get3A_0 = arith.constant 0 : index
    %get3A_1 = arith.constant 0 : index
    %get3A_2 = vector.load %arg1[%get3A, %get3A_0, %get3A_1] : memref<2x1000x128xf32, #tpu.memory_space<vmem>>, vector<1x1000x128xf32>
    %get3A_3 = vector.shape_cast %get3A_2 : vector<1x1000x128xf32> to vector<1000x128xf32>
    %get3A_4 = arith.constant 1 : index
    %get3A_5 = arith.constant 0 : index
    %get3A_6 = arith.constant 0 : index
    %get3A_7 = vector.load %arg1[%get3A_4, %get3A_5, %get3A_6] : memref<2x1000x128xf32, #tpu.memory_space<vmem>>, vector<1x1000x128xf32>
    %get3A_8 = vector.shape_cast %get3A_7 : vector<1x1000x128xf32> to vector<1000x128xf32>
    %add3A = arith.addf %get3A_3, %get3A_8 : vector<1000x128xf32>
    %get3A_9 = arith.constant 0 : index
    %get3A_10 = arith.constant 0 : index
    %get3A_11 = arith.constant 0 : index
    %get3A_12 = vector.load %arg2[%get3A_9, %get3A_10, %get3A_11] : memref<2x1000x128xf32, #tpu.memory_space<vmem>>, vector<1x1000x128xf32>
    %get3A_13 = vector.shape_cast %get3A_12 : vector<1x1000x128xf32> to vector<1000x128xf32>
    %get3A_14 = arith.constant 1 : index
    %get3A_15 = arith.constant 0 : index
    %get3A_16 = arith.constant 0 : index
    %get3A_17 = vector.load %arg2[%get3A_14, %get3A_15, %get3A_16] : memref<2x1000x128xf32, #tpu.memory_space<vmem>>, vector<1x1000x128xf32>
    %get3A_18 = vector.shape_cast %get3A_17 : vector<1x1000x128xf32> to vector<1000x128xf32>
    %add3A_19 = arith.addf %get3A_13, %get3A_18 : vector<1000x128xf32>
    %max3A = arith.constant 1.000000e+00 : f32
    %max3A_20 = vector.broadcast %max3A : f32 to vector<1000x128xf32>
    %max3A_21 = arith.maximumf %add3A_19, %max3A_20 : vector<1000x128xf32>
    %div3A = arith.divf %add3A, %max3A_21 : vector<1000x128xf32>
    %get3A_22 = arith.constant 0 : index
    %get3A_23 = arith.constant 0 : index
    %get3A_24 = vector.load %arg4[%get3A_22, %get3A_23] : memref<128x128xf32, #tpu.memory_space<vmem>>, vector<128x128xf32>
    %dot_general3A = arith.constant dense<0.000000e+00> : vector<1000x128xf32>
    %dot_general3A_25 = tpu.matmul %div3A, %get3A_24, %dot_general3A {dimension_numbers = #tpu.dot_dimension_numbers<[1], [0], [0], [1], [0, 0, 1, 1], [], []>, transpose_lhs_hint = false} : vector<1000x128xf32>, vector<128x128xf32>, vector<1000x128xf32> -> vector<1000x128xf32>
    %get3A_26 = arith.constant 0 : index
    %get3A_27 = arith.constant 0 : index
    %get3A_28 = vector.load %arg3[%get3A_26, %get3A_27] : memref<1000x128xf32, #tpu.memory_space<vmem>>, vector<1000x128xf32>
    %get3A_29 = arith.constant 0 : index
    %get3A_30 = arith.constant 0 : index
    %get3A_31 = vector.load %arg5[%get3A_29, %get3A_30] : memref<128x128xf32, #tpu.memory_space<vmem>>, vector<128x128xf32>
    %dot_general3A_32 = arith.constant dense<0.000000e+00> : vector<1000x128xf32>
    %dot_general3A_33 = tpu.matmul %get3A_28, %get3A_31, %dot_general3A_32 {dimension_numbers = #tpu.dot_dimension_numbers<[1], [0], [0], [1], [0, 0, 1, 1], [], []>, transpose_lhs_hint = false} : vector<1000x128xf32>, vector<128x128xf32>, vector<1000x128xf32> -> vector<1000x128xf32>
    %add3A_34 = arith.addf %dot_general3A_25, %dot_general3A_33 : vector<1000x128xf32>
    %get3A_35 = arith.constant 0 : index
    %get3A_36 = arith.constant 0 : index
    %get3A_37 = vector.load %arg6[%get3A_35, %get3A_36] : memref<1x128xf32, #tpu.memory_space<vmem>>, vector<1x128xf32>
    %add3A_38 = vector.broadcast %get3A_37 : vector<1x128xf32> to vector<1000x128xf32>
    %add3A_39 = arith.addf %add3A_34, %add3A_38 : vector<1000x128xf32>
    %max3A_40 = arith.constant 0.000000e+00 : f32
    %max3A_41 = vector.broadcast %max3A_40 : f32 to vector<1000x128xf32>
    %max3A_42 = arith.maximumf %add3A_39, %max3A_41 : vector<1000x128xf32>
    %swap3A = arith.constant 0 : index
    %swap3A_43 = arith.constant 0 : index
    %swap3A_44 = vector.load %arg7[%swap3A, %swap3A_43] : memref<1000x128xf32, #tpu.memory_space<vmem>>, vector<1000x128xf32>
    tpu.vector_store %arg7[%swap3A, %swap3A_43], %max3A_42 {strides = array<i32>} : memref<1000x128xf32, #tpu.memory_space<vmem>>, vector<1000x128xf32>,
    return
  }
  func.func @transform_0(%arg0: i32) -> (i32, i32, i32) {
    %c0_i32 = arith.constant 0 : i32
    %c0_i32_0 = arith.constant 0 : i32
    %c0_i32_1 = arith.constant 0 : i32
    return %c0_i32, %arg0, %c0_i32_0 : i32, i32, i32
  }
  func.func @transform_1(%arg0: i32) -> (i32, i32, i32) {
    %c0_i32 = arith.constant 0 : i32
    %c0_i32_0 = arith.constant 0 : i32
    %c0_i32_1 = arith.constant 0 : i32
    return %c0_i32, %arg0, %c0_i32_0 : i32, i32, i32
  }
  func.func @transform_2(%arg0: i32) -> (i32, i32) {
    %c0_i32 = arith.constant 0 : i32
    %c0_i32_0 = arith.constant 0 : i32
    return %arg0, %c0_i32 : i32, i32
  }
  func.func @transform_3(%arg0: i32) -> (i32, i32) {
    %c0_i32 = arith.constant 0 : i32
    %c0_i32_0 = arith.constant 0 : i32
    %c0_i32_1 = arith.constant 0 : i32
    return %c0_i32, %c0_i32_0 : i32, i32
  }
  func.func @transform_4(%arg0: i32) -> (i32, i32) {
    %c0_i32 = arith.constant 0 : i32
    %c0_i32_0 = arith.constant 0 : i32
    %c0_i32_1 = arith.constant 0 : i32
    return %c0_i32, %c0_i32_0 : i32, i32
  }
  func.func @transform_5(%arg0: i32) -> (i32, i32) {
    %c0_i32 = arith.constant 0 : i32
    %c0_i32_0 = arith.constant 0 : i32
    %c0_i32_1 = arith.constant 0 : i32
    return %c0_i32, %c0_i32_0 : i32, i32
  }
  func.func @transform_6(%arg0: i32) -> (i32, i32) {
    %c0_i32 = arith.constant 0 : i32
    %c0_i32_0 = arith.constant 0 : i32
    return %arg0, %c0_i32 : i32, i32
  }
}

module attributes {stable_mosaic.version = 14 : i64} {
  func.func @_tc_body(%arg0: i32, %arg1: memref<2x1000x128xf32, #tpu.memory_space<vmem>>, %arg2: memref<2x1000x128xf32, #tpu.memory_space<vmem>>, %arg3: memref<1000x128xf32, #tpu.memory_space<vmem>>, %arg4: memref<128x128xf32, #tpu.memory_space<vmem>>, %arg5: memref<128x128xf32, #tpu.memory_space<vmem>>, %arg6: memref<1x128xf32, #tpu.memory_space<vmem>>, %arg7: memref<1000x128xf32, #tpu.memory_space<vmem>>) attributes {dimension_semantics = [#tpu.dimension_semantics<arbitrary>], iteration_bounds = array<i64: 10>, scalar_prefetch = 0 : i64, scratch_operands = 0 : i64, tpu.core_type = #tpu.core_type<tc>, window_params = [{transform_indices = @transform_0, window_bounds = array<i64: 2, 1000, 128>}, {transform_indices = @transform_1, window_bounds = array<i64: 2, 1000, 128>}, {transform_indices = @transform_2, window_bounds = array<i64: 1000, 128>}, {pipeline_mode = #tpu.pipeline_mode<synchronous>, transform_indices = @transform_3, window_bounds = array<i64: 128, 128>}, {pipeline_mode = #tpu.pipeline_mode<synchronous>, transform_indices = @transform_4, window_bounds = array<i64: 128, 128>}, {pipeline_mode = #tpu.pipeline_mode<synchronous>, transform_indices = @transform_5, window_bounds = array<i64: 1, 128>}, {transform_indices = @transform_6, window_bounds = array<i64: 1000, 128>}]} {
    %get3A = arith.constant 0 : index
    %get3A_0 = arith.constant 0 : index
    %get3A_1 = arith.constant 0 : index
    %get3A_2 = vector.load %arg1[%get3A, %get3A_0, %get3A_1] : memref<2x1000x128xf32, #tpu.memory_space<vmem>>, vector<1x1000x128xf32>
    %get3A_3 = vector.shape_cast %get3A_2 : vector<1x1000x128xf32> to vector<1000x128xf32>
    %get3A_4 = arith.constant 1 : index
    %get3A_5 = arith.constant 0 : index
    %get3A_6 = arith.constant 0 : index
    %get3A_7 = vector.load %arg1[%get3A_4, %get3A_5, %get3A_6] : memref<2x1000x128xf32, #tpu.memory_space<vmem>>, vector<1x1000x128xf32>
    %get3A_8 = vector.shape_cast %get3A_7 : vector<1x1000x128xf32> to vector<1000x128xf32>
    %add3A = arith.addf %get3A_3, %get3A_8 : vector<1000x128xf32>
    %get3A_9 = arith.constant 0 : index
    %get3A_10 = arith.constant 0 : index
    %get3A_11 = arith.constant 0 : index
    %get3A_12 = vector.load %arg2[%get3A_9, %get3A_10, %get3A_11] : memref<2x1000x128xf32, #tpu.memory_space<vmem>>, vector<1x1000x128xf32>
    %get3A_13 = vector.shape_cast %get3A_12 : vector<1x1000x128xf32> to vector<1000x128xf32>
    %get3A_14 = arith.constant 1 : index
    %get3A_15 = arith.constant 0 : index
    %get3A_16 = arith.constant 0 : index
    %get3A_17 = vector.load %arg2[%get3A_14, %get3A_15, %get3A_16] : memref<2x1000x128xf32, #tpu.memory_space<vmem>>, vector<1x1000x128xf32>
    %get3A_18 = vector.shape_cast %get3A_17 : vector<1x1000x128xf32> to vector<1000x128xf32>
    %add3A_19 = arith.addf %get3A_13, %get3A_18 : vector<1000x128xf32>
    %max3A = arith.constant 1.000000e+00 : f32
    %max3A_20 = vector.broadcast %max3A : f32 to vector<1000x128xf32>
    %max3A_21 = arith.maximumf %add3A_19, %max3A_20 : vector<1000x128xf32>
    %div3A = arith.divf %add3A, %max3A_21 : vector<1000x128xf32>
    %get3A_22 = arith.constant 0 : index
    %get3A_23 = arith.constant 0 : index
    %get3A_24 = vector.load %arg4[%get3A_22, %get3A_23] : memref<128x128xf32, #tpu.memory_space<vmem>>, vector<128x128xf32>
    %dot_general3A = arith.constant dense<0.000000e+00> : vector<1000x128xf32>
    %dot_general3A_25 = tpu.matmul %div3A, %get3A_24, %dot_general3A {dimension_numbers = #tpu.dot_dimension_numbers<[1], [0], [0], [1], [0, 0, 1, 1], [], []>, transpose_lhs_hint = false} : vector<1000x128xf32>, vector<128x128xf32>, vector<1000x128xf32> -> vector<1000x128xf32>
    %get3A_26 = arith.constant 0 : index
    %get3A_27 = arith.constant 0 : index
    %get3A_28 = vector.load %arg3[%get3A_26, %get3A_27] : memref<1000x128xf32, #tpu.memory_space<vmem>>, vector<1000x128xf32>
    %get3A_29 = arith.constant 0 : index
    %get3A_30 = arith.constant 0 : index
    %get3A_31 = vector.load %arg5[%get3A_29, %get3A_30] : memref<128x128xf32, #tpu.memory_space<vmem>>, vector<128x128xf32>
    %dot_general3A_32 = arith.constant dense<0.000000e+00> : vector<1000x128xf32>
    %dot_general3A_33 = tpu.matmul %get3A_28, %get3A_31, %dot_general3A_32 {dimension_numbers = #tpu.dot_dimension_numbers<[1], [0], [0], [1], [0, 0, 1, 1], [], []>, transpose_lhs_hint = false} : vector<1000x128xf32>, vector<128x128xf32>, vector<1000x128xf32> -> vector<1000x128xf32>
    %add3A_34 = arith.addf %dot_general3A_25, %dot_general3A_33 : vector<1000x128xf32>
    %get3A_35 = arith.constant 0 : index
    %get3A_36 = arith.constant 0 : index
    %get3A_37 = vector.load %arg6[%get3A_35, %get3A_36] : memref<1x128xf32, #tpu.memory_space<vmem>>, vector<1x128xf32>
    %add3A_38 = vector.broadcast %get3A_37 : vector<1x128xf32> to vector<1000x128xf32>
    %add3A_39 = arith.addf %add3A_34, %add3A_38 : vector<1000x128xf32>
    %swap3A = arith.constant 0 : index
    %swap3A_40 = arith.constant 0 : index
    %swap3A_41 = vector.load %arg7[%swap3A, %swap3A_40] : memref<1000x128xf32, #tpu.memory_space<vmem>>, vector<1000x128xf32>
    tpu.vector_store %arg7[%swap3A, %swap3A_40], %add3A_39 {strides = array<i32>} : memref<1000x128xf32, #tpu.memory_space<vmem>>, vector<1000x128xf32>,
    return
  }
  func.func @transform_0(%arg0: i32) -> (i32, i32, i32) {
    %c0_i32 = arith.constant 0 : i32
    %c0_i32_0 = arith.constant 0 : i32
    %c0_i32_1 = arith.constant 0 : i32
    return %c0_i32, %arg0, %c0_i32_0 : i32, i32, i32
  }
  func.func @transform_1(%arg0: i32) -> (i32, i32, i32) {
    %c0_i32 = arith.constant 0 : i32
    %c0_i32_0 = arith.constant 0 : i32
    %c0_i32_1 = arith.constant 0 : i32
    return %c0_i32, %arg0, %c0_i32_0 : i32, i32, i32
  }
  func.func @transform_2(%arg0: i32) -> (i32, i32) {
    %c0_i32 = arith.constant 0 : i32
    %c0_i32_0 = arith.constant 0 : i32
    return %arg0, %c0_i32 : i32, i32
  }
  func.func @transform_3(%arg0: i32) -> (i32, i32) {
    %c0_i32 = arith.constant 0 : i32
    %c0_i32_0 = arith.constant 0 : i32
    %c0_i32_1 = arith.constant 0 : i32
    return %c0_i32, %c0_i32_0 : i32, i32
  }
  func.func @transform_4(%arg0: i32) -> (i32, i32) {
    %c0_i32 = arith.constant 0 : i32
    %c0_i32_0 = arith.constant 0 : i32
    %c0_i32_1 = arith.constant 0 : i32
    return %c0_i32, %c0_i32_0 : i32, i32
  }
  func.func @transform_5(%arg0: i32) -> (i32, i32) {
    %c0_i32 = arith.constant 0 : i32
    %c0_i32_0 = arith.constant 0 : i32
    %c0_i32_1 = arith.constant 0 : i32
    return %c0_i32, %c0_i32_0 : i32, i32
  }
  func.func @transform_6(%arg0: i32) -> (i32, i32) {
    %c0_i32 = arith.constant 0 : i32
    %c0_i32_0 = arith.constant 0 : i32
    return %arg0, %c0_i32 : i32, i32
  }
}

</mosaic_0001>

<sc_bundles>
// kernel: kernel.10.cloned.1.call-start
scs
__scs_entry_jumppad:
0x0: {  	(pc) =	sbr.rel $0x88, $3  }
0x1: {  	(tag) =	ssettag $0x0;
	lr =	simm.s32 $0x1  }
0x2: {  	[smem:$0x3F99] =	sst lr;
	_ =	strace $0xD0000000  }
0x3: {  	_ = 	snop  }
0x4: {  	_ = 	snop  }
0x5: {  	_ = 	snop  }
0x6: {  	_ = 	snop  }
0x7: {  	_ = 	snop  }
__scs_overlays_trampoline_lowered:
0x8: {  	[smem:$0x3FA8] =	sst s0  }
0x9: {  	[smem:$0x3FA9] =	sst s1  }
0xa: {  	[smem:$0x3FAA] =	sst s2  }
0xb: {  	[smem:$0x3FAB] =	sst s3  }
0xc: {  	[smem:$0x3FAC] =	sst s4  }
0xd: {  	[smem:$0x3FAD] =	sst s5  }
0xe: {  	[smem:$0x3FAE] =	sst s6  }
0xf: {  	[smem:$0x3FAF] =	sst s7  }
0x10: {  	[smem:$0x3FB0] =	sst s8  }
0x11: {  	[smem:$0x3FB1] =	sst s9;
	s0 =	simm.s32 @!p0 $0x0  }
0x12: {  	s1 =	sld [smem:$0x3F97];
	s0 =	simm.s32 @p0 $0x1  }
0x13: {  	[smem:$0x3FB2] =	sst s0;
	s0 =	simm.s32 @!p1 $0x0  }
0x14: {  	s2 =	sld [smem:$0x3F96];
	s0 =	simm.s32 @p1 $0x1  }
0x15: {  	[smem:$0x3FB3] =	sst s0;
	s0 =	simm.s32 @!p2 $0x0  }
0x16: {  	s3 =	sld [smem:$0x3FDB];
	s0 =	simm.s32 @p2 $0x1  }
0x17: {  	s4 =	simm.s32 $0x1BF5;
	[smem:$0x3FB5] =	sst s0  }
0x18: {  	s0 =	sld [smem:$0x3F98];
	_ =	swait.ge [sflag:s4], $0x0  }
0x19: {  	s7 =	sld [smem:$0x3F99]  }
0x1a: {  	s8 =	sadd.s32 $0xFFFFE003, lr  }
0x1b: {  	s9 =	sadd.s32 $0xFFFFFEF7, lr;
	s5 =	simm.s32 $0xFFFFFFFF;
	p2 =	slt.u32 s8, $0xFFFFF086  }
0x1c: {  	p1 =	slt.u32 s9, $0xF7A;
	s5 =	simm.s32 @!p2 $0x0  }
0x1d: {  	s5 =	simm.s32 @p1 $0x1;
	p0 =	seq.s32 s7, s2  }
0x1e: {  	s7 =	smul.u32 @!p0 $0xF7A, s2;
	p2 =	seq.s32 @!p0 s5, $0x0  }
0x1f: {  	s9 =	smul.u32 $0xF7A, s1;
	s8 =	simm.s32 @!p0 $0x1BF5;
	p2 =	por !p2, p0  }
0x20: {  	[sflag:s8] =	ssyncset.s32 @!p0 $0xFFFFF086;
	s6 =	sadd.s32 @!p0 s3, s7;
	s7 =	simm.s32 @!p0 $0x108  }
0x21: {  	s3 =	sadd.s32 s3, s9;
	s6 =	sadd.s32 @!p0 $0x88, s6;
	s7 =	simm.s32 @p2 $0x1082  }
0x22: {  	[simem:s7], [sflag:s8] =	dma.local @!p0 [hbm:s6], $0xF7A  }
0x23: {  	s9 =	sor.u32 $0xD0000000, s2;
	s6 =	simm.s32 $0x108;
	_ =	swait.ge @!p0 [sflag:s8], $0x0  }
0x24: {  	s3 =	sadd.s32 $0x88, s3;
	s6 =	simm.s32 @!p1 $0x1082;
	[sflag:s4] =	ssyncset.s32 $0xFFFFF086  }
0x25: {  	[simem:s6], [sflag:s4] =	dma.local [hbm:s3], $0xF7A  }
0x26: {  	[smem:$0x3F99] =	sst s1;
	(tag) =	ssettag s2;
	_ =	strace s9  }
0x27: {  	s1 =	sld [smem:$0x3FA9]  }
0x28: {  	s2 =	sld [smem:$0x3FAA]  }
0x29: {  	s4 =	sld [smem:$0x3FAC]  }
0x2a: {  	p0 =	seq.s32 s5, $0x0;
	s5 =	sld [smem:$0x3FAD]  }
0x2b: {  	s6 =	sld [smem:$0x3FAE]  }
0x2c: {  	s7 =	sld [smem:$0x3FAF]  }
0x2d: {  	s3 =	simm.s32 $0x108;
	s8 =	sld [smem:$0x3FB0]  }
0x2e: {  	s3 =	simm.s32 @!p0 $0x1082;
	s9 =	sld [smem:$0x3FB1]  }
0x2f: {  	lr =	sadd.s32 s0, s3;
	s0 =	sld [smem:$0x3FA8]  }
0x30: {  	s3 =	sld [smem:$0x3FAB]  }
0x31: {  	[smem:$0x3FB4] =	sst s10  }
0x32: {  	s10 =	sld [smem:$0x3FB2];
	_ =	sdelay $0x3  }
0x33: {  	p0 =	seq.s32 s10, $0x1;
	s10 =	sld [smem:$0x3FB4];
	_ =	sdelay $0x3  }
0x34: {  	[smem:$0x3FB4] =	sst s10  }
0x35: {  	s10 =	sld [smem:$0x3FB3];
	_ =	sdelay $0x3  }
0x36: {  	p1 =	seq.s32 s10, $0x1;
	s10 =	sld [smem:$0x3FB4];
	_ =	sdelay $0x3  }
0x37: {  	[smem:$0x3FB4] =	sst s10  }
0x38: {  	s10 =	sld [smem:$0x3FB5]  }
0x39: {  	_ = 	snop;
	(pc) =	sbr.ind lr, $3  }
0x3a: {  	_ = 	snop  }
0x3b: {  	_ = 	snop  }
0x3c: {  	p2 =	seq.s32 s10, $0x1;
	s10 =	sld [smem:$0x3FB4]  }
0x3d: {  	_ =	shalt  }
0x3e: {  	_ =	shalt  }
0x3f: {  	_ =	shalt  }
0x40: {  	_ =	shalt  }
0x41: {  	_ =	shalt  }
0x42: {  	_ =	shalt  }
0x43: {  	_ =	shalt  }
0x44: {  	_ =	shalt  }
0x45: {  	_ =	shalt  }
0x46: {  	_ =	shalt  }
0x47: {  	_ =	shalt  }
0x48: {  	_ =	shalt  }
0x49: {  	_ =	shalt  }
0x4a: {  	_ =	shalt  }
0x4b: {  	_ =	shalt  }
0x4c: {  	_ =	shalt  }
0x4d: {  	_ =	shalt  }
0x4e: {  	_ =	shalt  }
0x4f: {  	_ =	shalt  }
0x50: {  	_ =	shalt  }
0x51: {  	_ =	shalt  }
0x52: {  	_ =	shalt  }
0x53: {  	_ =	shalt  }
0x54: {  	_ =	shalt  }
0x55: {  	_ =	shalt  }
0x56: {  	_ =	shalt  }
0x57: {  	_ =	shalt  }
0x58: {  	_ =	shalt  }
0x59: {  	_ =	shalt  }
0x5a: {  	_ =	shalt  }
0x5b: {  	_ =	shalt  }
0x5c: {  	_ =	shalt  }
0x5d: {  	_ =	shalt  }
0x5e: {  	_ =	shalt  }
0x5f: {  	_ =	shalt  }
0x60: {  	_ =	shalt  }
0x61: {  	_ =	shalt  }
0x62: {  	_ =	shalt  }
0x63: {  	_ =	shalt  }
0x64: {  	_ =	shalt  }
0x65: {  	_ =	shalt  }
0x66: {  	_ =	shalt  }
0x67: {  	_ =	shalt  }
0x68: {  	_ =	shalt  }
0x69: {  	_ =	shalt  }
0x6a: {  	_ =	shalt  }
0x6b: {  	_ =	shalt  }
0x6c: {  	_ =	shalt  }
0x6d: {  	_ =	shalt  }
0x6e: {  	_ =	shalt  }
0x6f: {  	_ =	shalt  }
0x70: {  	_ =	shalt  }
0x71: {  	_ =	shalt  }
0x72: {  	_ =	shalt  }
0x73: {  	_ =	shalt  }
0x74: {  	_ =	shalt  }
0x75: {  	_ =	shalt  }
0x76: {  	_ =	shalt  }
0x77: {  	_ =	shalt  }
0x78: {  	_ =	shalt  }
0x79: {  	_ =	shalt  }
0x7a: {  	_ =	shalt  }
0x7b: {  	_ =	shalt  }
0x7c: {  	_ =	shalt  }
0x7d: {  	_ =	shalt  }
0x7e: {  	_ =	shalt  }
0x7f: {  	_ =	shalt  }
0x80: {  	_ =	shalt  }
0x81: {  	_ =	shalt  }
0x82: {  	_ =	shalt  }
0x83: {  	_ =	shalt  }
0x84: {  	_ =	shalt  }
0x85: {  	_ =	shalt  }
0x86: {  	_ =	shalt  }
0x87: {  	_ =	shalt  }
.Lfunc_end0:
.L_simem_size_0:
called_computation.1_lowered:
.L_overlay_start_0:
0x88: {  	s2 =	sld [smem:$0x3FD9]  }
0x89: {  	s3 =	sld [smem:$0x3FFE];
	_ =	sdelay $0x1  }
0x8a: {  	s1 =	srdreg.scid  }
0x8b: {  	s0 =	sand.u32 $0x1, s1  }
0x8c: {  	s17 =	sshll.u32 s0, $0xA;
	s2 =	sadd.s32 s3, s2  }
0x8d: {  	s2 =	sadd.s32 s2, s17  }
0x8e: {  	[smem:$0x3FC0] =	sst s2  }
0x8f: {  	_ = 	snop  }
0x90: {  	s2 =	sld [smem:$0x3FC9];
	(tm) =	ssettm $0x1  }
0x91: {  	s18 =	sld [smem:$0x3FFB];
	_ =	sdelay $0x3  }
0x92: {  	_ =	strace s18  }
0x93: {  	s3 =	sld [smem:$0x3FFC];
	_ =	sdelay $0x3  }
0x94: {  	_ =	strace s3  }
0x95: {  	s3 =	sld [smem:$0x3FFD];
	_ =	sdelay $0x3  }
0x96: {  	_ =	strace s3  }
0x97: {  	_ =	strace $0x8FFFFFFF  }
0x98: {  	s19 =	sld [smem:$0x3FDB];
	_ =	sdelay $0x1  }
0x99: {  	s4 =	simm.s32 $_scs_section_size  }
0x9a: {  	s5 =	simm.s32 $_size__tile_overlayer_lowered;
	s6 =	simm.s32 $_tile_overlayer_lowered  }
0x9b: {  	s22 =	simm.s32 $0x1BFF;
	s21 =	sshll.u32 s6, $0x1;
	s3 =	sadd.s32 s4, s19  }
0x9c: {  	s7 =	simm.s32 $0x0;
	s20 =	sshll.u32 s5, $0x1;
	s5 =	sadd.s32 s21, s3  }
0x9d: {  	[timem:s7], [sflag:s22] =	dma.local [hbm:s5], s20  }
0x9e: {  	_ =	swait.ge [sflag:s22], s20  }
0x9f: {  	s4 =	ssub.s32 $0x0, s20;
	[sflag:s22] =	ssyncset.done $0x0  }
0xa0: {  	[sflag:s22] =	ssyncadd.s32 s4;
	_ =	sdelay $0x1  }
0xa1: {  	s23 =	simm.s32 $0x1B8B  }
0xa2: {  	_ =	swait.ge [sflag:s23], $0x1  }
0xa3: {  	[sflag:s23] =	ssyncset.done $0x0  }
0xa4: {  	s25 =	simm.s32 $0x1B8E;
	s24 =	sld [smem:$0x3FFE];
	[sflag:s23] =	ssyncadd.s32 $0xFFFFFFFF  }
0xa5: {  	s26 =	simm.s32 $execute0_lowered;
	[smem:$0x3FD2] =	sst s25  }
0xa6: {  	s5 =	sshll.u32 s26, $0x1;
	_ =	strace $0x80000046;
	[dreg:$0x1] =	wrdreg $0xFFFFFFFF  }
0xa7: {  	s28 =	simm.s32 $_size_execute0_lowered;
	s3 =	sadd.s32 s3, s5;
	[dreg:$0x0] =	wrdreg $0x0  }
0xa8: {  	s5 =	sshll.u32 s28, $0x1;
	[dreg:$0x2] =	wrdreg s3  }
0xa9: {  	[dreg:$0x3] =	wrdreg s5  }
0xaa: {  	[dreg:$0x4] =	wrdreg $0xC0  }
0xab: {  	_ =	task [dreg:s7], $0x5FFFF  }
0xac: {  	[dreg:$0x1] =	wrdreg $0xFFFFFFFF  }
0xad: {  	[dreg:$0x0] =	wrdreg $0x60  }
0xae: {  	[dreg:$0x2] =	wrdreg s2  }
0xaf: {  	[dreg:$0x3] =	wrdreg s24  }
0xb0: {  	[dreg:$0x4] =	wrdreg $0x0  }
0xb1: {  	[dreg:$0x5] =	wrdreg $0xA  }
0xb2: {  	_ =	task.clear_ibuf [dreg:s7], $0x6FFFF;
	_ =	strace $0x90000046  }
0xb3: {  	s29 =	simm.s32 $0xA;
	_ =	strace $0x80000048  }
0xb4: {  	_ =	swait.ge [sflag:s29], $0x1  }
0xb5: {  	[sflag:s29] =	ssyncadd.s32 $0xFFFFFFFF  }
0xb6: {  	_ =	strace $0x90000048  }
0xb7: {  	_ =	sfence  }
0xb8: {  	s30 =	sld [smem:$0x0];
	_ =	sdelay $0x2  }
0xb9: {  	s31 =	sshll.u32 s1, $0xD;
	s1 =	sshrl.u32 s1, $0x2  }
0xba: {  	s3 =	sand.u32 $0x4000, s31;
	s1 =	sadd.s32 s1, s30  }
0xbb: {  	s0 =	sor.u32 s3, s0;
	s1 =	sshll.u32 s1, $0x11  }
0xbc: {  	s0 =	sor.u32 s1, s0  }
0xbd: {  	s0 =	sadd.s32 $0x8F2B, s0  }
0xbe: {  	[sflag:s0] =	ssyncadd.remote.s32 $0x1  }
0xbf: {  	_ =	sfence.sel $0xFFFF  }
0xc0: {  	[dreg:$0x0] =	wrdreg $0xFFFFFFFF;
	(pc) =	sbr.abs _section_cstart, $3  }
0xc1: {  	[dreg:$0x1] =	wrdreg $0xFFFFFFFF  }
0xc2: {  	_ =	task.clear_ibuf [dreg:s7], $0x2FFFF;
	_ =	strace $0x9FFFFFFF  }
0xc3: {  	(tm) =	ssettm $0x7FFFFFFF  }
tec
execute0_lowered:
.L_overlay_start_1:
0x0: {  	(tag) =	ssettag $0x1  }
0x1: {  	s1 =	rddreg [dreg:$0x0]  }
0x2: {  	s0 =	rddreg [dreg:$0x1]  }
0x3: {  	s2 =	rddreg [dreg:$0x2];
	s4 =	simm.s32 $0x0;
	s3 =	srdreg.scid  }
0x4: {  	s11 =	stileid.u32;
	s28 =	simm.s32 $0x14000;
	s29 =	simm.s32 $0x14200  }
0x5: {  	s30 =	simm.s32 $0x80;
	s31 =	simm.s32 $0x14080;
	[smem:$0x7FF] =	sst s4  }
0x6: {  	s3 =	sand.u32 $0x1, s3;
	s5 =	sadd.s32 $0xBE00, s0;
	s8 =	smul.u32 $0x50000, s11  }
0x7: {  	s6 =	sadd.s32 $0x2000, s0;
	s10 =	smul.u32 $0x14000, s11;
	s0 =	sadd.s32 $0x15C00, s0  }
0x8: {  	s13 =	sshll.u32 s11, $0x1;
	_ =	strace $0x80000047;
	s7 =	ssub.s32 $0x2, s3  }
0x9: {  	s9 =	sshrl.u32 s7, $0x1;
	s8 =	sshrl.u32 s8, $0x2;
	s14 =	sadd.s32 $0x4000, s10  }
0xa: {  	s9 =	ssub.s32 s7, s9;
	s7 =	sor.u32 s3, s13;
	s13 =	ssub.s32 $0x984, s13  }
0xb: {  	s19 =	sadd.s32 $0x8000, s10;
	s11 =	sadd.s32 s8, s2;
	[dreg:$0x4] =	wrdreg s13  }
0xc: {  	s15 =	sadd.s32 $0xC000, s10;
	s12 =	sadd.s32 s14, s2;
	[dreg:$0x6] =	wrdreg s11  }
0xd: {  	s16 =	sadd.s32 $0x10000, s10;
	s21 =	sadd.s32 s19, s2;
	[dreg:$0x7] =	wrdreg s12  }
0xe: {  	s22 =	sadd.s32 s15, s2;
	s23 =	sadd.s32 s16, s2;
	[dreg:$0x8] =	wrdreg s21  }
0xf: {  	s3 =	smul.u32 $0x140000, s3;
	s17 =	sshll.u32 s7, $0x4;
	[dreg:$0x9] =	wrdreg s22  }
0x10: {  	[dreg:$0xa] =	wrdreg s23;
	s18 =	sadd.s32 s5, s17;
	s20 =	sadd.s32 s6, s17  }
0x11: {  	s24 =	sor.u32 $0x200, s17;
	s17 =	sor.u32 $0x400, s17;
	s10 =	sadd.s32 s10, s3  }
0x12: {  	s14 =	sadd.s32 s3, s14;
	s8 =	sadd.s32 s3, s19;
	s15 =	sadd.s32 s3, s15  }
0x13: {  	s3 =	sadd.s32 s3, s16;
	s16 =	simm.s32 $0x1;
	[dreg:$0xb] =	wrdreg s18  }
0x14: {  	[dreg:$0xc] =	wrdreg s20;
	s25 =	sadd.s32 s5, s24;
	s26 =	sadd.s32 s6, s24  }
0x15: {  	s18 =	sadd.s32 s5, s17;
	s13 =	sadd.s32 s6, s17;
	s10 =	sshrl.u32 s10, $0x3  }
0x16: {  	s19 =	sshrl.u32 s14, $0x3;
	s8 =	sshrl.u32 s8, $0x3;
	[dreg:$0xd] =	wrdreg s25  }
0x17: {  	s24 =	sshrl.u32 s15, $0x3;
	s3 =	sshrl.u32 s3, $0x3;
	[dreg:$0xe] =	wrdreg s26  }
0x18: {  	s14 =	simm.s32 $0x14300;
	s15 =	simm.s32 $0x14180;
	[dreg:$0xf] =	wrdreg s18  }
0x19: {  	s17 =	simm.s32 $0x3;
	[dreg:$0x10] =	wrdreg s13;
	s10 =	sadd.s32 s0, s10  }
0x1a: {  	s20 =	sadd.s32 s0, s19;
	s8 =	sadd.s32 s0, s8;
	[dreg:$0x11] =	wrdreg s10  }
0x1b: {  	s25 =	simm.s32 $0x14380;
	s26 =	smax.u32 s9, $0x1;
	[dreg:$0x12] =	wrdreg s20  }
0x1c: {  	s13 =	simm.s32 $0x14100;
	s18 =	simm.s32 $0x2;
	[dreg:$0x13] =	wrdreg s8  }
0x1d: {  	s19 =	simm.s32 $0x4;
	s8 =	sadd.s32 s0, s24;
	[dreg:$0x16] =	wrdreg s26  }
0x1e: {  	s0 =	sadd.s32 s0, s3;
	[dreg:$0x5] =	wrdreg s25;
	s25 =	simm.s32 $0x14400  }
0x1f: {  	s26 =	simm.s32 $0x5;
	s3 =	simm.s32 $0x18400;
	[dreg:$0x14] =	wrdreg s8  }
0x20: {  	v0 =	vimm.f32 $0.0e+00;
	s20 =	simm.s32 $0x0;
	[dreg:$0x15] =	wrdreg s0;
	s0 =	simm.s32 $0x14280  }
.LBB2_1:
0x21: {  	s8 =	simm.s32 $0x0;
	s9 =	simm.s32 $0x200  }
.LBB2_2:
0x22: {  	p0 =	sne.s32 s9, $0xFE00;
	[tilespmem:s8+$0x14470] =	vst v0  }
0x23: {  	[tilespmem:s8+$0x14400] =	vst v0  }
0x24: {  	[tilespmem:s8+$0x14410] =	vst v0  }
.Ltmp0:
0x25: {  	[tilespmem:s8+$0x14420] =	vst v0;
	(pc) =	sbr.rel @p0 .LBB2_2-.Ltmp0, $4  }
0x26: {  	[tilespmem:s8+$0x14430] =	vst v0  }
0x27: {  	[tilespmem:s8+$0x14440] =	vst v0  }
0x28: {  	[tilespmem:s8+$0x14450] =	vst v0  }
0x29: {  	[tilespmem:s8+$0x14460] =	vst v0;
	s8 =	sshra.s32 s9, $0x2;
	s9 =	sadd.s32 $0x200, s9  }
0x2a: {  	[tilespmem:s8+$0x14470] =	vst v0  }
0x2b: {  	[tilespmem:s8+$0x14400] =	vst v0  }
0x2c: {  	[tilespmem:s8+$0x14410] =	vst v0  }
0x2d: {  	[tilespmem:s8+$0x14420] =	vst v0  }
0x2e: {  	[tilespmem:s8+$0x14430] =	vst v0  }
0x2f: {  	[tilespmem:s8+$0x14440] =	vst v0  }
0x30: {  	[tilespmem:s8+$0x14450] =	vst v0  }
0x31: {  	[tilespmem:s8+$0x14460] =	vst v0  }
0x32: {  	[spmem:s11] =	stream.linear.scatter [tilespmem:s25], [sflag:$0x5], $0x4000, $0x38;
	[tilespmem:$0x1C400] =	vst v63  }
0x33: {  	_ =	swait.ge [sflag:s26], $0x4000  }
0x34: {  	[sflag:s26] =	ssyncset.done $0x0  }
0x35: {  	[sflag:s26] =	ssyncadd.s32 $0xFFFFC000  }
0x36: {  	[spmem:s12] =	stream.linear.scatter [tilespmem:s25], [sflag:$0x5], $0x4000, $0x38;
	[tilespmem:$0x1C400] =	vst v63  }
0x37: {  	_ =	swait.ge [sflag:s26], $0x4000  }
0x38: {  	[sflag:s26] =	ssyncset.done $0x0  }
0x39: {  	[sflag:s26] =	ssyncadd.s32 $0xFFFFC000  }
0x3a: {  	[spmem:s21] =	stream.linear.scatter [tilespmem:s25], [sflag:$0x5], $0x4000, $0x38;
	[tilespmem:$0x1C400] =	vst v63  }
0x3b: {  	_ =	swait.ge [sflag:s26], $0x4000  }
0x3c: {  	[sflag:s26] =	ssyncset.done $0x0  }
0x3d: {  	[sflag:s26] =	ssyncadd.s32 $0xFFFFC000  }
0x3e: {  	[spmem:s22] =	stream.linear.scatter [tilespmem:s25], [sflag:$0x5], $0x4000, $0x38;
	[tilespmem:$0x1C400] =	vst v63  }
0x3f: {  	_ =	swait.ge [sflag:s26], $0x4000  }
0x40: {  	[sflag:s26] =	ssyncset.done $0x0  }
0x41: {  	[sflag:s26] =	ssyncadd.s32 $0xFFFFC000  }
0x42: {  	[spmem:s23] =	stream.linear.scatter [tilespmem:s25], [sflag:$0x5], $0x4000, $0x38;
	[tilespmem:$0x1C400] =	vst v63  }
0x43: {  	_ =	swait.ge [sflag:s26], $0x4000  }
0x44: {  	[sflag:s26] =	ssyncset.done $0x0  }
0x45: {  	[sflag:s26] =	ssyncadd.s32 $0xFFFFC000  }
0x46: {  	[bflag:$0x0] =	sbarrier.arrive $0xFFFF  }
0x47: {  	s10 =	simm.s32 $0x0;
	s9 =	rddreg [dreg:$0xb]  }
0x48: {  	[tilespmem:s28], [sflag:$0x5] =	stream.linear.gather [hbm4b:s9+s10], $0x80, $0x38;
	[tilespmem:$0x1C400] =	vst v63  }
0x49: {  	_ =	swait.ge [sflag:s26], $0x80  }
0x4a: {  	[sflag:s26] =	ssyncset.done $0x0  }
0x4b: {  	s11 =	rddreg [dreg:$0xc];
	[sflag:s26] =	ssyncadd.s32 $0xFFFFFF80  }
0x4c: {  	[tilespmem:s29], [sflag:$0x5] =	stream.linear.gather [hbm4b:s11+s10], $0x80, $0x38;
	[tilespmem:$0x1C400] =	vst v63  }
0x4d: {  	_ =	swait.ge [sflag:s26], $0x80  }
0x4e: {  	[sflag:s26] =	ssyncset.done $0x0  }
0x4f: {  	[sflag:s26] =	ssyncadd.s32 $0xFFFFFF80  }
0x50: {  	[tilespmem:s25], [sflag:$0x1] =	stream.indirect.gather [hbm4b:s1+s30], $0x80, s28, s30, $0xb8;
	[tilespmem:$0x1C400] =	vst v63  }
0x51: {  	s12 =	rddreg [dreg:$0xd]  }
0x52: {  	[tilespmem:s31], [sflag:$0x5] =	stream.linear.gather [hbm4b:s12+s10], $0x80, $0x38;
	[tilespmem:$0x1C400] =	vst v63  }
0x53: {  	_ =	swait.ge [sflag:s26], $0x80  }
0x54: {  	[sflag:s26] =	ssyncset.done $0x0  }
0x55: {  	s21 =	rddreg [dreg:$0xe];
	[sflag:s26] =	ssyncadd.s32 $0xFFFFFF80  }
0x56: {  	[tilespmem:s0], [sflag:$0x5] =	stream.linear.gather [hbm4b:s21+s10], $0x80, $0x38;
	[tilespmem:$0x1C400] =	vst v63  }
0x57: {  	_ =	swait.ge [sflag:s26], $0x80  }
0x58: {  	[sflag:s26] =	ssyncset.done $0x0  }
0x59: {  	[sflag:s26] =	ssyncadd.s32 $0xFFFFFF80  }
0x5a: {  	[tilespmem:s3], [sflag:$0x2] =	stream.indirect.gather [hbm4b:s1+s30], $0x80, s31, s30, $0xb8;
	[tilespmem:$0x1C400] =	vst v63  }
0x5b: {  	s9 =	sadd.s32 $0x0, s7;
	s22 =	rddreg [dreg:$0xf]  }
0x5c: {  	[tilespmem:s13], [sflag:$0x3] =	stream.linear.gather [hbm4b:s22+s10], $0x80, $0x38;
	[tilespmem:$0x1C400] =	vst v63  }
0x5d: {  	s8 =	sadd.s32 $0x60, s9;
	s23 =	rddreg [dreg:$0x10]  }
0x5e: {  	[tilespmem:s14], [sflag:$0x3] =	stream.linear.gather [hbm4b:s23+s10], $0x80, $0x38;
	[tilespmem:$0x1C400] =	vst v63  }
0x5f: {  	p0 =	slt.s32 s8, $0x9C3;
	s10 =	smov.u32 s8  }
0x60: {  	s10 =	simm.s32 @!p0 $0x9C3  }
0x61: {  	s10 =	sshll.u32 s10, $0x4  }
0x62: {  	s24 =	sadd.s32 s5, s10  }
0x63: {  	[tilespmem:s15], [sflag:$0x4] =	stream.linear.gather [hbm4b:s24+s4], $0x80, $0x38;
	[tilespmem:$0x1C400] =	vst v63  }
0x64: {  	s11 =	rddreg [dreg:$0x5];
	s10 =	sadd.s32 s6, s10  }
0x65: {  	[tilespmem:s11], [sflag:$0x4] =	stream.linear.gather [hbm4b:s10+s4], $0x80, $0x38;
	[tilespmem:$0x1C400] =	vst v63  }
0x66: {  	_ =	swait.ge [sflag:s16], $0x4000  }
0x67: {  	[sflag:s16] =	ssyncset.done $0x0  }
0x68: {  	[sflag:s16] =	ssyncadd.s32 $0xFFFFC000  }
0x69: {  	[spmem:s2] =	stream.indirect.scatter.add.f32 [tilespmem:s25], [sflag:$0x5], $0x80, s29, s30, $0xb8;
	[tilespmem:$0x1C400] =	vst v63  }
0x6a: {  	_ =	swait.ge [sflag:s26], $0x4000  }
0x6b: {  	[sflag:s26] =	ssyncset.done $0x0  }
0x6c: {  	[sflag:s26] =	ssyncadd.s32 $0xFFFFC000  }
0x6d: {  	_ =	swait.ge [sflag:s17], $0x80  }
0x6e: {  	[sflag:s17] =	ssyncset.done $0x0  }
0x6f: {  	s10 =	sadd.s32 $0x80, s9;
	[sflag:s17] =	ssyncadd.s32 $0xFFFFFF80  }
0x70: {  	p0 =	slt.s32 s10, $0x9C3;
	_ =	swait.ge [sflag:s17], $0x80  }
0x71: {  	s10 =	simm.s32 @!p0 $0x9C3;
	[sflag:s17] =	ssyncset.done $0x0  }
0x72: {  	s10 =	sshll.u32 s10, $0x4;
	[sflag:s17] =	ssyncadd.s32 $0xFFFFFF80  }
0x73: {  	[tilespmem:s25], [sflag:$0x1] =	stream.indirect.gather [hbm4b:s1+s30], $0x80, s13, s30, $0xb8;
	[tilespmem:$0x1C400] =	vst v63  }
0x74: {  	s12 =	sadd.s32 s5, s10  }
0x75: {  	[tilespmem:s28], [sflag:$0x3] =	stream.linear.gather [hbm4b:s12+s4], $0x80, $0x38;
	[tilespmem:$0x1C400] =	vst v63  }
0x76: {  	s10 =	sadd.s32 s6, s10  }
0x77: {  	[tilespmem:s29], [sflag:$0x3] =	stream.linear.gather [hbm4b:s10+s4], $0x80, $0x38;
	[tilespmem:$0x1C400] =	vst v63  }
0x78: {  	_ =	swait.ge [sflag:s18], $0x4000  }
0x79: {  	[sflag:s18] =	ssyncset.done $0x0  }
0x7a: {  	[sflag:s18] =	ssyncadd.s32 $0xFFFFC000  }
0x7b: {  	[spmem:s2] =	stream.indirect.scatter.add.f32 [tilespmem:s3], [sflag:$0x5], $0x80, s0, s30, $0xb8;
	[tilespmem:$0x1C400] =	vst v63  }
0x7c: {  	_ =	swait.ge [sflag:s26], $0x4000  }
0x7d: {  	[sflag:s26] =	ssyncset.done $0x0  }
0x7e: {  	[sflag:s26] =	ssyncadd.s32 $0xFFFFC000  }
0x7f: {  	_ =	swait.ge [sflag:s19], $0x80  }
0x80: {  	[sflag:s19] =	ssyncset.done $0x0  }
0x81: {  	s10 =	sadd.s32 $0xA0, s9;
	[sflag:s19] =	ssyncadd.s32 $0xFFFFFF80  }
0x82: {  	p0 =	slt.s32 s10, $0x9C3;
	_ =	swait.ge [sflag:s19], $0x80  }
0x83: {  	s10 =	simm.s32 @!p0 $0x9C3;
	[sflag:s19] =	ssyncset.done $0x0  }
0x84: {  	s10 =	sshll.u32 s10, $0x4;
	[sflag:s19] =	ssyncadd.s32 $0xFFFFFF80  }
0x85: {  	[tilespmem:s3], [sflag:$0x2] =	stream.indirect.gather [hbm4b:s1+s30], $0x80, s15, s30, $0xb8;
	[tilespmem:$0x1C400] =	vst v63  }
0x86: {  	s22 =	sadd.s32 s5, s10  }
0x87: {  	[tilespmem:s31], [sflag:$0x4] =	stream.linear.gather [hbm4b:s22+s4], $0x80, $0x38;
	[tilespmem:$0x1C400] =	vst v63  }
0x88: {  	s10 =	sadd.s32 s6, s10  }
0x89: {  	[tilespmem:s0], [sflag:$0x4] =	stream.linear.gather [hbm4b:s10+s4], $0x80, $0x38;
	[tilespmem:$0x1C400] =	vst v63  }
0x8a: {  	_ =	swait.ge [sflag:s16], $0x4000  }
0x8b: {  	s23 =	rddreg [dreg:$0x4];
	[sflag:s16] =	ssyncset.done $0x0  }
0x8c: {  	p0 =	sle.u32 s23, $0x0;
	[sflag:s16] =	ssyncadd.s32 $0xFFFFC000  }
0x8d: {  	s10 =	simm.s32 @!p0 $0x80;
	s21 =	simm.s32 @!p0 $0x14300;
	s22 =	simm.s32 @!p0 $0x14400  }
0x8e: {  	[spmem:s2] =	stream.indirect.scatter.add.f32 @!p0 [tilespmem:s22], [sflag:$0x5], $0x80, s21, s10, $0xb8;
	[tilespmem:$0x1C400] =	vst v63  }
0x8f: {  	s10 =	simm.s32 @!p0 $0x5  }
0x90: {  	_ =	swait.ge @!p0 [sflag:s10], $0x4000  }
0x91: {  	[sflag:s10] =	ssyncset.done @!p0 $0x0  }
0x92: {  	[sflag:s10] =	ssyncadd.s32 @!p0 $0xFFFFC000  }
0x93: {  	_ =	swait.ge [sflag:s17], $0x80  }
0x94: {  	[sflag:s17] =	ssyncset.done $0x0  }
0x95: {  	s9 =	sadd.s32 $0xC0, s9;
	[sflag:s17] =	ssyncadd.s32 $0xFFFFFF80  }
0x96: {  	p0 =	slt.s32 s9, $0x9C3;
	_ =	swait.ge [sflag:s17], $0x80  }
0x97: {  	s9 =	simm.s32 @!p0 $0x9C3;
	[sflag:s17] =	ssyncset.done $0x0  }
0x98: {  	s9 =	sshll.u32 s9, $0x4;
	[sflag:s17] =	ssyncadd.s32 $0xFFFFFF80  }
0x99: {  	[tilespmem:s25], [sflag:$0x1] =	stream.indirect.gather [hbm4b:s1+s30], $0x80, s28, s30, $0xb8;
	[tilespmem:$0x1C400] =	vst v63  }
0x9a: {  	s24 =	sadd.s32 s5, s9  }
0x9b: {  	[tilespmem:s13], [sflag:$0x3] =	stream.linear.gather [hbm4b:s24+s4], $0x80, $0x38;
	[tilespmem:$0x1C400] =	vst v63  }
0x9c: {  	s9 =	sadd.s32 s6, s9  }
0x9d: {  	[tilespmem:s14], [sflag:$0x3] =	stream.linear.gather [hbm4b:s9+s4], $0x80, $0x38;
	[tilespmem:$0x1C400] =	vst v63  }
0x9e: {  	p0 =	sgt.u32 s8, $0x9C3;
	_ =	swait.ge [sflag:s18], $0x4000  }
0x9f: {  	s8 =	simm.s32 @!p0 $0x80;
	s10 =	simm.s32 @!p0 $0x18400;
	[sflag:s18] =	ssyncset.done $0x0  }
0xa0: {  	s21 =	simm.s32 @!p0 $0x5;
	s9 =	simm.s32 @!p0 $0x14380;
	[sflag:s18] =	ssyncadd.s32 $0xFFFFC000  }
0xa1: {  	[spmem:s2] =	stream.indirect.scatter.add.f32 @!p0 [tilespmem:s10], [sflag:$0x5], $0x80, s9, s8, $0xb8;
	[tilespmem:$0x1C400] =	vst v63  }
0xa2: {  	_ =	swait.ge @!p0 [sflag:s21], $0x4000  }
0xa3: {  	s23 =	simm.s32 $0x100;
	[sflag:s21] =	ssyncset.done @!p0 $0x0  }
0xa4: {  	s22 =	simm.s32 $0x80;
	s24 =	sadd.s32 $0x80, s7;
	[sflag:s21] =	ssyncadd.s32 @!p0 $0xFFFFC000  }
0xa5: {  	s8 =	sadd.s32 $0x80, s24;
	s21 =	sadd.s32 $0x60, s24;
	_ =	swait.ge [sflag:s19], $0x80  }
0xa6: {  	p1 =	slt.s32 s8, $0x9C3;
	p2 =	slt.s32 s21, $0x9C3;
	[sflag:s19] =	ssyncset.done $0x0  }
.LBB2_4:
0xa7: {  	[sflag:s19] =	ssyncadd.s32 $0xFFFFFF80  }
0xa8: {  	s9 =	smov.u32 s21;
	s10 =	sadd.s32 $0xA0, s24;
	_ =	swait.ge [sflag:s19], $0x80  }
0xa9: {  	s9 =	simm.s32 @!p2 $0x9C3;
	p0 =	slt.s32 s10, $0x9C3;
	[sflag:s19] =	ssyncset.done $0x0  }
0xaa: {  	s11 =	sshll.u32 s9, $0x4;
	s10 =	simm.s32 @!p0 $0x9C3;
	[sflag:s19] =	ssyncadd.s32 $0xFFFFFF80  }
0xab: {  	[tilespmem:s3], [sflag:$0x2] =	stream.indirect.gather [hbm4b:s1+s30], $0x80, s31, s30, $0xb8;
	[tilespmem:$0x1C400] =	vst v63  }
0xac: {  	s9 =	sshll.u32 s10, $0x4;
	s10 =	sadd.s32 s5, s11  }
0xad: {  	[tilespmem:s15], [sflag:$0x4] =	stream.linear.gather [hbm4b:s10+s4], $0x80, $0x38;
	[tilespmem:$0x1C400] =	vst v63  }
0xae: {  	s12 =	rddreg [dreg:$0x5];
	s11 =	sadd.s32 s6, s11  }
0xaf: {  	[tilespmem:s12], [sflag:$0x4] =	stream.linear.gather [hbm4b:s11+s4], $0x80, $0x38;
	[tilespmem:$0x1C400] =	vst v63  }
0xb0: {  	_ =	swait.ge [sflag:s16], $0x4000  }
0xb1: {  	[sflag:s16] =	ssyncset.done $0x0  }
0xb2: {  	[sflag:s16] =	ssyncadd.s32 $0xFFFFC000  }
0xb3: {  	[spmem:s2] =	stream.indirect.scatter.add.f32 [tilespmem:s25], [sflag:$0x5], $0x80, s29, s30, $0xb8;
	[tilespmem:$0x1C400] =	vst v63  }
0xb4: {  	_ =	swait.ge [sflag:s26], $0x4000  }
0xb5: {  	[sflag:s26] =	ssyncset.done $0x0  }
0xb6: {  	[sflag:s26] =	ssyncadd.s32 $0xFFFFC000  }
0xb7: {  	_ =	swait.ge [sflag:s17], $0x80  }
0xb8: {  	[sflag:s17] =	ssyncset.done $0x0  }
0xb9: {  	[sflag:s17] =	ssyncadd.s32 $0xFFFFFF80  }
0xba: {  	_ =	swait.ge [sflag:s17], $0x80  }
0xbb: {  	s8 =	simm.s32 @!p1 $0x9C3;
	[sflag:s17] =	ssyncset.done $0x0  }
0xbc: {  	s8 =	sshll.u32 s8, $0x4;
	[sflag:s17] =	ssyncadd.s32 $0xFFFFFF80  }
0xbd: {  	[tilespmem:s25], [sflag:$0x1] =	stream.indirect.gather [hbm4b:s1+s30], $0x80, s13, s30, $0xb8;
	[tilespmem:$0x1C400] =	vst v63  }
0xbe: {  	s12 =	sadd.s32 s5, s8  }
0xbf: {  	[tilespmem:s28], [sflag:$0x3] =	stream.linear.gather [hbm4b:s12+s4], $0x80, $0x38;
	[tilespmem:$0x1C400] =	vst v63  }
0xc0: {  	s8 =	sadd.s32 s6, s8  }
0xc1: {  	[tilespmem:s29], [sflag:$0x3] =	stream.linear.gather [hbm4b:s8+s4], $0x80, $0x38;
	[tilespmem:$0x1C400] =	vst v63  }
0xc2: {  	_ =	swait.ge [sflag:s18], $0x4000  }
0xc3: {  	[sflag:s18] =	ssyncset.done $0x0  }
0xc4: {  	[sflag:s18] =	ssyncadd.s32 $0xFFFFC000  }
0xc5: {  	[spmem:s2] =	stream.indirect.scatter.add.f32 [tilespmem:s3], [sflag:$0x5], $0x80, s0, s30, $0xb8;
	[tilespmem:$0x1C400] =	vst v63  }
0xc6: {  	_ =	swait.ge [sflag:s26], $0x4000  }
0xc7: {  	[sflag:s26] =	ssyncset.done $0x0  }
0xc8: {  	[sflag:s26] =	ssyncadd.s32 $0xFFFFC000  }
0xc9: {  	_ =	swait.ge [sflag:s19], $0x80  }
0xca: {  	[sflag:s19] =	ssyncset.done $0x0  }
0xcb: {  	[sflag:s19] =	ssyncadd.s32 $0xFFFFFF80  }
0xcc: {  	_ =	swait.ge [sflag:s19], $0x80  }
0xcd: {  	[sflag:s19] =	ssyncset.done $0x0  }
0xce: {  	[sflag:s19] =	ssyncadd.s32 $0xFFFFFF80  }
0xcf: {  	[tilespmem:s3], [sflag:$0x2] =	stream.indirect.gather [hbm4b:s1+s30], $0x80, s15, s30, $0xb8;
	[tilespmem:$0x1C400] =	vst v63  }
0xd0: {  	s12 =	sadd.s32 s5, s9  }
0xd1: {  	[tilespmem:s31], [sflag:$0x4] =	stream.linear.gather [hbm4b:s12+s4], $0x80, $0x38;
	[tilespmem:$0x1C400] =	vst v63  }
0xd2: {  	s9 =	sadd.s32 s6, s9  }
0xd3: {  	[tilespmem:s0], [sflag:$0x4] =	stream.linear.gather [hbm4b:s9+s4], $0x80, $0x38;
	[tilespmem:$0x1C400] =	vst v63  }
0xd4: {  	_ =	swait.ge [sflag:s16], $0x4000  }
0xd5: {  	s11 =	rddreg [dreg:$0x4]  }
0xd6: {  	s10 =	smov.u32 s23;
	[sflag:s16] =	ssyncset.done $0x0;
	p1 =	sge.u32 s22, s11  }
0xd7: {  	s22 =	smov.u32 s10;
	[sflag:s16] =	ssyncadd.s32 $0xFFFFC000;
	s8 =	simm.s32 @!p1 $0x80  }
0xd8: {  	s9 =	simm.s32 @!p1 $0x5;
	s10 =	simm.s32 @!p1 $0x14300;
	s11 =	simm.s32 @!p1 $0x14400  }
0xd9: {  	[spmem:s2] =	stream.indirect.scatter.add.f32 @!p1 [tilespmem:s11], [sflag:$0x5], $0x80, s10, s8, $0xb8;
	[tilespmem:$0x1C400] =	vst v63  }
0xda: {  	_ =	swait.ge @!p1 [sflag:s9], $0x4000  }
0xdb: {  	[sflag:s9] =	ssyncset.done @!p1 $0x0  }
0xdc: {  	[sflag:s9] =	ssyncadd.s32 @!p1 $0xFFFFC000  }
0xdd: {  	_ =	swait.ge [sflag:s17], $0x80  }
0xde: {  	[sflag:s17] =	ssyncset.done $0x0  }
0xdf: {  	s24 =	sadd.s32 $0xC0, s24;
	[sflag:s17] =	ssyncadd.s32 $0xFFFFFF80  }
0xe0: {  	p0 =	slt.s32 s24, $0x9C3;
	_ =	swait.ge [sflag:s17], $0x80  }
0xe1: {  	s24 =	simm.s32 @!p0 $0x9C3;
	[sflag:s17] =	ssyncset.done $0x0  }
0xe2: {  	s24 =	sshll.u32 s24, $0x4;
	[sflag:s17] =	ssyncadd.s32 $0xFFFFFF80  }
0xe3: {  	[tilespmem:s25], [sflag:$0x1] =	stream.indirect.gather [hbm4b:s1+s30], $0x80, s28, s30, $0xb8;
	[tilespmem:$0x1C400] =	vst v63  }
0xe4: {  	s12 =	sadd.s32 s5, s24  }
0xe5: {  	[tilespmem:s13], [sflag:$0x3] =	stream.linear.gather [hbm4b:s12+s4], $0x80, $0x38;
	[tilespmem:$0x1C400] =	vst v63  }
0xe6: {  	s23 =	sadd.s32 $0x80, s23;
	s24 =	sadd.s32 s6, s24  }
0xe7: {  	[tilespmem:s14], [sflag:$0x3] =	stream.linear.gather [hbm4b:s24+s4], $0x80, $0x38;
	[tilespmem:$0x1C400] =	vst v63  }
0xe8: {  	p0 =	sne.s32 s23, $0xA00;
	p1 =	sgt.u32 s21, $0x9C3;
	_ =	swait.ge [sflag:s18], $0x4000  }
0xe9: {  	s8 =	simm.s32 @!p1 $0x80;
	s9 =	simm.s32 @!p1 $0x14380;
	[sflag:s18] =	ssyncset.done $0x0  }
0xea: {  	s10 =	simm.s32 @!p1 $0x18400;
	s11 =	simm.s32 @!p1 $0x5;
	[sflag:s18] =	ssyncadd.s32 $0xFFFFC000  }
0xeb: {  	[spmem:s2] =	stream.indirect.scatter.add.f32 @!p1 [tilespmem:s10], [sflag:$0x5], $0x80, s9, s8, $0xb8;
	[tilespmem:$0x1C400] =	vst v63  }
.Ltmp1:
0xec: {  	_ =	swait.ge @!p1 [sflag:s11], $0x4000;
	(pc) =	sbr.rel @p0 .LBB2_4-.Ltmp1, $4  }
0xed: {  	[sflag:s11] =	ssyncset.done @!p1 $0x0  }
0xee: {  	s24 =	sadd.s32 s22, s7;
	[sflag:s11] =	ssyncadd.s32 @!p1 $0xFFFFC000  }
0xef: {  	s21 =	sadd.s32 $0x60, s24;
	s8 =	sadd.s32 $0x80, s24;
	_ =	swait.ge [sflag:s19], $0x80  }
0xf0: {  	p2 =	slt.s32 s21, $0x9C3;
	p1 =	slt.s32 s8, $0x9C3;
	[sflag:s19] =	ssyncset.done $0x0  }
0xf1: {  	[sflag:s19] =	ssyncadd.s32 $0xFFFFFF80  }
0xf2: {  	s9 =	smov.u32 s21;
	_ =	swait.ge [sflag:s19], $0x80  }
0xf3: {  	s9 =	simm.s32 @!p2 $0x9C3;
	[sflag:s19] =	ssyncset.done $0x0  }
0xf4: {  	s9 =	sshll.u32 s9, $0x4;
	[sflag:s19] =	ssyncadd.s32 $0xFFFFFF80  }
0xf5: {  	[tilespmem:s3], [sflag:$0x2] =	stream.indirect.gather [hbm4b:s1+s30], $0x80, s31, s30, $0xb8;
	[tilespmem:$0x1C400] =	vst v63  }
0xf6: {  	s10 =	sadd.s32 s5, s9  }
0xf7: {  	[tilespmem:s15], [sflag:$0x4] =	stream.linear.gather [hbm4b:s10+s4], $0x80, $0x38;
	[tilespmem:$0x1C400] =	vst v63  }
0xf8: {  	s11 =	rddreg [dreg:$0x5];
	s9 =	sadd.s32 s6, s9  }
0xf9: {  	[tilespmem:s11], [sflag:$0x4] =	stream.linear.gather [hbm4b:s9+s4], $0x80, $0x38;
	[tilespmem:$0x1C400] =	vst v63  }
0xfa: {  	_ =	swait.ge [sflag:s16], $0x4000  }
0xfb: {  	[sflag:s16] =	ssyncset.done $0x0  }
0xfc: {  	[sflag:s16] =	ssyncadd.s32 $0xFFFFC000  }
0xfd: {  	[spmem:s2] =	stream.indirect.scatter.add.f32 [tilespmem:s25], [sflag:$0x5], $0x80, s29, s30, $0xb8;
	[tilespmem:$0x1C400] =	vst v63  }
0xfe: {  	_ =	swait.ge [sflag:s26], $0x4000  }
0xff: {  	[sflag:s26] =	ssyncset.done $0x0  }
0x100: {  	[sflag:s26] =	ssyncadd.s32 $0xFFFFC000  }
0x101: {  	_ =	swait.ge [sflag:s17], $0x80  }
0x102: {  	[sflag:s17] =	ssyncset.done $0x0  }
0x103: {  	[sflag:s17] =	ssyncadd.s32 $0xFFFFFF80  }
0x104: {  	_ =	swait.ge [sflag:s17], $0x80  }
0x105: {  	s8 =	simm.s32 @!p1 $0x9C3;
	[sflag:s17] =	ssyncset.done $0x0  }
0x106: {  	s8 =	sshll.u32 s8, $0x4;
	[sflag:s17] =	ssyncadd.s32 $0xFFFFFF80  }
0x107: {  	[tilespmem:s25], [sflag:$0x1] =	stream.indirect.gather [hbm4b:s1+s30], $0x80, s13, s30, $0xb8;
	[tilespmem:$0x1C400] =	vst v63  }
0x108: {  	s12 =	sadd.s32 s5, s8  }
0x109: {  	[tilespmem:s28], [sflag:$0x3] =	stream.linear.gather [hbm4b:s12+s4], $0x80, $0x38;
	[tilespmem:$0x1C400] =	vst v63  }
0x10a: {  	s8 =	sadd.s32 s6, s8  }
0x10b: {  	[tilespmem:s29], [sflag:$0x3] =	stream.linear.gather [hbm4b:s8+s4], $0x80, $0x38;
	[tilespmem:$0x1C400] =	vst v63  }
0x10c: {  	_ =	swait.ge [sflag:s18], $0x4000  }
0x10d: {  	[sflag:s18] =	ssyncset.done $0x0  }
0x10e: {  	[sflag:s18] =	ssyncadd.s32 $0xFFFFC000  }
0x10f: {  	[spmem:s2] =	stream.indirect.scatter.add.f32 [tilespmem:s3], [sflag:$0x5], $0x80, s0, s30, $0xb8;
	[tilespmem:$0x1C400] =	vst v63  }
0x110: {  	_ =	swait.ge [sflag:s26], $0x4000  }
0x111: {  	[sflag:s26] =	ssyncset.done $0x0  }
0x112: {  	[sflag:s26] =	ssyncadd.s32 $0xFFFFC000  }
0x113: {  	_ =	swait.ge [sflag:s19], $0x80  }
0x114: {  	[sflag:s19] =	ssyncset.done $0x0  }
0x115: {  	s8 =	sadd.s32 $0xA0, s24;
	[sflag:s19] =	ssyncadd.s32 $0xFFFFFF80  }
0x116: {  	p0 =	slt.s32 s8, $0x9C3;
	_ =	swait.ge [sflag:s19], $0x80  }
0x117: {  	s8 =	simm.s32 @!p0 $0x9C3;
	[sflag:s19] =	ssyncset.done $0x0  }
0x118: {  	s8 =	sshll.u32 s8, $0x4;
	[sflag:s19] =	ssyncadd.s32 $0xFFFFFF80  }
0x119: {  	[tilespmem:s3], [sflag:$0x2] =	stream.indirect.gather [hbm4b:s1+s30], $0x80, s15, s30, $0xb8;
	[tilespmem:$0x1C400] =	vst v63  }
0x11a: {  	s23 =	sadd.s32 s5, s8  }
0x11b: {  	[tilespmem:s31], [sflag:$0x4] =	stream.linear.gather [hbm4b:s23+s4], $0x80, $0x38;
	[tilespmem:$0x1C400] =	vst v63  }
0x11c: {  	s8 =	sadd.s32 s6, s8  }
0x11d: {  	[tilespmem:s0], [sflag:$0x4] =	stream.linear.gather [hbm4b:s8+s4], $0x80, $0x38;
	[tilespmem:$0x1C400] =	vst v63  }
0x11e: {  	_ =	swait.ge [sflag:s16], $0x4000  }
0x11f: {  	s10 =	rddreg [dreg:$0x4];
	[sflag:s16] =	ssyncset.done $0x0  }
0x120: {  	p0 =	sge.u32 s22, s10;
	[sflag:s16] =	ssyncadd.s32 $0xFFFFC000  }
0x121: {  	s8 =	simm.s32 @!p0 $0x80;
	s9 =	simm.s32 @!p0 $0x14300;
	s10 =	simm.s32 @!p0 $0x14400  }
0x122: {  	[spmem:s2] =	stream.indirect.scatter.add.f32 @!p0 [tilespmem:s10], [sflag:$0x5], $0x80, s9, s8, $0xb8;
	[tilespmem:$0x1C400] =	vst v63  }
0x123: {  	s8 =	simm.s32 @!p0 $0x5  }
0x124: {  	_ =	swait.ge @!p0 [sflag:s8], $0x4000  }
0x125: {  	[sflag:s8] =	ssyncset.done @!p0 $0x0  }
0x126: {  	[sflag:s8] =	ssyncadd.s32 @!p0 $0xFFFFC000  }
0x127: {  	_ =	swait.ge [sflag:s17], $0x80  }
0x128: {  	[sflag:s17] =	ssyncset.done $0x0  }
0x129: {  	s8 =	sadd.s32 $0xC0, s24;
	[sflag:s17] =	ssyncadd.s32 $0xFFFFFF80  }
0x12a: {  	p0 =	slt.s32 s8, $0x9C3;
	_ =	swait.ge [sflag:s17], $0x80  }
0x12b: {  	s8 =	simm.s32 @!p0 $0x9C3;
	[sflag:s17] =	ssyncset.done $0x0  }
0x12c: {  	s8 =	sshll.u32 s8, $0x4;
	[sflag:s17] =	ssyncadd.s32 $0xFFFFFF80  }
0x12d: {  	[tilespmem:s25], [sflag:$0x1] =	stream.indirect.gather [hbm4b:s1+s30], $0x80, s28, s30, $0xb8;
	[tilespmem:$0x1C400] =	vst v63  }
0x12e: {  	s11 =	sadd.s32 s5, s8  }
0x12f: {  	[tilespmem:s13], [sflag:$0x3] =	stream.linear.gather [hbm4b:s11+s4], $0x80, $0x38;
	[tilespmem:$0x1C400] =	vst v63  }
0x130: {  	s8 =	sadd.s32 s6, s8  }
0x131: {  	[tilespmem:s14], [sflag:$0x3] =	stream.linear.gather [hbm4b:s8+s4], $0x80, $0x38;
	[tilespmem:$0x1C400] =	vst v63  }
0x132: {  	p0 =	sgt.u32 s21, $0x9C3;
	_ =	swait.ge [sflag:s18], $0x4000  }
0x133: {  	s9 =	simm.s32 @!p0 $0x14380;
	[sflag:s18] =	ssyncset.done $0x0  }
0x134: {  	s10 =	simm.s32 @!p0 $0x18400;
	s8 =	simm.s32 @!p0 $0x80;
	[sflag:s18] =	ssyncadd.s32 $0xFFFFC000  }
0x135: {  	[spmem:s2] =	stream.indirect.scatter.add.f32 @!p0 [tilespmem:s10], [sflag:$0x5], $0x80, s9, s8, $0xb8;
	[tilespmem:$0x1C400] =	vst v63  }
0x136: {  	s8 =	simm.s32 @!p0 $0x5  }
0x137: {  	_ =	swait.ge @!p0 [sflag:s8], $0x4000  }
0x138: {  	[sflag:s8] =	ssyncset.done @!p0 $0x0  }
0x139: {  	[sflag:s8] =	ssyncadd.s32 @!p0 $0xFFFFC000  }
0x13a: {  	_ =	swait.ge [sflag:s19], $0x80  }
0x13b: {  	[sflag:s19] =	ssyncset.done $0x0  }
0x13c: {  	[sflag:s19] =	ssyncadd.s32 $0xFFFFFF80  }
0x13d: {  	_ =	swait.ge [sflag:s19], $0x80  }
0x13e: {  	[sflag:s19] =	ssyncset.done $0x0  }
0x13f: {  	[sflag:s19] =	ssyncadd.s32 $0xFFFFFF80  }
0x140: {  	[tilespmem:s3], [sflag:$0x2] =	stream.indirect.gather [hbm4b:s1+s30], $0x80, s31, s30, $0xb8;
	[tilespmem:$0x1C400] =	vst v63  }
0x141: {  	_ =	swait.ge [sflag:s16], $0x4000  }
0x142: {  	[sflag:s16] =	ssyncset.done $0x0  }
0x143: {  	[sflag:s16] =	ssyncadd.s32 $0xFFFFC000  }
0x144: {  	_ =	swait.ge [sflag:s18], $0x4000  }
0x145: {  	[sflag:s18] =	ssyncset.done $0x0  }
0x146: {  	[sflag:s18] =	ssyncadd.s32 $0xFFFFC000  }
0x147: {  	_ =	swait.ge [sflag:s17], $0x80  }
0x148: {  	[sflag:s17] =	ssyncset.done $0x0  }
0x149: {  	[sflag:s17] =	ssyncadd.s32 $0xFFFFFF80  }
0x14a: {  	_ =	swait.ge [sflag:s17], $0x80  }
0x14b: {  	[sflag:s17] =	ssyncset.done $0x0  }
0x14c: {  	[sflag:s17] =	ssyncadd.s32 $0xFFFFFF80  }
0x14d: {  	s12 =	stileid.u32;
	[bflag:$0x0] =	sbarrier.arrive $0xFFFF  }
0x14e: {  	s8 =	sshll.u32 s12, $0x6;
	s11 =	rddreg [dreg:$0x6]  }
0x14f: {  	s8 =	sor.u32 $0x1C05, s8;
	s22 =	rddreg [dreg:$0x11];
	s21 =	sshrl.u32 s11, $0x3  }
0x150: {  	[hbm:s22], [sflag:s8] =	dma.local [spmem:s21], $0x800  }
0x151: {  	_ =	swait.ge [sflag:s26], $0x800  }
0x152: {  	[sflag:s26] =	ssyncset.done $0x0;
	s12 =	rddreg [dreg:$0x7]  }
0x153: {  	s24 =	rddreg [dreg:$0x12];
	[sflag:s26] =	ssyncadd.s32 $0xFFFFF800;
	s23 =	sshrl.u32 s12, $0x3  }
0x154: {  	[hbm:s24], [sflag:s8] =	dma.local [spmem:s23], $0x800  }
0x155: {  	_ =	swait.ge [sflag:s26], $0x800  }
0x156: {  	[sflag:s26] =	ssyncset.done $0x0;
	s21 =	rddreg [dreg:$0x8]  }
0x157: {  	s22 =	rddreg [dreg:$0x13];
	[sflag:s26] =	ssyncadd.s32 $0xFFFFF800;
	s10 =	sshrl.u32 s21, $0x3  }
0x158: {  	[hbm:s22], [sflag:s8] =	dma.local [spmem:s10], $0x800  }
0x159: {  	_ =	swait.ge [sflag:s26], $0x800  }
0x15a: {  	[sflag:s26] =	ssyncset.done $0x0;
	s22 =	rddreg [dreg:$0x9]  }
0x15b: {  	s24 =	rddreg [dreg:$0x14];
	[sflag:s26] =	ssyncadd.s32 $0xFFFFF800;
	s23 =	sshrl.u32 s22, $0x3  }
0x15c: {  	[hbm:s24], [sflag:s8] =	dma.local [spmem:s23], $0x800  }
0x15d: {  	_ =	swait.ge [sflag:s26], $0x800  }
0x15e: {  	[sflag:s26] =	ssyncset.done $0x0;
	s23 =	rddreg [dreg:$0xa]  }
0x15f: {  	s24 =	rddreg [dreg:$0x15];
	[sflag:s26] =	ssyncadd.s32 $0xFFFFF800;
	s10 =	sshrl.u32 s23, $0x3  }
0x160: {  	[hbm:s24], [sflag:s8] =	dma.local [spmem:s10], $0x800  }
0x161: {  	_ =	swait.ge [sflag:s26], $0x800  }
0x162: {  	s20 =	sadd.s32 $0x1, s20;
	s24 =	rddreg [dreg:$0x16]  }
0x163: {  	p0 =	sne.s32 s20, s24  }
.Ltmp2:
0x164: {  	_ = 	snop;
	(pc) =	sbr.rel @p0 .LBB2_1-.Ltmp2, $3  }
0x165: {  	_ =	sdelay $0x1  }
0x166: {  	[sflag:s26] =	ssyncset.done $0x0  }
0x167: {  	[sflag:s26] =	ssyncadd.s32 $0xFFFFF800  }
0x168: {  	_ =	sfence.sel $0x180000  }
0x169: {  	[bflag:$0x0] =	sbarrier.arrive $0xFFFF  }
0x16a: {  	_ =	strace $0x90000047  }
0x16b: {  	s0 =	stileid.u32;
	[bflag:$0x2] =	sbarrier.arrive $0xFFFF  }
0x16c: {  	p0 =	sne.s32 s0, $0x0;
	s0 =	rddreg [dreg:$0x3]  }
0x16d: {  	s0 =	sadd.s32 @!p0 $0x100000, s0  }
0x16e: {  	[sflag:s0] =	ssyncadd.tile.s32 @!p0 $0x1;
	_ =	shalt  }
.Lfunc_end2:
_tile_overlayer_lowered:
.L_overlay_start_2:
0x16f: {  	(tag) =	ssettag $0x2  }
0x170: {  	s0 =	rddreg [dreg:$0x0];
	s2 =	stileid.u32  }
0x171: {  	s1 =	rddreg [dreg:$0x1];
	p0 =	sne.s32 s2, $0x0  }
0x172: {  	s3 =	rddreg [dreg:$0x2];
	[bflag:$0x3] =	sbarrier.arrive $0xFFFF;
	s2 =	simm.s32 @!p0 $0x1C05  }
0x173: {  	[timem:s3], [sflag:s2] =	dma.local @!p0 [hbm:s0], s1  }
0x174: {  	s0 =	simm.s32 @!p0 $0x5  }
0x175: {  	_ =	swait.ge @!p0 [sflag:s0], s1  }
0x176: {  	s1 =	ssub.s32 @!p0 $0x0, s1;
	[sflag:s0] =	ssyncset.done @!p0 $0x0  }
0x177: {  	[sflag:s0] =	ssyncadd.s32 @!p0 s1  }
0x178: {  	[bflag:$0x3] =	sbarrier.arrive $0xFFFF  }
0x179: {  	_ =	shalt  }

// kernel: kernel.13.cloned.1.call-start
scs
__scs_entry_jumppad:
0x0: {  	(pc) =	sbr.rel $0x88, $3  }
0x1: {  	(tag) =	ssettag $0x0;
	lr =	simm.s32 $0x1  }
0x2: {  	[smem:$0x3F99] =	sst lr;
	_ =	strace $0xD0000000  }
0x3: {  	_ = 	snop  }
0x4: {  	_ = 	snop  }
0x5: {  	_ = 	snop  }
0x6: {  	_ = 	snop  }
0x7: {  	_ = 	snop  }
__scs_overlays_trampoline_lowered:
0x8: {  	[smem:$0x3FA8] =	sst s0  }
0x9: {  	[smem:$0x3FA9] =	sst s1  }
0xa: {  	[smem:$0x3FAA] =	sst s2  }
0xb: {  	[smem:$0x3FAB] =	sst s3  }
0xc: {  	[smem:$0x3FAC] =	sst s4  }
0xd: {  	[smem:$0x3FAD] =	sst s5  }
0xe: {  	[smem:$0x3FAE] =	sst s6  }
0xf: {  	[smem:$0x3FAF] =	sst s7  }
0x10: {  	[smem:$0x3FB0] =	sst s8  }
0x11: {  	[smem:$0x3FB1] =	sst s9;
	s0 =	simm.s32 @!p0 $0x0  }
0x12: {  	s1 =	sld [smem:$0x3F97];
	s0 =	simm.s32 @p0 $0x1  }
0x13: {  	[smem:$0x3FB2] =	sst s0;
	s0 =	simm.s32 @!p1 $0x0  }
0x14: {  	s2 =	sld [smem:$0x3F96];
	s0 =	simm.s32 @p1 $0x1  }
0x15: {  	[smem:$0x3FB3] =	sst s0;
	s0 =	simm.s32 @!p2 $0x0  }
0x16: {  	s3 =	sld [smem:$0x3FDB];
	s0 =	simm.s32 @p2 $0x1  }
0x17: {  	s4 =	simm.s32 $0x1BF5;
	[smem:$0x3FB5] =	sst s0  }
0x18: {  	s0 =	sld [smem:$0x3F98];
	_ =	swait.ge [sflag:s4], $0x0  }
0x19: {  	s7 =	sld [smem:$0x3F99]  }
0x1a: {  	s8 =	sadd.s32 $0xFFFFE003, lr  }
0x1b: {  	s9 =	sadd.s32 $0xFFFFFEF7, lr;
	s5 =	simm.s32 $0xFFFFFFFF;
	p2 =	slt.u32 s8, $0xFFFFF086  }
0x1c: {  	p1 =	slt.u32 s9, $0xF7A;
	s5 =	simm.s32 @!p2 $0x0  }
0x1d: {  	s5 =	simm.s32 @p1 $0x1;
	p0 =	seq.s32 s7, s2  }
0x1e: {  	s7 =	smul.u32 @!p0 $0xF7A, s2;
	p2 =	seq.s32 @!p0 s5, $0x0  }
0x1f: {  	s9 =	smul.u32 $0xF7A, s1;
	s8 =	simm.s32 @!p0 $0x1BF5;
	p2 =	por !p2, p0  }
0x20: {  	[sflag:s8] =	ssyncset.s32 @!p0 $0xFFFFF086;
	s6 =	sadd.s32 @!p0 s3, s7;
	s7 =	simm.s32 @!p0 $0x108  }
0x21: {  	s3 =	sadd.s32 s3, s9;
	s6 =	sadd.s32 @!p0 $0x88, s6;
	s7 =	simm.s32 @p2 $0x1082  }
0x22: {  	[simem:s7], [sflag:s8] =	dma.local @!p0 [hbm:s6], $0xF7A  }
0x23: {  	s9 =	sor.u32 $0xD0000000, s2;
	s6 =	simm.s32 $0x108;
	_ =	swait.ge @!p0 [sflag:s8], $0x0  }
0x24: {  	s3 =	sadd.s32 $0x88, s3;
	s6 =	simm.s32 @!p1 $0x1082;
	[sflag:s4] =	ssyncset.s32 $0xFFFFF086  }
0x25: {  	[simem:s6], [sflag:s4] =	dma.local [hbm:s3], $0xF7A  }
0x26: {  	[smem:$0x3F99] =	sst s1;
	(tag) =	ssettag s2;
	_ =	strace s9  }
0x27: {  	s1 =	sld [smem:$0x3FA9]  }
0x28: {  	s2 =	sld [smem:$0x3FAA]  }
0x29: {  	s4 =	sld [smem:$0x3FAC]  }
0x2a: {  	p0 =	seq.s32 s5, $0x0;
	s5 =	sld [smem:$0x3FAD]  }
0x2b: {  	s6 =	sld [smem:$0x3FAE]  }
0x2c: {  	s7 =	sld [smem:$0x3FAF]  }
0x2d: {  	s3 =	simm.s32 $0x108;
	s8 =	sld [smem:$0x3FB0]  }
0x2e: {  	s3 =	simm.s32 @!p0 $0x1082;
	s9 =	sld [smem:$0x3FB1]  }
0x2f: {  	lr =	sadd.s32 s0, s3;
	s0 =	sld [smem:$0x3FA8]  }
0x30: {  	s3 =	sld [smem:$0x3FAB]  }
0x31: {  	[smem:$0x3FB4] =	sst s10  }
0x32: {  	s10 =	sld [smem:$0x3FB2];
	_ =	sdelay $0x3  }
0x33: {  	p0 =	seq.s32 s10, $0x1;
	s10 =	sld [smem:$0x3FB4];
	_ =	sdelay $0x3  }
0x34: {  	[smem:$0x3FB4] =	sst s10  }
0x35: {  	s10 =	sld [smem:$0x3FB3];
	_ =	sdelay $0x3  }
0x36: {  	p1 =	seq.s32 s10, $0x1;
	s10 =	sld [smem:$0x3FB4];
	_ =	sdelay $0x3  }
0x37: {  	[smem:$0x3FB4] =	sst s10  }
0x38: {  	s10 =	sld [smem:$0x3FB5]  }
0x39: {  	_ = 	snop;
	(pc) =	sbr.ind lr, $3  }
0x3a: {  	_ = 	snop  }
0x3b: {  	_ = 	snop  }
0x3c: {  	p2 =	seq.s32 s10, $0x1;
	s10 =	sld [smem:$0x3FB4]  }
0x3d: {  	_ =	shalt  }
0x3e: {  	_ =	shalt  }
0x3f: {  	_ =	shalt  }
0x40: {  	_ =	shalt  }
0x41: {  	_ =	shalt  }
0x42: {  	_ =	shalt  }
0x43: {  	_ =	shalt  }
0x44: {  	_ =	shalt  }
0x45: {  	_ =	shalt  }
0x46: {  	_ =	shalt  }
0x47: {  	_ =	shalt  }
0x48: {  	_ =	shalt  }
0x49: {  	_ =	shalt  }
0x4a: {  	_ =	shalt  }
0x4b: {  	_ =	shalt  }
0x4c: {  	_ =	shalt  }
0x4d: {  	_ =	shalt  }
0x4e: {  	_ =	shalt  }
0x4f: {  	_ =	shalt  }
0x50: {  	_ =	shalt  }
0x51: {  	_ =	shalt  }
0x52: {  	_ =	shalt  }
0x53: {  	_ =	shalt  }
0x54: {  	_ =	shalt  }
0x55: {  	_ =	shalt  }
0x56: {  	_ =	shalt  }
0x57: {  	_ =	shalt  }
0x58: {  	_ =	shalt  }
0x59: {  	_ =	shalt  }
0x5a: {  	_ =	shalt  }
0x5b: {  	_ =	shalt  }
0x5c: {  	_ =	shalt  }
0x5d: {  	_ =	shalt  }
0x5e: {  	_ =	shalt  }
0x5f: {  	_ =	shalt  }
0x60: {  	_ =	shalt  }
0x61: {  	_ =	shalt  }
0x62: {  	_ =	shalt  }
0x63: {  	_ =	shalt  }
0x64: {  	_ =	shalt  }
0x65: {  	_ =	shalt  }
0x66: {  	_ =	shalt  }
0x67: {  	_ =	shalt  }
0x68: {  	_ =	shalt  }
0x69: {  	_ =	shalt  }
0x6a: {  	_ =	shalt  }
0x6b: {  	_ =	shalt  }
0x6c: {  	_ =	shalt  }
0x6d: {  	_ =	shalt  }
0x6e: {  	_ =	shalt  }
0x6f: {  	_ =	shalt  }
0x70: {  	_ =	shalt  }
0x71: {  	_ =	shalt  }
0x72: {  	_ =	shalt  }
0x73: {  	_ =	shalt  }
0x74: {  	_ =	shalt  }
0x75: {  	_ =	shalt  }
0x76: {  	_ =	shalt  }
0x77: {  	_ =	shalt  }
0x78: {  	_ =	shalt  }
0x79: {  	_ =	shalt  }
0x7a: {  	_ =	shalt  }
0x7b: {  	_ =	shalt  }
0x7c: {  	_ =	shalt  }
0x7d: {  	_ =	shalt  }
0x7e: {  	_ =	shalt  }
0x7f: {  	_ =	shalt  }
0x80: {  	_ =	shalt  }
0x81: {  	_ =	shalt  }
0x82: {  	_ =	shalt  }
0x83: {  	_ =	shalt  }
0x84: {  	_ =	shalt  }
0x85: {  	_ =	shalt  }
0x86: {  	_ =	shalt  }
0x87: {  	_ =	shalt  }
.Lfunc_end0:
.L_simem_size_0:
called_computation.2_lowered:
.L_overlay_start_0:
0x88: {  	s2 =	sld [smem:$0x3FD9]  }
0x89: {  	s3 =	sld [smem:$0x3FFE];
	_ =	sdelay $0x1  }
0x8a: {  	s1 =	srdreg.scid  }
0x8b: {  	s0 =	sand.u32 $0x1, s1  }
0x8c: {  	s17 =	sshll.u32 s0, $0xA;
	s2 =	sadd.s32 s3, s2  }
0x8d: {  	s2 =	sadd.s32 s2, s17  }
0x8e: {  	[smem:$0x3FC0] =	sst s2  }
0x8f: {  	_ = 	snop  }
0x90: {  	s2 =	sld [smem:$0x3FD0];
	(tm) =	ssettm $0x1  }
0x91: {  	s18 =	sld [smem:$0x3FFB];
	_ =	sdelay $0x3  }
0x92: {  	_ =	strace s18  }
0x93: {  	s3 =	sld [smem:$0x3FFC];
	_ =	sdelay $0x3  }
0x94: {  	_ =	strace s3  }
0x95: {  	s3 =	sld [smem:$0x3FFD];
	_ =	sdelay $0x3  }
0x96: {  	_ =	strace s3  }
0x97: {  	_ =	strace $0x8FFFFFFF  }
0x98: {  	s19 =	sld [smem:$0x3FDB];
	_ =	sdelay $0x1  }
0x99: {  	s4 =	simm.s32 $_scs_section_size  }
0x9a: {  	s5 =	simm.s32 $_size__tile_overlayer_lowered;
	s6 =	simm.s32 $_tile_overlayer_lowered  }
0x9b: {  	s22 =	simm.s32 $0x1BFF;
	s21 =	sshll.u32 s6, $0x1;
	s3 =	sadd.s32 s4, s19  }
0x9c: {  	s7 =	simm.s32 $0x0;
	s20 =	sshll.u32 s5, $0x1;
	s5 =	sadd.s32 s21, s3  }
0x9d: {  	[timem:s7], [sflag:s22] =	dma.local [hbm:s5], s20  }
0x9e: {  	_ =	swait.ge [sflag:s22], s20  }
0x9f: {  	s4 =	ssub.s32 $0x0, s20;
	[sflag:s22] =	ssyncset.done $0x0  }
0xa0: {  	[sflag:s22] =	ssyncadd.s32 s4;
	_ =	sdelay $0x1  }
0xa1: {  	s23 =	simm.s32 $0x1B8B  }
0xa2: {  	_ =	swait.ge [sflag:s23], $0x1  }
0xa3: {  	[sflag:s23] =	ssyncset.done $0x0  }
0xa4: {  	s25 =	simm.s32 $0x1B8E;
	s24 =	sld [smem:$0x3FFE];
	[sflag:s23] =	ssyncadd.s32 $0xFFFFFFFF  }
0xa5: {  	s26 =	simm.s32 $execute0_lowered;
	[smem:$0x3FD2] =	sst s25  }
0xa6: {  	s5 =	sshll.u32 s26, $0x1;
	_ =	strace $0x8000004C;
	[dreg:$0x1] =	wrdreg $0xFFFFFFFF  }
0xa7: {  	s28 =	simm.s32 $_size_execute0_lowered;
	s3 =	sadd.s32 s3, s5;
	[dreg:$0x0] =	wrdreg $0x0  }
0xa8: {  	s5 =	sshll.u32 s28, $0x1;
	[dreg:$0x2] =	wrdreg s3  }
0xa9: {  	[dreg:$0x3] =	wrdreg s5  }
0xaa: {  	[dreg:$0x4] =	wrdreg $0xC0  }
0xab: {  	_ =	task [dreg:s7], $0x5FFFF  }
0xac: {  	[dreg:$0x1] =	wrdreg $0xFFFFFFFF  }
0xad: {  	[dreg:$0x0] =	wrdreg $0x60  }
0xae: {  	[dreg:$0x2] =	wrdreg s2  }
0xaf: {  	[dreg:$0x3] =	wrdreg s24  }
0xb0: {  	[dreg:$0x4] =	wrdreg $0x0  }
0xb1: {  	[dreg:$0x5] =	wrdreg $0x9  }
0xb2: {  	_ =	task.clear_ibuf [dreg:s7], $0x6FFFF;
	_ =	strace $0x9000004C  }
0xb3: {  	s29 =	simm.s32 $0x9;
	_ =	strace $0x8000004E  }
0xb4: {  	_ =	swait.ge [sflag:s29], $0x1  }
0xb5: {  	[sflag:s29] =	ssyncadd.s32 $0xFFFFFFFF  }
0xb6: {  	_ =	strace $0x9000004E  }
0xb7: {  	_ =	sfence  }
0xb8: {  	s30 =	sld [smem:$0x0];
	_ =	sdelay $0x2  }
0xb9: {  	s31 =	sshll.u32 s1, $0xD;
	s1 =	sshrl.u32 s1, $0x2  }
0xba: {  	s3 =	sand.u32 $0x4000, s31;
	s1 =	sadd.s32 s1, s30  }
0xbb: {  	s0 =	sor.u32 s3, s0;
	s1 =	sshll.u32 s1, $0x11  }
0xbc: {  	s0 =	sor.u32 s1, s0  }
0xbd: {  	s0 =	sadd.s32 $0x8F2B, s0  }
0xbe: {  	[sflag:s0] =	ssyncadd.remote.s32 $0x1  }
0xbf: {  	_ =	sfence.sel $0xFFFF  }
0xc0: {  	[dreg:$0x0] =	wrdreg $0xFFFFFFFF;
	(pc) =	sbr.abs _section_cstart, $3  }
0xc1: {  	[dreg:$0x1] =	wrdreg $0xFFFFFFFF  }
0xc2: {  	_ =	task.clear_ibuf [dreg:s7], $0x2FFFF;
	_ =	strace $0x9FFFFFFF  }
0xc3: {  	(tm) =	ssettm $0x7FFFFFFF  }
tec
execute0_lowered:
.L_overlay_start_1:
0x0: {  	(tag) =	ssettag $0x1  }
0x1: {  	s1 =	rddreg [dreg:$0x0]  }
0x2: {  	s0 =	rddreg [dreg:$0x1]  }
0x3: {  	s2 =	rddreg [dreg:$0x2];
	s4 =	simm.s32 $0x0;
	s3 =	srdreg.scid  }
0x4: {  	s11 =	stileid.u32;
	s28 =	simm.s32 $0x14000;
	s29 =	simm.s32 $0x14200  }
0x5: {  	s30 =	simm.s32 $0x80;
	s31 =	simm.s32 $0x14080;
	[smem:$0x7FF] =	sst s4  }
0x6: {  	s3 =	sand.u32 $0x1, s3;
	s5 =	sadd.s32 $0xBE00, s0;
	s8 =	smul.u32 $0x50000, s11  }
0x7: {  	s6 =	sadd.s32 $0x2000, s0;
	s10 =	smul.u32 $0x14000, s11;
	s0 =	sadd.s32 $0x15C00, s0  }
0x8: {  	s13 =	sshll.u32 s11, $0x1;
	_ =	strace $0x8000004D;
	s7 =	ssub.s32 $0x2, s3  }
0x9: {  	s9 =	sshrl.u32 s7, $0x1;
	s8 =	sshrl.u32 s8, $0x2;
	s14 =	sadd.s32 $0x4000, s10  }
0xa: {  	s9 =	ssub.s32 s7, s9;
	s7 =	sor.u32 s3, s13;
	s13 =	ssub.s32 $0x984, s13  }
0xb: {  	s19 =	sadd.s32 $0x8000, s10;
	s11 =	sadd.s32 s8, s2;
	[dreg:$0x4] =	wrdreg s13  }
0xc: {  	s15 =	sadd.s32 $0xC000, s10;
	s12 =	sadd.s32 s14, s2;
	[dreg:$0x6] =	wrdreg s11  }
0xd: {  	s16 =	sadd.s32 $0x10000, s10;
	s21 =	sadd.s32 s19, s2;
	[dreg:$0x7] =	wrdreg s12  }
0xe: {  	s22 =	sadd.s32 s15, s2;
	s23 =	sadd.s32 s16, s2;
	[dreg:$0x8] =	wrdreg s21  }
0xf: {  	s3 =	smul.u32 $0x140000, s3;
	s17 =	sshll.u32 s7, $0x4;
	[dreg:$0x9] =	wrdreg s22  }
0x10: {  	[dreg:$0xa] =	wrdreg s23;
	s18 =	sadd.s32 s5, s17;
	s20 =	sadd.s32 s6, s17  }
0x11: {  	s24 =	sor.u32 $0x200, s17;
	s17 =	sor.u32 $0x400, s17;
	s10 =	sadd.s32 s10, s3  }
0x12: {  	s14 =	sadd.s32 s3, s14;
	s8 =	sadd.s32 s3, s19;
	s15 =	sadd.s32 s3, s15  }
0x13: {  	s3 =	sadd.s32 s3, s16;
	s16 =	simm.s32 $0x1;
	[dreg:$0xb] =	wrdreg s18  }
0x14: {  	[dreg:$0xc] =	wrdreg s20;
	s25 =	sadd.s32 s5, s24;
	s26 =	sadd.s32 s6, s24  }
0x15: {  	s18 =	sadd.s32 s5, s17;
	s13 =	sadd.s32 s6, s17;
	s10 =	sshrl.u32 s10, $0x3  }
0x16: {  	s19 =	sshrl.u32 s14, $0x3;
	s8 =	sshrl.u32 s8, $0x3;
	[dreg:$0xd] =	wrdreg s25  }
0x17: {  	s24 =	sshrl.u32 s15, $0x3;
	s3 =	sshrl.u32 s3, $0x3;
	[dreg:$0xe] =	wrdreg s26  }
0x18: {  	s14 =	simm.s32 $0x14300;
	s15 =	simm.s32 $0x14180;
	[dreg:$0xf] =	wrdreg s18  }
0x19: {  	s17 =	simm.s32 $0x3;
	[dreg:$0x10] =	wrdreg s13;
	s10 =	sadd.s32 s0, s10  }
0x1a: {  	s20 =	sadd.s32 s0, s19;
	s8 =	sadd.s32 s0, s8;
	[dreg:$0x11] =	wrdreg s10  }
0x1b: {  	s25 =	simm.s32 $0x14380;
	s26 =	smax.u32 s9, $0x1;
	[dreg:$0x12] =	wrdreg s20  }
0x1c: {  	s13 =	simm.s32 $0x14100;
	s18 =	simm.s32 $0x2;
	[dreg:$0x13] =	wrdreg s8  }
0x1d: {  	s19 =	simm.s32 $0x4;
	s8 =	sadd.s32 s0, s24;
	[dreg:$0x16] =	wrdreg s26  }
0x1e: {  	s0 =	sadd.s32 s0, s3;
	[dreg:$0x5] =	wrdreg s25;
	s25 =	simm.s32 $0x14400  }
0x1f: {  	s26 =	simm.s32 $0x5;
	s3 =	simm.s32 $0x18400;
	[dreg:$0x14] =	wrdreg s8  }
0x20: {  	v0 =	vimm.f32 $0.0e+00;
	s20 =	simm.s32 $0x0;
	[dreg:$0x15] =	wrdreg s0;
	s0 =	simm.s32 $0x14280  }
.LBB2_1:
0x21: {  	s8 =	simm.s32 $0x0;
	s9 =	simm.s32 $0x200  }
.LBB2_2:
0x22: {  	p0 =	sne.s32 s9, $0xFE00;
	[tilespmem:s8+$0x14470] =	vst v0  }
0x23: {  	[tilespmem:s8+$0x14400] =	vst v0  }
0x24: {  	[tilespmem:s8+$0x14410] =	vst v0  }
.Ltmp0:
0x25: {  	[tilespmem:s8+$0x14420] =	vst v0;
	(pc) =	sbr.rel @p0 .LBB2_2-.Ltmp0, $4  }
0x26: {  	[tilespmem:s8+$0x14430] =	vst v0  }
0x27: {  	[tilespmem:s8+$0x14440] =	vst v0  }
0x28: {  	[tilespmem:s8+$0x14450] =	vst v0  }
0x29: {  	[tilespmem:s8+$0x14460] =	vst v0;
	s8 =	sshra.s32 s9, $0x2;
	s9 =	sadd.s32 $0x200, s9  }
0x2a: {  	[tilespmem:s8+$0x14470] =	vst v0  }
0x2b: {  	[tilespmem:s8+$0x14400] =	vst v0  }
0x2c: {  	[tilespmem:s8+$0x14410] =	vst v0  }
0x2d: {  	[tilespmem:s8+$0x14420] =	vst v0  }
0x2e: {  	[tilespmem:s8+$0x14430] =	vst v0  }
0x2f: {  	[tilespmem:s8+$0x14440] =	vst v0  }
0x30: {  	[tilespmem:s8+$0x14450] =	vst v0  }
0x31: {  	[tilespmem:s8+$0x14460] =	vst v0  }
0x32: {  	[spmem:s11] =	stream.linear.scatter [tilespmem:s25], [sflag:$0x5], $0x4000, $0x38;
	[tilespmem:$0x1C400] =	vst v63  }
0x33: {  	_ =	swait.ge [sflag:s26], $0x4000  }
0x34: {  	[sflag:s26] =	ssyncset.done $0x0  }
0x35: {  	[sflag:s26] =	ssyncadd.s32 $0xFFFFC000  }
0x36: {  	[spmem:s12] =	stream.linear.scatter [tilespmem:s25], [sflag:$0x5], $0x4000, $0x38;
	[tilespmem:$0x1C400] =	vst v63  }
0x37: {  	_ =	swait.ge [sflag:s26], $0x4000  }
0x38: {  	[sflag:s26] =	ssyncset.done $0x0  }
0x39: {  	[sflag:s26] =	ssyncadd.s32 $0xFFFFC000  }
0x3a: {  	[spmem:s21] =	stream.linear.scatter [tilespmem:s25], [sflag:$0x5], $0x4000, $0x38;
	[tilespmem:$0x1C400] =	vst v63  }
0x3b: {  	_ =	swait.ge [sflag:s26], $0x4000  }
0x3c: {  	[sflag:s26] =	ssyncset.done $0x0  }
0x3d: {  	[sflag:s26] =	ssyncadd.s32 $0xFFFFC000  }
0x3e: {  	[spmem:s22] =	stream.linear.scatter [tilespmem:s25], [sflag:$0x5], $0x4000, $0x38;
	[tilespmem:$0x1C400] =	vst v63  }
0x3f: {  	_ =	swait.ge [sflag:s26], $0x4000  }
0x40: {  	[sflag:s26] =	ssyncset.done $0x0  }
0x41: {  	[sflag:s26] =	ssyncadd.s32 $0xFFFFC000  }
0x42: {  	[spmem:s23] =	stream.linear.scatter [tilespmem:s25], [sflag:$0x5], $0x4000, $0x38;
	[tilespmem:$0x1C400] =	vst v63  }
0x43: {  	_ =	swait.ge [sflag:s26], $0x4000  }
0x44: {  	[sflag:s26] =	ssyncset.done $0x0  }
0x45: {  	[sflag:s26] =	ssyncadd.s32 $0xFFFFC000  }
0x46: {  	[bflag:$0x0] =	sbarrier.arrive $0xFFFF  }
0x47: {  	s10 =	simm.s32 $0x0;
	s9 =	rddreg [dreg:$0xb]  }
0x48: {  	[tilespmem:s28], [sflag:$0x5] =	stream.linear.gather [hbm4b:s9+s10], $0x80, $0x38;
	[tilespmem:$0x1C400] =	vst v63  }
0x49: {  	_ =	swait.ge [sflag:s26], $0x80  }
0x4a: {  	[sflag:s26] =	ssyncset.done $0x0  }
0x4b: {  	s11 =	rddreg [dreg:$0xc];
	[sflag:s26] =	ssyncadd.s32 $0xFFFFFF80  }
0x4c: {  	[tilespmem:s29], [sflag:$0x5] =	stream.linear.gather [hbm4b:s11+s10], $0x80, $0x38;
	[tilespmem:$0x1C400] =	vst v63  }
0x4d: {  	_ =	swait.ge [sflag:s26], $0x80  }
0x4e: {  	[sflag:s26] =	ssyncset.done $0x0  }
0x4f: {  	[sflag:s26] =	ssyncadd.s32 $0xFFFFFF80  }
0x50: {  	[tilespmem:s25], [sflag:$0x1] =	stream.indirect.gather [hbm4b:s1+s30], $0x80, s28, s30, $0xb8;
	[tilespmem:$0x1C400] =	vst v63  }
0x51: {  	s12 =	rddreg [dreg:$0xd]  }
0x52: {  	[tilespmem:s31], [sflag:$0x5] =	stream.linear.gather [hbm4b:s12+s10], $0x80, $0x38;
	[tilespmem:$0x1C400] =	vst v63  }
0x53: {  	_ =	swait.ge [sflag:s26], $0x80  }
0x54: {  	[sflag:s26] =	ssyncset.done $0x0  }
0x55: {  	s21 =	rddreg [dreg:$0xe];
	[sflag:s26] =	ssyncadd.s32 $0xFFFFFF80  }
0x56: {  	[tilespmem:s0], [sflag:$0x5] =	stream.linear.gather [hbm4b:s21+s10], $0x80, $0x38;
	[tilespmem:$0x1C400] =	vst v63  }
0x57: {  	_ =	swait.ge [sflag:s26], $0x80  }
0x58: {  	[sflag:s26] =	ssyncset.done $0x0  }
0x59: {  	[sflag:s26] =	ssyncadd.s32 $0xFFFFFF80  }
0x5a: {  	[tilespmem:s3], [sflag:$0x2] =	stream.indirect.gather [hbm4b:s1+s30], $0x80, s31, s30, $0xb8;
	[tilespmem:$0x1C400] =	vst v63  }
0x5b: {  	s9 =	sadd.s32 $0x0, s7;
	s22 =	rddreg [dreg:$0xf]  }
0x5c: {  	[tilespmem:s13], [sflag:$0x3] =	stream.linear.gather [hbm4b:s22+s10], $0x80, $0x38;
	[tilespmem:$0x1C400] =	vst v63  }
0x5d: {  	s8 =	sadd.s32 $0x60, s9;
	s23 =	rddreg [dreg:$0x10]  }
0x5e: {  	[tilespmem:s14], [sflag:$0x3] =	stream.linear.gather [hbm4b:s23+s10], $0x80, $0x38;
	[tilespmem:$0x1C400] =	vst v63  }
0x5f: {  	p0 =	slt.s32 s8, $0x9C3;
	s10 =	smov.u32 s8  }
0x60: {  	s10 =	simm.s32 @!p0 $0x9C3  }
0x61: {  	s10 =	sshll.u32 s10, $0x4  }
0x62: {  	s24 =	sadd.s32 s5, s10  }
0x63: {  	[tilespmem:s15], [sflag:$0x4] =	stream.linear.gather [hbm4b:s24+s4], $0x80, $0x38;
	[tilespmem:$0x1C400] =	vst v63  }
0x64: {  	s11 =	rddreg [dreg:$0x5];
	s10 =	sadd.s32 s6, s10  }
0x65: {  	[tilespmem:s11], [sflag:$0x4] =	stream.linear.gather [hbm4b:s10+s4], $0x80, $0x38;
	[tilespmem:$0x1C400] =	vst v63  }
0x66: {  	_ =	swait.ge [sflag:s16], $0x4000  }
0x67: {  	[sflag:s16] =	ssyncset.done $0x0  }
0x68: {  	[sflag:s16] =	ssyncadd.s32 $0xFFFFC000  }
0x69: {  	[spmem:s2] =	stream.indirect.scatter.add.f32 [tilespmem:s25], [sflag:$0x5], $0x80, s29, s30, $0xb8;
	[tilespmem:$0x1C400] =	vst v63  }
0x6a: {  	_ =	swait.ge [sflag:s26], $0x4000  }
0x6b: {  	[sflag:s26] =	ssyncset.done $0x0  }
0x6c: {  	[sflag:s26] =	ssyncadd.s32 $0xFFFFC000  }
0x6d: {  	_ =	swait.ge [sflag:s17], $0x80  }
0x6e: {  	[sflag:s17] =	ssyncset.done $0x0  }
0x6f: {  	s10 =	sadd.s32 $0x80, s9;
	[sflag:s17] =	ssyncadd.s32 $0xFFFFFF80  }
0x70: {  	p0 =	slt.s32 s10, $0x9C3;
	_ =	swait.ge [sflag:s17], $0x80  }
0x71: {  	s10 =	simm.s32 @!p0 $0x9C3;
	[sflag:s17] =	ssyncset.done $0x0  }
0x72: {  	s10 =	sshll.u32 s10, $0x4;
	[sflag:s17] =	ssyncadd.s32 $0xFFFFFF80  }
0x73: {  	[tilespmem:s25], [sflag:$0x1] =	stream.indirect.gather [hbm4b:s1+s30], $0x80, s13, s30, $0xb8;
	[tilespmem:$0x1C400] =	vst v63  }
0x74: {  	s12 =	sadd.s32 s5, s10  }
0x75: {  	[tilespmem:s28], [sflag:$0x3] =	stream.linear.gather [hbm4b:s12+s4], $0x80, $0x38;
	[tilespmem:$0x1C400] =	vst v63  }
0x76: {  	s10 =	sadd.s32 s6, s10  }
0x77: {  	[tilespmem:s29], [sflag:$0x3] =	stream.linear.gather [hbm4b:s10+s4], $0x80, $0x38;
	[tilespmem:$0x1C400] =	vst v63  }
0x78: {  	_ =	swait.ge [sflag:s18], $0x4000  }
0x79: {  	[sflag:s18] =	ssyncset.done $0x0  }
0x7a: {  	[sflag:s18] =	ssyncadd.s32 $0xFFFFC000  }
0x7b: {  	[spmem:s2] =	stream.indirect.scatter.add.f32 [tilespmem:s3], [sflag:$0x5], $0x80, s0, s30, $0xb8;
	[tilespmem:$0x1C400] =	vst v63  }
0x7c: {  	_ =	swait.ge [sflag:s26], $0x4000  }
0x7d: {  	[sflag:s26] =	ssyncset.done $0x0  }
0x7e: {  	[sflag:s26] =	ssyncadd.s32 $0xFFFFC000  }
0x7f: {  	_ =	swait.ge [sflag:s19], $0x80  }
0x80: {  	[sflag:s19] =	ssyncset.done $0x0  }
0x81: {  	s10 =	sadd.s32 $0xA0, s9;
	[sflag:s19] =	ssyncadd.s32 $0xFFFFFF80  }
0x82: {  	p0 =	slt.s32 s10, $0x9C3;
	_ =	swait.ge [sflag:s19], $0x80  }
0x83: {  	s10 =	simm.s32 @!p0 $0x9C3;
	[sflag:s19] =	ssyncset.done $0x0  }
0x84: {  	s10 =	sshll.u32 s10, $0x4;
	[sflag:s19] =	ssyncadd.s32 $0xFFFFFF80  }
0x85: {  	[tilespmem:s3], [sflag:$0x2] =	stream.indirect.gather [hbm4b:s1+s30], $0x80, s15, s30, $0xb8;
	[tilespmem:$0x1C400] =	vst v63  }
0x86: {  	s22 =	sadd.s32 s5, s10  }
0x87: {  	[tilespmem:s31], [sflag:$0x4] =	stream.linear.gather [hbm4b:s22+s4], $0x80, $0x38;
	[tilespmem:$0x1C400] =	vst v63  }
0x88: {  	s10 =	sadd.s32 s6, s10  }
0x89: {  	[tilespmem:s0], [sflag:$0x4] =	stream.linear.gather [hbm4b:s10+s4], $0x80, $0x38;
	[tilespmem:$0x1C400] =	vst v63  }
0x8a: {  	_ =	swait.ge [sflag:s16], $0x4000  }
0x8b: {  	s23 =	rddreg [dreg:$0x4];
	[sflag:s16] =	ssyncset.done $0x0  }
0x8c: {  	p0 =	sle.u32 s23, $0x0;
	[sflag:s16] =	ssyncadd.s32 $0xFFFFC000  }
0x8d: {  	s10 =	simm.s32 @!p0 $0x80;
	s21 =	simm.s32 @!p0 $0x14300;
	s22 =	simm.s32 @!p0 $0x14400  }
0x8e: {  	[spmem:s2] =	stream.indirect.scatter.add.f32 @!p0 [tilespmem:s22], [sflag:$0x5], $0x80, s21, s10, $0xb8;
	[tilespmem:$0x1C400] =	vst v63  }
0x8f: {  	s10 =	simm.s32 @!p0 $0x5  }
0x90: {  	_ =	swait.ge @!p0 [sflag:s10], $0x4000  }
0x91: {  	[sflag:s10] =	ssyncset.done @!p0 $0x0  }
0x92: {  	[sflag:s10] =	ssyncadd.s32 @!p0 $0xFFFFC000  }
0x93: {  	_ =	swait.ge [sflag:s17], $0x80  }
0x94: {  	[sflag:s17] =	ssyncset.done $0x0  }
0x95: {  	s9 =	sadd.s32 $0xC0, s9;
	[sflag:s17] =	ssyncadd.s32 $0xFFFFFF80  }
0x96: {  	p0 =	slt.s32 s9, $0x9C3;
	_ =	swait.ge [sflag:s17], $0x80  }
0x97: {  	s9 =	simm.s32 @!p0 $0x9C3;
	[sflag:s17] =	ssyncset.done $0x0  }
0x98: {  	s9 =	sshll.u32 s9, $0x4;
	[sflag:s17] =	ssyncadd.s32 $0xFFFFFF80  }
0x99: {  	[tilespmem:s25], [sflag:$0x1] =	stream.indirect.gather [hbm4b:s1+s30], $0x80, s28, s30, $0xb8;
	[tilespmem:$0x1C400] =	vst v63  }
0x9a: {  	s24 =	sadd.s32 s5, s9  }
0x9b: {  	[tilespmem:s13], [sflag:$0x3] =	stream.linear.gather [hbm4b:s24+s4], $0x80, $0x38;
	[tilespmem:$0x1C400] =	vst v63  }
0x9c: {  	s9 =	sadd.s32 s6, s9  }
0x9d: {  	[tilespmem:s14], [sflag:$0x3] =	stream.linear.gather [hbm4b:s9+s4], $0x80, $0x38;
	[tilespmem:$0x1C400] =	vst v63  }
0x9e: {  	p0 =	sgt.u32 s8, $0x9C3;
	_ =	swait.ge [sflag:s18], $0x4000  }
0x9f: {  	s8 =	simm.s32 @!p0 $0x80;
	s10 =	simm.s32 @!p0 $0x18400;
	[sflag:s18] =	ssyncset.done $0x0  }
0xa0: {  	s21 =	simm.s32 @!p0 $0x5;
	s9 =	simm.s32 @!p0 $0x14380;
	[sflag:s18] =	ssyncadd.s32 $0xFFFFC000  }
0xa1: {  	[spmem:s2] =	stream.indirect.scatter.add.f32 @!p0 [tilespmem:s10], [sflag:$0x5], $0x80, s9, s8, $0xb8;
	[tilespmem:$0x1C400] =	vst v63  }
0xa2: {  	_ =	swait.ge @!p0 [sflag:s21], $0x4000  }
0xa3: {  	s23 =	simm.s32 $0x100;
	[sflag:s21] =	ssyncset.done @!p0 $0x0  }
0xa4: {  	s22 =	simm.s32 $0x80;
	s24 =	sadd.s32 $0x80, s7;
	[sflag:s21] =	ssyncadd.s32 @!p0 $0xFFFFC000  }
0xa5: {  	s8 =	sadd.s32 $0x80, s24;
	s21 =	sadd.s32 $0x60, s24;
	_ =	swait.ge [sflag:s19], $0x80  }
0xa6: {  	p1 =	slt.s32 s8, $0x9C3;
	p2 =	slt.s32 s21, $0x9C3;
	[sflag:s19] =	ssyncset.done $0x0  }
.LBB2_4:
0xa7: {  	[sflag:s19] =	ssyncadd.s32 $0xFFFFFF80  }
0xa8: {  	s9 =	smov.u32 s21;
	s10 =	sadd.s32 $0xA0, s24;
	_ =	swait.ge [sflag:s19], $0x80  }
0xa9: {  	s9 =	simm.s32 @!p2 $0x9C3;
	p0 =	slt.s32 s10, $0x9C3;
	[sflag:s19] =	ssyncset.done $0x0  }
0xaa: {  	s11 =	sshll.u32 s9, $0x4;
	s10 =	simm.s32 @!p0 $0x9C3;
	[sflag:s19] =	ssyncadd.s32 $0xFFFFFF80  }
0xab: {  	[tilespmem:s3], [sflag:$0x2] =	stream.indirect.gather [hbm4b:s1+s30], $0x80, s31, s30, $0xb8;
	[tilespmem:$0x1C400] =	vst v63  }
0xac: {  	s9 =	sshll.u32 s10, $0x4;
	s10 =	sadd.s32 s5, s11  }
0xad: {  	[tilespmem:s15], [sflag:$0x4] =	stream.linear.gather [hbm4b:s10+s4], $0x80, $0x38;
	[tilespmem:$0x1C400] =	vst v63  }
0xae: {  	s12 =	rddreg [dreg:$0x5];
	s11 =	sadd.s32 s6, s11  }
0xaf: {  	[tilespmem:s12], [sflag:$0x4] =	stream.linear.gather [hbm4b:s11+s4], $0x80, $0x38;
	[tilespmem:$0x1C400] =	vst v63  }
0xb0: {  	_ =	swait.ge [sflag:s16], $0x4000  }
0xb1: {  	[sflag:s16] =	ssyncset.done $0x0  }
0xb2: {  	[sflag:s16] =	ssyncadd.s32 $0xFFFFC000  }
0xb3: {  	[spmem:s2] =	stream.indirect.scatter.add.f32 [tilespmem:s25], [sflag:$0x5], $0x80, s29, s30, $0xb8;
	[tilespmem:$0x1C400] =	vst v63  }
0xb4: {  	_ =	swait.ge [sflag:s26], $0x4000  }
0xb5: {  	[sflag:s26] =	ssyncset.done $0x0  }
0xb6: {  	[sflag:s26] =	ssyncadd.s32 $0xFFFFC000  }
0xb7: {  	_ =	swait.ge [sflag:s17], $0x80  }
0xb8: {  	[sflag:s17] =	ssyncset.done $0x0  }
0xb9: {  	[sflag:s17] =	ssyncadd.s32 $0xFFFFFF80  }
0xba: {  	_ =	swait.ge [sflag:s17], $0x80  }
0xbb: {  	s8 =	simm.s32 @!p1 $0x9C3;
	[sflag:s17] =	ssyncset.done $0x0  }
0xbc: {  	s8 =	sshll.u32 s8, $0x4;
	[sflag:s17] =	ssyncadd.s32 $0xFFFFFF80  }
0xbd: {  	[tilespmem:s25], [sflag:$0x1] =	stream.indirect.gather [hbm4b:s1+s30], $0x80, s13, s30, $0xb8;
	[tilespmem:$0x1C400] =	vst v63  }
0xbe: {  	s12 =	sadd.s32 s5, s8  }
0xbf: {  	[tilespmem:s28], [sflag:$0x3] =	stream.linear.gather [hbm4b:s12+s4], $0x80, $0x38;
	[tilespmem:$0x1C400] =	vst v63  }
0xc0: {  	s8 =	sadd.s32 s6, s8  }
0xc1: {  	[tilespmem:s29], [sflag:$0x3] =	stream.linear.gather [hbm4b:s8+s4], $0x80, $0x38;
	[tilespmem:$0x1C400] =	vst v63  }
0xc2: {  	_ =	swait.ge [sflag:s18], $0x4000  }
0xc3: {  	[sflag:s18] =	ssyncset.done $0x0  }
0xc4: {  	[sflag:s18] =	ssyncadd.s32 $0xFFFFC000  }
0xc5: {  	[spmem:s2] =	stream.indirect.scatter.add.f32 [tilespmem:s3], [sflag:$0x5], $0x80, s0, s30, $0xb8;
	[tilespmem:$0x1C400] =	vst v63  }
0xc6: {  	_ =	swait.ge [sflag:s26], $0x4000  }
0xc7: {  	[sflag:s26] =	ssyncset.done $0x0  }
0xc8: {  	[sflag:s26] =	ssyncadd.s32 $0xFFFFC000  }
0xc9: {  	_ =	swait.ge [sflag:s19], $0x80  }
0xca: {  	[sflag:s19] =	ssyncset.done $0x0  }
0xcb: {  	[sflag:s19] =	ssyncadd.s32 $0xFFFFFF80  }
0xcc: {  	_ =	swait.ge [sflag:s19], $0x80  }
0xcd: {  	[sflag:s19] =	ssyncset.done $0x0  }
0xce: {  	[sflag:s19] =	ssyncadd.s32 $0xFFFFFF80  }
0xcf: {  	[tilespmem:s3], [sflag:$0x2] =	stream.indirect.gather [hbm4b:s1+s30], $0x80, s15, s30, $0xb8;
	[tilespmem:$0x1C400] =	vst v63  }
0xd0: {  	s12 =	sadd.s32 s5, s9  }
0xd1: {  	[tilespmem:s31], [sflag:$0x4] =	stream.linear.gather [hbm4b:s12+s4], $0x80, $0x38;
	[tilespmem:$0x1C400] =	vst v63  }
0xd2: {  	s9 =	sadd.s32 s6, s9  }
0xd3: {  	[tilespmem:s0], [sflag:$0x4] =	stream.linear.gather [hbm4b:s9+s4], $0x80, $0x38;
	[tilespmem:$0x1C400] =	vst v63  }
0xd4: {  	_ =	swait.ge [sflag:s16], $0x4000  }
0xd5: {  	s11 =	rddreg [dreg:$0x4]  }
0xd6: {  	s10 =	smov.u32 s23;
	[sflag:s16] =	ssyncset.done $0x0;
	p1 =	sge.u32 s22, s11  }
0xd7: {  	s22 =	smov.u32 s10;
	[sflag:s16] =	ssyncadd.s32 $0xFFFFC000;
	s8 =	simm.s32 @!p1 $0x80  }
0xd8: {  	s9 =	simm.s32 @!p1 $0x5;
	s10 =	simm.s32 @!p1 $0x14300;
	s11 =	simm.s32 @!p1 $0x14400  }
0xd9: {  	[spmem:s2] =	stream.indirect.scatter.add.f32 @!p1 [tilespmem:s11], [sflag:$0x5], $0x80, s10, s8, $0xb8;
	[tilespmem:$0x1C400] =	vst v63  }
0xda: {  	_ =	swait.ge @!p1 [sflag:s9], $0x4000  }
0xdb: {  	[sflag:s9] =	ssyncset.done @!p1 $0x0  }
0xdc: {  	[sflag:s9] =	ssyncadd.s32 @!p1 $0xFFFFC000  }
0xdd: {  	_ =	swait.ge [sflag:s17], $0x80  }
0xde: {  	[sflag:s17] =	ssyncset.done $0x0  }
0xdf: {  	s24 =	sadd.s32 $0xC0, s24;
	[sflag:s17] =	ssyncadd.s32 $0xFFFFFF80  }
0xe0: {  	p0 =	slt.s32 s24, $0x9C3;
	_ =	swait.ge [sflag:s17], $0x80  }
0xe1: {  	s24 =	simm.s32 @!p0 $0x9C3;
	[sflag:s17] =	ssyncset.done $0x0  }
0xe2: {  	s24 =	sshll.u32 s24, $0x4;
	[sflag:s17] =	ssyncadd.s32 $0xFFFFFF80  }
0xe3: {  	[tilespmem:s25], [sflag:$0x1] =	stream.indirect.gather [hbm4b:s1+s30], $0x80, s28, s30, $0xb8;
	[tilespmem:$0x1C400] =	vst v63  }
0xe4: {  	s12 =	sadd.s32 s5, s24  }
0xe5: {  	[tilespmem:s13], [sflag:$0x3] =	stream.linear.gather [hbm4b:s12+s4], $0x80, $0x38;
	[tilespmem:$0x1C400] =	vst v63  }
0xe6: {  	s23 =	sadd.s32 $0x80, s23;
	s24 =	sadd.s32 s6, s24  }
0xe7: {  	[tilespmem:s14], [sflag:$0x3] =	stream.linear.gather [hbm4b:s24+s4], $0x80, $0x38;
	[tilespmem:$0x1C400] =	vst v63  }
0xe8: {  	p0 =	sne.s32 s23, $0xA00;
	p1 =	sgt.u32 s21, $0x9C3;
	_ =	swait.ge [sflag:s18], $0x4000  }
0xe9: {  	s8 =	simm.s32 @!p1 $0x80;
	s9 =	simm.s32 @!p1 $0x14380;
	[sflag:s18] =	ssyncset.done $0x0  }
0xea: {  	s10 =	simm.s32 @!p1 $0x18400;
	s11 =	simm.s32 @!p1 $0x5;
	[sflag:s18] =	ssyncadd.s32 $0xFFFFC000  }
0xeb: {  	[spmem:s2] =	stream.indirect.scatter.add.f32 @!p1 [tilespmem:s10], [sflag:$0x5], $0x80, s9, s8, $0xb8;
	[tilespmem:$0x1C400] =	vst v63  }
.Ltmp1:
0xec: {  	_ =	swait.ge @!p1 [sflag:s11], $0x4000;
	(pc) =	sbr.rel @p0 .LBB2_4-.Ltmp1, $4  }
0xed: {  	[sflag:s11] =	ssyncset.done @!p1 $0x0  }
0xee: {  	s24 =	sadd.s32 s22, s7;
	[sflag:s11] =	ssyncadd.s32 @!p1 $0xFFFFC000  }
0xef: {  	s21 =	sadd.s32 $0x60, s24;
	s8 =	sadd.s32 $0x80, s24;
	_ =	swait.ge [sflag:s19], $0x80  }
0xf0: {  	p2 =	slt.s32 s21, $0x9C3;
	p1 =	slt.s32 s8, $0x9C3;
	[sflag:s19] =	ssyncset.done $0x0  }
0xf1: {  	[sflag:s19] =	ssyncadd.s32 $0xFFFFFF80  }
0xf2: {  	s9 =	smov.u32 s21;
	_ =	swait.ge [sflag:s19], $0x80  }
0xf3: {  	s9 =	simm.s32 @!p2 $0x9C3;
	[sflag:s19] =	ssyncset.done $0x0  }
0xf4: {  	s9 =	sshll.u32 s9, $0x4;
	[sflag:s19] =	ssyncadd.s32 $0xFFFFFF80  }
0xf5: {  	[tilespmem:s3], [sflag:$0x2] =	stream.indirect.gather [hbm4b:s1+s30], $0x80, s31, s30, $0xb8;
	[tilespmem:$0x1C400] =	vst v63  }
0xf6: {  	s10 =	sadd.s32 s5, s9  }
0xf7: {  	[tilespmem:s15], [sflag:$0x4] =	stream.linear.gather [hbm4b:s10+s4], $0x80, $0x38;
	[tilespmem:$0x1C400] =	vst v63  }
0xf8: {  	s11 =	rddreg [dreg:$0x5];
	s9 =	sadd.s32 s6, s9  }
0xf9: {  	[tilespmem:s11], [sflag:$0x4] =	stream.linear.gather [hbm4b:s9+s4], $0x80, $0x38;
	[tilespmem:$0x1C400] =	vst v63  }
0xfa: {  	_ =	swait.ge [sflag:s16], $0x4000  }
0xfb: {  	[sflag:s16] =	ssyncset.done $0x0  }
0xfc: {  	[sflag:s16] =	ssyncadd.s32 $0xFFFFC000  }
0xfd: {  	[spmem:s2] =	stream.indirect.scatter.add.f32 [tilespmem:s25], [sflag:$0x5], $0x80, s29, s30, $0xb8;
	[tilespmem:$0x1C400] =	vst v63  }
0xfe: {  	_ =	swait.ge [sflag:s26], $0x4000  }
0xff: {  	[sflag:s26] =	ssyncset.done $0x0  }
0x100: {  	[sflag:s26] =	ssyncadd.s32 $0xFFFFC000  }
0x101: {  	_ =	swait.ge [sflag:s17], $0x80  }
0x102: {  	[sflag:s17] =	ssyncset.done $0x0  }
0x103: {  	[sflag:s17] =	ssyncadd.s32 $0xFFFFFF80  }
0x104: {  	_ =	swait.ge [sflag:s17], $0x80  }
0x105: {  	s8 =	simm.s32 @!p1 $0x9C3;
	[sflag:s17] =	ssyncset.done $0x0  }
0x106: {  	s8 =	sshll.u32 s8, $0x4;
	[sflag:s17] =	ssyncadd.s32 $0xFFFFFF80  }
0x107: {  	[tilespmem:s25], [sflag:$0x1] =	stream.indirect.gather [hbm4b:s1+s30], $0x80, s13, s30, $0xb8;
	[tilespmem:$0x1C400] =	vst v63  }
0x108: {  	s12 =	sadd.s32 s5, s8  }
0x109: {  	[tilespmem:s28], [sflag:$0x3] =	stream.linear.gather [hbm4b:s12+s4], $0x80, $0x38;
	[tilespmem:$0x1C400] =	vst v63  }
0x10a: {  	s8 =	sadd.s32 s6, s8  }
0x10b: {  	[tilespmem:s29], [sflag:$0x3] =	stream.linear.gather [hbm4b:s8+s4], $0x80, $0x38;
	[tilespmem:$0x1C400] =	vst v63  }
0x10c: {  	_ =	swait.ge [sflag:s18], $0x4000  }
0x10d: {  	[sflag:s18] =	ssyncset.done $0x0  }
0x10e: {  	[sflag:s18] =	ssyncadd.s32 $0xFFFFC000  }
0x10f: {  	[spmem:s2] =	stream.indirect.scatter.add.f32 [tilespmem:s3], [sflag:$0x5], $0x80, s0, s30, $0xb8;
	[tilespmem:$0x1C400] =	vst v63  }
0x110: {  	_ =	swait.ge [sflag:s26], $0x4000  }
0x111: {  	[sflag:s26] =	ssyncset.done $0x0  }
0x112: {  	[sflag:s26] =	ssyncadd.s32 $0xFFFFC000  }
0x113: {  	_ =	swait.ge [sflag:s19], $0x80  }
0x114: {  	[sflag:s19] =	ssyncset.done $0x0  }
0x115: {  	s8 =	sadd.s32 $0xA0, s24;
	[sflag:s19] =	ssyncadd.s32 $0xFFFFFF80  }
0x116: {  	p0 =	slt.s32 s8, $0x9C3;
	_ =	swait.ge [sflag:s19], $0x80  }
0x117: {  	s8 =	simm.s32 @!p0 $0x9C3;
	[sflag:s19] =	ssyncset.done $0x0  }
0x118: {  	s8 =	sshll.u32 s8, $0x4;
	[sflag:s19] =	ssyncadd.s32 $0xFFFFFF80  }
0x119: {  	[tilespmem:s3], [sflag:$0x2] =	stream.indirect.gather [hbm4b:s1+s30], $0x80, s15, s30, $0xb8;
	[tilespmem:$0x1C400] =	vst v63  }
0x11a: {  	s23 =	sadd.s32 s5, s8  }
0x11b: {  	[tilespmem:s31], [sflag:$0x4] =	stream.linear.gather [hbm4b:s23+s4], $0x80, $0x38;
	[tilespmem:$0x1C400] =	vst v63  }
0x11c: {  	s8 =	sadd.s32 s6, s8  }
0x11d: {  	[tilespmem:s0], [sflag:$0x4] =	stream.linear.gather [hbm4b:s8+s4], $0x80, $0x38;
	[tilespmem:$0x1C400] =	vst v63  }
0x11e: {  	_ =	swait.ge [sflag:s16], $0x4000  }
0x11f: {  	s10 =	rddreg [dreg:$0x4];
	[sflag:s16] =	ssyncset.done $0x0  }
0x120: {  	p0 =	sge.u32 s22, s10;
	[sflag:s16] =	ssyncadd.s32 $0xFFFFC000  }
0x121: {  	s8 =	simm.s32 @!p0 $0x80;
	s9 =	simm.s32 @!p0 $0x14300;
	s10 =	simm.s32 @!p0 $0x14400  }
0x122: {  	[spmem:s2] =	stream.indirect.scatter.add.f32 @!p0 [tilespmem:s10], [sflag:$0x5], $0x80, s9, s8, $0xb8;
	[tilespmem:$0x1C400] =	vst v63  }
0x123: {  	s8 =	simm.s32 @!p0 $0x5  }
0x124: {  	_ =	swait.ge @!p0 [sflag:s8], $0x4000  }
0x125: {  	[sflag:s8] =	ssyncset.done @!p0 $0x0  }
0x126: {  	[sflag:s8] =	ssyncadd.s32 @!p0 $0xFFFFC000  }
0x127: {  	_ =	swait.ge [sflag:s17], $0x80  }
0x128: {  	[sflag:s17] =	ssyncset.done $0x0  }
0x129: {  	s8 =	sadd.s32 $0xC0, s24;
	[sflag:s17] =	ssyncadd.s32 $0xFFFFFF80  }
0x12a: {  	p0 =	slt.s32 s8, $0x9C3;
	_ =	swait.ge [sflag:s17], $0x80  }
0x12b: {  	s8 =	simm.s32 @!p0 $0x9C3;
	[sflag:s17] =	ssyncset.done $0x0  }
0x12c: {  	s8 =	sshll.u32 s8, $0x4;
	[sflag:s17] =	ssyncadd.s32 $0xFFFFFF80  }
0x12d: {  	[tilespmem:s25], [sflag:$0x1] =	stream.indirect.gather [hbm4b:s1+s30], $0x80, s28, s30, $0xb8;
	[tilespmem:$0x1C400] =	vst v63  }
0x12e: {  	s11 =	sadd.s32 s5, s8  }
0x12f: {  	[tilespmem:s13], [sflag:$0x3] =	stream.linear.gather [hbm4b:s11+s4], $0x80, $0x38;
	[tilespmem:$0x1C400] =	vst v63  }
0x130: {  	s8 =	sadd.s32 s6, s8  }
0x131: {  	[tilespmem:s14], [sflag:$0x3] =	stream.linear.gather [hbm4b:s8+s4], $0x80, $0x38;
	[tilespmem:$0x1C400] =	vst v63  }
0x132: {  	p0 =	sgt.u32 s21, $0x9C3;
	_ =	swait.ge [sflag:s18], $0x4000  }
0x133: {  	s9 =	simm.s32 @!p0 $0x14380;
	[sflag:s18] =	ssyncset.done $0x0  }
0x134: {  	s10 =	simm.s32 @!p0 $0x18400;
	s8 =	simm.s32 @!p0 $0x80;
	[sflag:s18] =	ssyncadd.s32 $0xFFFFC000  }
0x135: {  	[spmem:s2] =	stream.indirect.scatter.add.f32 @!p0 [tilespmem:s10], [sflag:$0x5], $0x80, s9, s8, $0xb8;
	[tilespmem:$0x1C400] =	vst v63  }
0x136: {  	s8 =	simm.s32 @!p0 $0x5  }
0x137: {  	_ =	swait.ge @!p0 [sflag:s8], $0x4000  }
0x138: {  	[sflag:s8] =	ssyncset.done @!p0 $0x0  }
0x139: {  	[sflag:s8] =	ssyncadd.s32 @!p0 $0xFFFFC000  }
0x13a: {  	_ =	swait.ge [sflag:s19], $0x80  }
0x13b: {  	[sflag:s19] =	ssyncset.done $0x0  }
0x13c: {  	[sflag:s19] =	ssyncadd.s32 $0xFFFFFF80  }
0x13d: {  	_ =	swait.ge [sflag:s19], $0x80  }
0x13e: {  	[sflag:s19] =	ssyncset.done $0x0  }
0x13f: {  	[sflag:s19] =	ssyncadd.s32 $0xFFFFFF80  }
0x140: {  	[tilespmem:s3], [sflag:$0x2] =	stream.indirect.gather [hbm4b:s1+s30], $0x80, s31, s30, $0xb8;
	[tilespmem:$0x1C400] =	vst v63  }
0x141: {  	_ =	swait.ge [sflag:s16], $0x4000  }
0x142: {  	[sflag:s16] =	ssyncset.done $0x0  }
0x143: {  	[sflag:s16] =	ssyncadd.s32 $0xFFFFC000  }
0x144: {  	_ =	swait.ge [sflag:s18], $0x4000  }
0x145: {  	[sflag:s18] =	ssyncset.done $0x0  }
0x146: {  	[sflag:s18] =	ssyncadd.s32 $0xFFFFC000  }
0x147: {  	_ =	swait.ge [sflag:s17], $0x80  }
0x148: {  	[sflag:s17] =	ssyncset.done $0x0  }
0x149: {  	[sflag:s17] =	ssyncadd.s32 $0xFFFFFF80  }
0x14a: {  	_ =	swait.ge [sflag:s17], $0x80  }
0x14b: {  	[sflag:s17] =	ssyncset.done $0x0  }
0x14c: {  	[sflag:s17] =	ssyncadd.s32 $0xFFFFFF80  }
0x14d: {  	s12 =	stileid.u32;
	[bflag:$0x0] =	sbarrier.arrive $0xFFFF  }
0x14e: {  	s8 =	sshll.u32 s12, $0x6;
	s11 =	rddreg [dreg:$0x6]  }
0x14f: {  	s8 =	sor.u32 $0x1C05, s8;
	s22 =	rddreg [dreg:$0x11];
	s21 =	sshrl.u32 s11, $0x3  }
0x150: {  	[hbm:s22], [sflag:s8] =	dma.local [spmem:s21], $0x800  }
0x151: {  	_ =	swait.ge [sflag:s26], $0x800  }
0x152: {  	[sflag:s26] =	ssyncset.done $0x0;
	s12 =	rddreg [dreg:$0x7]  }
0x153: {  	s24 =	rddreg [dreg:$0x12];
	[sflag:s26] =	ssyncadd.s32 $0xFFFFF800;
	s23 =	sshrl.u32 s12, $0x3  }
0x154: {  	[hbm:s24], [sflag:s8] =	dma.local [spmem:s23], $0x800  }
0x155: {  	_ =	swait.ge [sflag:s26], $0x800  }
0x156: {  	[sflag:s26] =	ssyncset.done $0x0;
	s21 =	rddreg [dreg:$0x8]  }
0x157: {  	s22 =	rddreg [dreg:$0x13];
	[sflag:s26] =	ssyncadd.s32 $0xFFFFF800;
	s10 =	sshrl.u32 s21, $0x3  }
0x158: {  	[hbm:s22], [sflag:s8] =	dma.local [spmem:s10], $0x800  }
0x159: {  	_ =	swait.ge [sflag:s26], $0x800  }
0x15a: {  	[sflag:s26] =	ssyncset.done $0x0;
	s22 =	rddreg [dreg:$0x9]  }
0x15b: {  	s24 =	rddreg [dreg:$0x14];
	[sflag:s26] =	ssyncadd.s32 $0xFFFFF800;
	s23 =	sshrl.u32 s22, $0x3  }
0x15c: {  	[hbm:s24], [sflag:s8] =	dma.local [spmem:s23], $0x800  }
0x15d: {  	_ =	swait.ge [sflag:s26], $0x800  }
0x15e: {  	[sflag:s26] =	ssyncset.done $0x0;
	s23 =	rddreg [dreg:$0xa]  }
0x15f: {  	s24 =	rddreg [dreg:$0x15];
	[sflag:s26] =	ssyncadd.s32 $0xFFFFF800;
	s10 =	sshrl.u32 s23, $0x3  }
0x160: {  	[hbm:s24], [sflag:s8] =	dma.local [spmem:s10], $0x800  }
0x161: {  	_ =	swait.ge [sflag:s26], $0x800  }
0x162: {  	s20 =	sadd.s32 $0x1, s20;
	s24 =	rddreg [dreg:$0x16]  }
0x163: {  	p0 =	sne.s32 s20, s24  }
.Ltmp2:
0x164: {  	_ = 	snop;
	(pc) =	sbr.rel @p0 .LBB2_1-.Ltmp2, $3  }
0x165: {  	_ =	sdelay $0x1  }
0x166: {  	[sflag:s26] =	ssyncset.done $0x0  }
0x167: {  	[sflag:s26] =	ssyncadd.s32 $0xFFFFF800  }
0x168: {  	_ =	sfence.sel $0x180000  }
0x169: {  	[bflag:$0x0] =	sbarrier.arrive $0xFFFF  }
0x16a: {  	_ =	strace $0x9000004D  }
0x16b: {  	s0 =	stileid.u32;
	[bflag:$0x2] =	sbarrier.arrive $0xFFFF  }
0x16c: {  	p0 =	sne.s32 s0, $0x0;
	s0 =	rddreg [dreg:$0x3]  }
0x16d: {  	s0 =	sadd.s32 @!p0 $0x100000, s0  }
0x16e: {  	[sflag:s0] =	ssyncadd.tile.s32 @!p0 $0x1;
	_ =	shalt  }
.Lfunc_end2:
_tile_overlayer_lowered:
.L_overlay_start_2:
0x16f: {  	(tag) =	ssettag $0x2  }
0x170: {  	s0 =	rddreg [dreg:$0x0];
	s2 =	stileid.u32  }
0x171: {  	s1 =	rddreg [dreg:$0x1];
	p0 =	sne.s32 s2, $0x0  }
0x172: {  	s3 =	rddreg [dreg:$0x2];
	[bflag:$0x3] =	sbarrier.arrive $0xFFFF;
	s2 =	simm.s32 @!p0 $0x1C05  }
0x173: {  	[timem:s3], [sflag:s2] =	dma.local @!p0 [hbm:s0], s1  }
0x174: {  	s0 =	simm.s32 @!p0 $0x5  }
0x175: {  	_ =	swait.ge @!p0 [sflag:s0], s1  }
0x176: {  	s1 =	ssub.s32 @!p0 $0x0, s1;
	[sflag:s0] =	ssyncset.done @!p0 $0x0  }
0x177: {  	[sflag:s0] =	ssyncadd.s32 @!p0 s1  }
0x178: {  	[bflag:$0x3] =	sbarrier.arrive $0xFFFF  }
0x179: {  	_ =	shalt  }

// kernel: kernel.7.cloned.1.call-start
scs
__scs_entry_jumppad:
0x0: {  	(pc) =	sbr.rel $0x88, $3  }
0x1: {  	(tag) =	ssettag $0x0;
	lr =	simm.s32 $0x1  }
0x2: {  	[smem:$0x3F99] =	sst lr;
	_ =	strace $0xD0000000  }
0x3: {  	_ = 	snop  }
0x4: {  	_ = 	snop  }
0x5: {  	_ = 	snop  }
0x6: {  	_ = 	snop  }
0x7: {  	_ = 	snop  }
__scs_overlays_trampoline_lowered:
0x8: {  	[smem:$0x3FA8] =	sst s0  }
0x9: {  	[smem:$0x3FA9] =	sst s1  }
0xa: {  	[smem:$0x3FAA] =	sst s2  }
0xb: {  	[smem:$0x3FAB] =	sst s3  }
0xc: {  	[smem:$0x3FAC] =	sst s4  }
0xd: {  	[smem:$0x3FAD] =	sst s5  }
0xe: {  	[smem:$0x3FAE] =	sst s6  }
0xf: {  	[smem:$0x3FAF] =	sst s7  }
0x10: {  	[smem:$0x3FB0] =	sst s8  }
0x11: {  	[smem:$0x3FB1] =	sst s9;
	s0 =	simm.s32 @!p0 $0x0  }
0x12: {  	s1 =	sld [smem:$0x3F97];
	s0 =	simm.s32 @p0 $0x1  }
0x13: {  	[smem:$0x3FB2] =	sst s0;
	s0 =	simm.s32 @!p1 $0x0  }
0x14: {  	s2 =	sld [smem:$0x3F96];
	s0 =	simm.s32 @p1 $0x1  }
0x15: {  	[smem:$0x3FB3] =	sst s0;
	s0 =	simm.s32 @!p2 $0x0  }
0x16: {  	s3 =	sld [smem:$0x3FDB];
	s0 =	simm.s32 @p2 $0x1  }
0x17: {  	s4 =	simm.s32 $0x1BF5;
	[smem:$0x3FB5] =	sst s0  }
0x18: {  	s0 =	sld [smem:$0x3F98];
	_ =	swait.ge [sflag:s4], $0x0  }
0x19: {  	s7 =	sld [smem:$0x3F99]  }
0x1a: {  	s8 =	sadd.s32 $0xFFFFE003, lr  }
0x1b: {  	s9 =	sadd.s32 $0xFFFFFEF7, lr;
	s5 =	simm.s32 $0xFFFFFFFF;
	p2 =	slt.u32 s8, $0xFFFFF086  }
0x1c: {  	p1 =	slt.u32 s9, $0xF7A;
	s5 =	simm.s32 @!p2 $0x0  }
0x1d: {  	s5 =	simm.s32 @p1 $0x1;
	p0 =	seq.s32 s7, s2  }
0x1e: {  	s7 =	smul.u32 @!p0 $0xF7A, s2;
	p2 =	seq.s32 @!p0 s5, $0x0  }
0x1f: {  	s9 =	smul.u32 $0xF7A, s1;
	s8 =	simm.s32 @!p0 $0x1BF5;
	p2 =	por !p2, p0  }
0x20: {  	[sflag:s8] =	ssyncset.s32 @!p0 $0xFFFFF086;
	s6 =	sadd.s32 @!p0 s3, s7;
	s7 =	simm.s32 @!p0 $0x108  }
0x21: {  	s3 =	sadd.s32 s3, s9;
	s6 =	sadd.s32 @!p0 $0x88, s6;
	s7 =	simm.s32 @p2 $0x1082  }
0x22: {  	[simem:s7], [sflag:s8] =	dma.local @!p0 [hbm:s6], $0xF7A  }
0x23: {  	s9 =	sor.u32 $0xD0000000, s2;
	s6 =	simm.s32 $0x108;
	_ =	swait.ge @!p0 [sflag:s8], $0x0  }
0x24: {  	s3 =	sadd.s32 $0x88, s3;
	s6 =	simm.s32 @!p1 $0x1082;
	[sflag:s4] =	ssyncset.s32 $0xFFFFF086  }
0x25: {  	[simem:s6], [sflag:s4] =	dma.local [hbm:s3], $0xF7A  }
0x26: {  	[smem:$0x3F99] =	sst s1;
	(tag) =	ssettag s2;
	_ =	strace s9  }
0x27: {  	s1 =	sld [smem:$0x3FA9]  }
0x28: {  	s2 =	sld [smem:$0x3FAA]  }
0x29: {  	s4 =	sld [smem:$0x3FAC]  }
0x2a: {  	p0 =	seq.s32 s5, $0x0;
	s5 =	sld [smem:$0x3FAD]  }
0x2b: {  	s6 =	sld [smem:$0x3FAE]  }
0x2c: {  	s7 =	sld [smem:$0x3FAF]  }
0x2d: {  	s3 =	simm.s32 $0x108;
	s8 =	sld [smem:$0x3FB0]  }
0x2e: {  	s3 =	simm.s32 @!p0 $0x1082;
	s9 =	sld [smem:$0x3FB1]  }
0x2f: {  	lr =	sadd.s32 s0, s3;
	s0 =	sld [smem:$0x3FA8]  }
0x30: {  	s3 =	sld [smem:$0x3FAB]  }
0x31: {  	[smem:$0x3FB4] =	sst s10  }
0x32: {  	s10 =	sld [smem:$0x3FB2];
	_ =	sdelay $0x3  }
0x33: {  	p0 =	seq.s32 s10, $0x1;
	s10 =	sld [smem:$0x3FB4];
	_ =	sdelay $0x3  }
0x34: {  	[smem:$0x3FB4] =	sst s10  }
0x35: {  	s10 =	sld [smem:$0x3FB3];
	_ =	sdelay $0x3  }
0x36: {  	p1 =	seq.s32 s10, $0x1;
	s10 =	sld [smem:$0x3FB4];
	_ =	sdelay $0x3  }
0x37: {  	[smem:$0x3FB4] =	sst s10  }
0x38: {  	s10 =	sld [smem:$0x3FB5]  }
0x39: {  	_ = 	snop;
	(pc) =	sbr.ind lr, $3  }
0x3a: {  	_ = 	snop  }
0x3b: {  	_ = 	snop  }
0x3c: {  	p2 =	seq.s32 s10, $0x1;
	s10 =	sld [smem:$0x3FB4]  }
0x3d: {  	_ =	shalt  }
0x3e: {  	_ =	shalt  }
0x3f: {  	_ =	shalt  }
0x40: {  	_ =	shalt  }
0x41: {  	_ =	shalt  }
0x42: {  	_ =	shalt  }
0x43: {  	_ =	shalt  }
0x44: {  	_ =	shalt  }
0x45: {  	_ =	shalt  }
0x46: {  	_ =	shalt  }
0x47: {  	_ =	shalt  }
0x48: {  	_ =	shalt  }
0x49: {  	_ =	shalt  }
0x4a: {  	_ =	shalt  }
0x4b: {  	_ =	shalt  }
0x4c: {  	_ =	shalt  }
0x4d: {  	_ =	shalt  }
0x4e: {  	_ =	shalt  }
0x4f: {  	_ =	shalt  }
0x50: {  	_ =	shalt  }
0x51: {  	_ =	shalt  }
0x52: {  	_ =	shalt  }
0x53: {  	_ =	shalt  }
0x54: {  	_ =	shalt  }
0x55: {  	_ =	shalt  }
0x56: {  	_ =	shalt  }
0x57: {  	_ =	shalt  }
0x58: {  	_ =	shalt  }
0x59: {  	_ =	shalt  }
0x5a: {  	_ =	shalt  }
0x5b: {  	_ =	shalt  }
0x5c: {  	_ =	shalt  }
0x5d: {  	_ =	shalt  }
0x5e: {  	_ =	shalt  }
0x5f: {  	_ =	shalt  }
0x60: {  	_ =	shalt  }
0x61: {  	_ =	shalt  }
0x62: {  	_ =	shalt  }
0x63: {  	_ =	shalt  }
0x64: {  	_ =	shalt  }
0x65: {  	_ =	shalt  }
0x66: {  	_ =	shalt  }
0x67: {  	_ =	shalt  }
0x68: {  	_ =	shalt  }
0x69: {  	_ =	shalt  }
0x6a: {  	_ =	shalt  }
0x6b: {  	_ =	shalt  }
0x6c: {  	_ =	shalt  }
0x6d: {  	_ =	shalt  }
0x6e: {  	_ =	shalt  }
0x6f: {  	_ =	shalt  }
0x70: {  	_ =	shalt  }
0x71: {  	_ =	shalt  }
0x72: {  	_ =	shalt  }
0x73: {  	_ =	shalt  }
0x74: {  	_ =	shalt  }
0x75: {  	_ =	shalt  }
0x76: {  	_ =	shalt  }
0x77: {  	_ =	shalt  }
0x78: {  	_ =	shalt  }
0x79: {  	_ =	shalt  }
0x7a: {  	_ =	shalt  }
0x7b: {  	_ =	shalt  }
0x7c: {  	_ =	shalt  }
0x7d: {  	_ =	shalt  }
0x7e: {  	_ =	shalt  }
0x7f: {  	_ =	shalt  }
0x80: {  	_ =	shalt  }
0x81: {  	_ =	shalt  }
0x82: {  	_ =	shalt  }
0x83: {  	_ =	shalt  }
0x84: {  	_ =	shalt  }
0x85: {  	_ =	shalt  }
0x86: {  	_ =	shalt  }
0x87: {  	_ =	shalt  }
.Lfunc_end0:
.L_simem_size_0:
called_computation_lowered:
.L_overlay_start_0:
0x88: {  	s2 =	sld [smem:$0x3FD9]  }
0x89: {  	s3 =	sld [smem:$0x3FFE];
	_ =	sdelay $0x1  }
0x8a: {  	s1 =	srdreg.scid  }
0x8b: {  	s0 =	sand.u32 $0x1, s1  }
0x8c: {  	s17 =	sshll.u32 s0, $0xA;
	s2 =	sadd.s32 s3, s2  }
0x8d: {  	s2 =	sadd.s32 s2, s17  }
0x8e: {  	[smem:$0x3FC0] =	sst s2  }
0x8f: {  	_ = 	snop  }
0x90: {  	(tm) =	ssettm $0x1  }
0x91: {  	s18 =	sld [smem:$0x3FFB];
	_ =	sdelay $0x3  }
0x92: {  	_ =	strace s18  }
0x93: {  	s2 =	sld [smem:$0x3FFC];
	_ =	sdelay $0x3  }
0x94: {  	_ =	strace s2  }
0x95: {  	s2 =	sld [smem:$0x3FFD];
	_ =	sdelay $0x3  }
0x96: {  	_ =	strace s2  }
0x97: {  	_ =	strace $0x8FFFFFFF  }
0x98: {  	s19 =	sld [smem:$0x3FDB];
	_ =	sdelay $0x1  }
0x99: {  	s20 =	simm.s32 $_scs_section_size  }
0x9a: {  	s4 =	simm.s32 $_size__tile_overlayer_lowered;
	s5 =	simm.s32 $_tile_overlayer_lowered  }
0x9b: {  	s6 =	simm.s32 $0x1BFF;
	s21 =	sshll.u32 s5, $0x1;
	s3 =	sadd.s32 s20, s19  }
0x9c: {  	s22 =	simm.s32 $0x0;
	s4 =	sshll.u32 s4, $0x1;
	s5 =	sadd.s32 s21, s3  }
0x9d: {  	[timem:s22], [sflag:s6] =	dma.local [hbm:s5], s4  }
0x9e: {  	_ =	swait.ge [sflag:s6], s4  }
0x9f: {  	s4 =	ssub.s32 $0x0, s4;
	[sflag:s6] =	ssyncset.done $0x0  }
0xa0: {  	[sflag:s6] =	ssyncadd.s32 s4;
	_ =	sdelay $0x1  }
0xa1: {  	s23 =	simm.s32 $0x1B8B  }
0xa2: {  	_ =	swait.ge [sflag:s23], $0x1  }
0xa3: {  	[sflag:s23] =	ssyncset.done $0x0  }
0xa4: {  	[sflag:s23] =	ssyncadd.s32 $0xFFFFFFFF  }
0xa5: {  	s4 =	sld [smem:$0x0]  }
0xa6: {  	s5 =	sand.u32 $0xFFFFFFFE, s1  }
0xa7: {  	p0 =	sne.s32 s1, s5  }
0xa8: {  	s5 =	sshll.u32 @p0 s5, $0xE  }
0xa9: {  	s5 =	sadd.s32 @p0 $0x11B8D, s5;
	s6 =	sshll.u32 @p0 s4, $0x11  }
0xaa: {  	s5 =	sor.u32 @p0 s6, s5  }
0xab: {  	[sflag:s5] =	ssyncadd.remote.s32 @p0 $0x1;
	_ =	sdelay $0x1  }
0xac: {  	s5 =	simm.s32 @p0 $0x1B8D  }
0xad: {  	_ =	swait.eq @p0 [sflag:s5], $0x1  }
0xae: {  	[sflag:s5] =	ssyncadd.s32 @p0 $0xFFFFFFFF  }
0xaf: {  	s6 =	sshll.u32 @!p0 s1, $0xE  }
0xb0: {  	s6 =	sor.u32 @!p0 $0x4000, s6;
	s5 =	simm.s32 @!p0 $0x1B8D  }
0xb1: {  	s4 =	sshll.u32 @!p0 s4, $0x11;
	s6 =	sadd.s32 @!p0 $0x11B8D, s6;
	_ =	swait.eq @!p0 [sflag:s5], $0x1  }
0xb2: {  	s4 =	sor.u32 @!p0 s4, s6;
	[sflag:s5] =	ssyncadd.s32 @!p0 $0xFFFFFFFF  }
0xb3: {  	s25 =	simm.s32 $0x1B8E;
	s24 =	sld [smem:$0x3FFE];
	[sflag:s4] =	ssyncadd.remote.s32 @!p0 $0x1  }
0xb4: {  	s26 =	simm.s32 $execute0_lowered;
	[smem:$0x3FD2] =	sst s25  }
0xb5: {  	s5 =	sshll.u32 s26, $0x1;
	_ =	strace $0x80000049;
	[dreg:$0x1] =	wrdreg $0xFFFFFFFF  }
0xb6: {  	s28 =	simm.s32 $_size_execute0_lowered;
	s3 =	sadd.s32 s3, s5;
	[dreg:$0x0] =	wrdreg $0x0  }
0xb7: {  	s5 =	sshll.u32 s28, $0x1;
	[dreg:$0x2] =	wrdreg s3  }
0xb8: {  	[dreg:$0x3] =	wrdreg s5  }
0xb9: {  	[dreg:$0x4] =	wrdreg $0xC0  }
0xba: {  	_ =	task [dreg:s22], $0x5FFFF  }
0xbb: {  	[dreg:$0x1] =	wrdreg $0xFFFFFFFF  }
0xbc: {  	[dreg:$0x0] =	wrdreg $0x60  }
0xbd: {  	[dreg:$0x2] =	wrdreg s24  }
0xbe: {  	[dreg:$0x3] =	wrdreg $0x0  }
0xbf: {  	[dreg:$0x4] =	wrdreg $0x9  }
0xc0: {  	_ =	task.clear_ibuf [dreg:s22], $0x5FFFF;
	_ =	strace $0x90000049  }
0xc1: {  	s29 =	simm.s32 $0x9;
	_ =	strace $0x8000004B  }
0xc2: {  	_ =	swait.ge [sflag:s29], $0x1  }
0xc3: {  	[sflag:s29] =	ssyncadd.s32 $0xFFFFFFFF  }
0xc4: {  	_ =	strace $0x9000004B  }
0xc5: {  	_ =	sfence  }
0xc6: {  	s30 =	sld [smem:$0x0];
	_ =	sdelay $0x2  }
0xc7: {  	s31 =	sshll.u32 s1, $0xD;
	s1 =	sshrl.u32 s1, $0x2  }
0xc8: {  	s4 =	sand.u32 $0x4000, s31;
	s1 =	sadd.s32 s1, s30  }
0xc9: {  	s0 =	sor.u32 s4, s0;
	s1 =	sshll.u32 s1, $0x11  }
0xca: {  	s0 =	sor.u32 s1, s0  }
0xcb: {  	s0 =	sadd.s32 $0x8F2B, s0  }
0xcc: {  	[sflag:s0] =	ssyncadd.remote.s32 $0x1  }
0xcd: {  	_ =	sfence.sel $0xFFFF  }
0xce: {  	[dreg:$0x0] =	wrdreg $0xFFFFFFFF;
	(pc) =	sbr.abs _section_cstart, $3  }
0xcf: {  	[dreg:$0x1] =	wrdreg $0xFFFFFFFF  }
0xd0: {  	_ =	task.clear_ibuf [dreg:s22], $0x2FFFF;
	_ =	strace $0x9FFFFFFF  }
0xd1: {  	(tm) =	ssettm $0x7FFFFFFF  }
tec
execute0_lowered:
.L_overlay_start_1:
0x0: {  	(tag) =	ssettag $0x1  }
0x1: {  	s0 =	rddreg [dreg:$0x0]  }
0x2: {  	s2 =	rddreg [dreg:$0x1];
	s1 =	srdreg.scid;
	s3 =	simm.s32 $0x0  }
0x3: {  	s8 =	stileid.u32;
	s19 =	simm.s32 $0x14200;
	s20 =	simm.s32 $0x3  }
0x4: {  	s21 =	simm.s32 $0x14000;
	s30 =	simm.s32 $0x14100;
	s22 =	simm.s32 $0x14080  }
0x5: {  	s31 =	simm.s32 $0x14180;
	s28 =	simm.s32 $0x0;
	s6 =	smul.u32 $0x50000, s8  }
0x6: {  	s1 =	sand.u32 $0x1, s1;
	[smem:$0x7FF] =	sst s3;
	s11 =	smul.u32 $0x14000, s8  }
0x7: {  	s4 =	sadd.s32 $0x2000, s0;
	s0 =	sadd.s32 $0x65C00, s0;
	s23 =	sshll.u32 s8, $0x1  }
0x8: {  	s5 =	ssub.s32 $0x2, s1;
	_ =	strace $0x8000004A;
	[dreg:$0x3] =	wrdreg s30  }
0x9: {  	[dreg:$0x4] =	wrdreg s31;
	s7 =	sshrl.u32 s5, $0x1;
	s6 =	sshrl.u32 s6, $0x2  }
0xa: {  	s13 =	sadd.s32 $0x4000, s11;
	s15 =	sadd.s32 $0x8000, s11;
	s16 =	sadd.s32 $0xC000, s11  }
0xb: {  	s17 =	sadd.s32 $0x10000, s11;
	s12 =	ssub.s32 s5, s7;
	s5 =	sor.u32 s1, s23  }
0xc: {  	s6 =	sadd.s32 s6, s2;
	s7 =	sadd.s32 s13, s2;
	s1 =	smul.u32 $0x140000, s1  }
0xd: {  	s8 =	sadd.s32 s15, s2;
	s9 =	sadd.s32 s16, s2;
	s10 =	sadd.s32 s17, s2  }
0xe: {  	s23 =	simm.s32 $0x1;
	s14 =	sshll.u32 s5, $0x4;
	s18 =	sadd.s32 s11, s1  }
0xf: {  	s11 =	sadd.s32 s4, s14;
	s13 =	sadd.s32 s1, s13;
	s26 =	sadd.s32 s1, s15  }
0x10: {  	s29 =	sadd.s32 s1, s16;
	s1 =	sadd.s32 s1, s17;
	s24 =	sshrl.u32 s18, $0x3  }
0x11: {  	s25 =	sadd.s32 $0x200, s11;
	s13 =	sshrl.u32 s13, $0x3;
	s16 =	sshrl.u32 s29, $0x3  }
0x12: {  	s1 =	sshrl.u32 s1, $0x3;
	s18 =	smax.u32 s12, $0x1;
	[dreg:$0x5] =	wrdreg s25  }
0x13: {  	s14 =	sadd.s32 s0, s24;
	s13 =	sadd.s32 s0, s13;
	s16 =	sadd.s32 s0, s16  }
0x14: {  	s17 =	sadd.s32 s0, s1;
	[dreg:$0x7] =	wrdreg s13;
	s13 =	sshrl.u32 s26, $0x3  }
0x15: {  	s24 =	simm.s32 $0x80;
	[dreg:$0x6] =	wrdreg s14;
	s13 =	sadd.s32 s0, s13  }
0x16: {  	v0 =	vimm.f32 $0.0e+00;
	v1 =	vimm.f32 $1.000000000e+00;
	s25 =	simm.s32 $0x4;
	s26 =	simm.s32 $0x2;
	[dreg:$0x8] =	wrdreg s13  }
.LBB2_1:
0x17: {  	s0 =	simm.s32 $0x0;
	s1 =	simm.s32 $0x200  }
.LBB2_2:
0x18: {  	p0 =	sne.s32 s1, $0xFE00;
	[tilespmem:s0+$0x14270] =	vst v0  }
0x19: {  	[tilespmem:s0+$0x14200] =	vst v0  }
0x1a: {  	[tilespmem:s0+$0x14210] =	vst v0  }
.Ltmp0:
0x1b: {  	[tilespmem:s0+$0x14220] =	vst v0;
	(pc) =	sbr.rel @p0 .LBB2_2-.Ltmp0, $4  }
0x1c: {  	[tilespmem:s0+$0x14230] =	vst v0  }
0x1d: {  	[tilespmem:s0+$0x14240] =	vst v0  }
0x1e: {  	[tilespmem:s0+$0x14250] =	vst v0  }
0x1f: {  	[tilespmem:s0+$0x14260] =	vst v0;
	s0 =	sshra.s32 s1, $0x2;
	s1 =	sadd.s32 $0x200, s1  }
0x20: {  	[tilespmem:s0+$0x14270] =	vst v0  }
0x21: {  	[tilespmem:s0+$0x14200] =	vst v0  }
0x22: {  	[tilespmem:s0+$0x14210] =	vst v0  }
0x23: {  	[tilespmem:s0+$0x14220] =	vst v0  }
0x24: {  	[tilespmem:s0+$0x14230] =	vst v0  }
0x25: {  	[tilespmem:s0+$0x14240] =	vst v0  }
0x26: {  	[tilespmem:s0+$0x14250] =	vst v0  }
0x27: {  	[tilespmem:s0+$0x14260] =	vst v0  }
0x28: {  	[spmem:s6] =	stream.linear.scatter [tilespmem:s19], [sflag:$0x3], $0x4000, $0x38;
	[tilespmem:$0x18200] =	vst v63  }
0x29: {  	_ =	swait.ge [sflag:s20], $0x4000  }
0x2a: {  	[sflag:s20] =	ssyncset.done $0x0  }
0x2b: {  	[sflag:s20] =	ssyncadd.s32 $0xFFFFC000  }
0x2c: {  	[spmem:s7] =	stream.linear.scatter [tilespmem:s19], [sflag:$0x3], $0x4000, $0x38;
	[tilespmem:$0x18200] =	vst v63  }
0x2d: {  	_ =	swait.ge [sflag:s20], $0x4000  }
0x2e: {  	[sflag:s20] =	ssyncset.done $0x0  }
0x2f: {  	[sflag:s20] =	ssyncadd.s32 $0xFFFFC000  }
0x30: {  	[spmem:s8] =	stream.linear.scatter [tilespmem:s19], [sflag:$0x3], $0x4000, $0x38;
	[tilespmem:$0x18200] =	vst v63  }
0x31: {  	_ =	swait.ge [sflag:s20], $0x4000  }
0x32: {  	[sflag:s20] =	ssyncset.done $0x0  }
0x33: {  	[sflag:s20] =	ssyncadd.s32 $0xFFFFC000  }
0x34: {  	[spmem:s9] =	stream.linear.scatter [tilespmem:s19], [sflag:$0x3], $0x4000, $0x38;
	[tilespmem:$0x18200] =	vst v63  }
0x35: {  	_ =	swait.ge [sflag:s20], $0x4000  }
0x36: {  	[sflag:s20] =	ssyncset.done $0x0  }
0x37: {  	[sflag:s20] =	ssyncadd.s32 $0xFFFFC000  }
0x38: {  	[spmem:s10] =	stream.linear.scatter [tilespmem:s19], [sflag:$0x3], $0x4000, $0x38;
	[tilespmem:$0x18200] =	vst v63  }
0x39: {  	_ =	swait.ge [sflag:s20], $0x4000  }
0x3a: {  	[sflag:s20] =	ssyncset.done $0x0  }
0x3b: {  	s0 =	simm.s32 $0x0;
	s1 =	simm.s32 $0x200;
	[sflag:s20] =	ssyncadd.s32 $0xFFFFC000  }
.LBB2_4:
0x3c: {  	p0 =	sne.s32 s1, $0xFE00;
	[tilespmem:s0+$0x14270] =	vst v1  }
0x3d: {  	[tilespmem:s0+$0x14200] =	vst v1  }
0x3e: {  	[tilespmem:s0+$0x14210] =	vst v1  }
.Ltmp1:
0x3f: {  	[tilespmem:s0+$0x14220] =	vst v1;
	(pc) =	sbr.rel @p0 .LBB2_4-.Ltmp1, $4  }
0x40: {  	[tilespmem:s0+$0x14230] =	vst v1  }
0x41: {  	[tilespmem:s0+$0x14240] =	vst v1  }
0x42: {  	[tilespmem:s0+$0x14250] =	vst v1  }
0x43: {  	[tilespmem:s0+$0x14260] =	vst v1;
	s0 =	sshra.s32 s1, $0x2;
	s1 =	sadd.s32 $0x200, s1  }
0x44: {  	[tilespmem:s0+$0x14270] =	vst v1  }
0x45: {  	[tilespmem:s0+$0x14200] =	vst v1  }
0x46: {  	[tilespmem:s0+$0x14210] =	vst v1  }
0x47: {  	[tilespmem:s0+$0x14220] =	vst v1  }
0x48: {  	[tilespmem:s0+$0x14230] =	vst v1  }
0x49: {  	[tilespmem:s0+$0x14240] =	vst v1  }
0x4a: {  	[tilespmem:s0+$0x14250] =	vst v1  }
0x4b: {  	[tilespmem:s0+$0x14260] =	vst v1;
	s0 =	sadd.s32 $0xFFFFF600, s5  }
0x4c: {  	[bflag:$0x0] =	sbarrier.arrive $0xFFFF;
	s1 =	sadd.s32 $0xA40, s0  }
0x4d: {  	[tilespmem:s21], [sflag:$0x1] =	stream.linear.gather [hbm4b:s11+s3], $0x80, $0x38;
	[tilespmem:$0x18200] =	vst v63  }
0x4e: {  	s13 =	rddreg [dreg:$0x5];
	p0 =	slt.s32 s1, $0x9C3;
	s12 =	smov.u32 s1  }
0x4f: {  	[tilespmem:s22], [sflag:$0x2] =	stream.linear.gather [hbm4b:s13+s3], $0x80, $0x38;
	[tilespmem:$0x18200] =	vst v63  }
0x50: {  	s12 =	simm.s32 @!p0 $0x9C3;
	_ =	swait.ge [sflag:s23], $0x80  }
0x51: {  	s12 =	sshll.u32 s12, $0x4;
	[sflag:s23] =	ssyncset.done $0x0  }
0x52: {  	s12 =	sadd.s32 s4, s12;
	s13 =	rddreg [dreg:$0x3];
	[sflag:s23] =	ssyncadd.s32 $0xFFFFFF80  }
0x53: {  	[tilespmem:s13], [sflag:$0x1] =	stream.linear.gather [hbm4b:s12+s3], $0x80, $0x38;
	[tilespmem:$0x18200] =	vst v63  }
0x54: {  	_ = 	snop  }
0x55: {  	[spmem:s2] =	stream.indirect.scatter.add.f32 [tilespmem:s19], [sflag:$0x4], $0x80, s21, s24, $0xb8;
	[tilespmem:$0x18200] =	vst v63  }
0x56: {  	_ =	swait.ge [sflag:s25], $0x4000  }
0x57: {  	s14 =	sadd.s32 $0xA60, s0;
	[sflag:s25] =	ssyncset.done $0x0  }
0x58: {  	p0 =	slt.s32 s14, $0x9C3;
	s13 =	smov.u32 s14;
	[sflag:s25] =	ssyncadd.s32 $0xFFFFC000  }
0x59: {  	s13 =	simm.s32 @!p0 $0x9C3;
	_ =	swait.ge [sflag:s26], $0x80  }
0x5a: {  	s13 =	sshll.u32 s13, $0x4;
	[sflag:s26] =	ssyncset.done $0x0  }
0x5b: {  	s13 =	sadd.s32 s4, s13;
	s29 =	rddreg [dreg:$0x4];
	[sflag:s26] =	ssyncadd.s32 $0xFFFFFF80  }
0x5c: {  	[tilespmem:s29], [sflag:$0x2] =	stream.linear.gather [hbm4b:s13+s3], $0x80, $0x38;
	[tilespmem:$0x18200] =	vst v63  }
0x5d: {  	_ = 	snop  }
0x5e: {  	[spmem:s2] =	stream.indirect.scatter.add.f32 [tilespmem:s19], [sflag:$0x4], $0x80, s22, s24, $0xb8;
	[tilespmem:$0x18200] =	vst v63  }
0x5f: {  	_ =	swait.ge [sflag:s25], $0x4000  }
0x60: {  	s13 =	sadd.s32 $0xA80, s0;
	[sflag:s25] =	ssyncset.done $0x0  }
0x61: {  	p0 =	slt.s32 s13, $0x9C3;
	[sflag:s25] =	ssyncadd.s32 $0xFFFFC000  }
0x62: {  	s13 =	simm.s32 @!p0 $0x9C3;
	_ =	swait.ge [sflag:s23], $0x80  }
0x63: {  	p0 =	sgt.u32 s1, $0x9C3;
	s13 =	sshll.u32 s13, $0x4;
	[sflag:s23] =	ssyncset.done $0x0  }
0x64: {  	s1 =	simm.s32 @!p0 $0x80;
	s15 =	sadd.s32 s4, s13;
	[sflag:s23] =	ssyncadd.s32 $0xFFFFFF80  }
0x65: {  	[tilespmem:s21], [sflag:$0x1] =	stream.linear.gather [hbm4b:s15+s3], $0x80, $0x38;
	[tilespmem:$0x18200] =	vst v63  }
0x66: {  	s29 =	simm.s32 @!p0 $0x14100;
	s30 =	simm.s32 @!p0 $0x4;
	s13 =	simm.s32 @!p0 $0x14200  }
0x67: {  	[spmem:s2] =	stream.indirect.scatter.add.f32 @!p0 [tilespmem:s13], [sflag:$0x4], $0x80, s29, s1, $0xb8;
	[tilespmem:$0x18200] =	vst v63  }
0x68: {  	s0 =	sadd.s32 $0xAA0, s0;
	_ =	swait.ge @!p0 [sflag:s30], $0x4000  }
0x69: {  	p1 =	slt.s32 s0, $0x9C3;
	[sflag:s30] =	ssyncset.done @!p0 $0x0  }
0x6a: {  	s0 =	simm.s32 @!p1 $0x9C3;
	p1 =	sgt.u32 s14, $0x9C3;
	[sflag:s30] =	ssyncadd.s32 @!p0 $0xFFFFC000  }
0x6b: {  	s0 =	sshll.u32 s0, $0x4;
	s12 =	simm.s32 @!p1 $0x3;
	_ =	swait.ge [sflag:s26], $0x80  }
0x6c: {  	s0 =	sadd.s32 s4, s0;
	s29 =	sadd.s32 $0xFFFFF680, s5;
	[sflag:s26] =	ssyncset.done $0x0  }
0x6d: {  	s1 =	simm.s32 @!p1 $0x80;
	s13 =	simm.s32 @!p1 $0x14180;
	[sflag:s26] =	ssyncadd.s32 $0xFFFFFF80  }
0x6e: {  	[tilespmem:s22], [sflag:$0x2] =	stream.linear.gather [hbm4b:s0+s3], $0x80, $0x38;
	[tilespmem:$0x18200] =	vst v63  }
0x6f: {  	s31 =	sadd.s32 $0xA80, s29;
	s30 =	simm.s32 $0xFFFFF700;
	s0 =	simm.s32 @!p1 $0x14200  }
.LBB2_6:
0x70: {  	[spmem:s2] =	stream.indirect.scatter.add.f32 @!p1 [tilespmem:s0], [sflag:$0x3], $0x80, s13, s1, $0xb8;
	[tilespmem:$0x18200] =	vst v63  }
0x71: {  	_ =	swait.ge @!p1 [sflag:s12], $0x4000  }
0x72: {  	s1 =	sadd.s32 $0xA40, s29;
	[sflag:s12] =	ssyncset.done @!p1 $0x0  }
0x73: {  	p0 =	slt.s32 s1, $0x9C3;
	s13 =	smov.u32 s1;
	[sflag:s12] =	ssyncadd.s32 @!p1 $0xFFFFC000  }
0x74: {  	s13 =	simm.s32 @!p0 $0x9C3;
	_ =	swait.ge [sflag:s23], $0x80  }
0x75: {  	s14 =	sshll.u32 s13, $0x4;
	[sflag:s23] =	ssyncset.done $0x0  }
0x76: {  	s12 =	sadd.s32 s4, s14;
	s14 =	rddreg [dreg:$0x3];
	[sflag:s23] =	ssyncadd.s32 $0xFFFFFF80  }
0x77: {  	[tilespmem:s14], [sflag:$0x1] =	stream.linear.gather [hbm4b:s12+s3], $0x80, $0x38;
	[tilespmem:$0x18200] =	vst v63  }
0x78: {  	_ = 	snop  }
0x79: {  	[spmem:s2] =	stream.indirect.scatter.add.f32 [tilespmem:s19], [sflag:$0x4], $0x80, s21, s24, $0xb8;
	[tilespmem:$0x18200] =	vst v63  }
0x7a: {  	s0 =	sadd.s32 $0xA60, s29;
	_ =	swait.ge [sflag:s25], $0x4000  }
0x7b: {  	p2 =	slt.s32 s0, $0x9C3;
	s13 =	smov.u32 s0;
	[sflag:s25] =	ssyncset.done $0x0  }
0x7c: {  	s15 =	sadd.s32 $0xAA0, s29;
	s13 =	simm.s32 @!p2 $0x9C3;
	[sflag:s25] =	ssyncadd.s32 $0xFFFFC000  }
0x7d: {  	p1 =	slt.s32 s15, $0x9C3;
	s13 =	sshll.u32 s13, $0x4;
	_ =	swait.ge [sflag:s26], $0x80  }
0x7e: {  	s15 =	simm.s32 @!p1 $0x9C3;
	s13 =	sadd.s32 s4, s13;
	[sflag:s26] =	ssyncset.done $0x0  }
0x7f: {  	s12 =	sshll.u32 s15, $0x4;
	s15 =	rddreg [dreg:$0x4];
	[sflag:s26] =	ssyncadd.s32 $0xFFFFFF80  }
0x80: {  	[tilespmem:s15], [sflag:$0x2] =	stream.linear.gather [hbm4b:s13+s3], $0x80, $0x38;
	[tilespmem:$0x18200] =	vst v63  }
0x81: {  	_ = 	snop  }
0x82: {  	[spmem:s2] =	stream.indirect.scatter.add.f32 [tilespmem:s19], [sflag:$0x4], $0x80, s22, s24, $0xb8;
	[tilespmem:$0x18200] =	vst v63  }
0x83: {  	_ =	swait.ge [sflag:s25], $0x4000  }
0x84: {  	[sflag:s25] =	ssyncset.done $0x0  }
0x85: {  	p0 =	slt.s32 s31, $0x9C3;
	[sflag:s25] =	ssyncadd.s32 $0xFFFFC000  }
0x86: {  	s31 =	simm.s32 @!p0 $0x9C3;
	_ =	swait.ge [sflag:s23], $0x80  }
0x87: {  	p1 =	sgt.u32 s1, $0x9C3;
	s14 =	sshll.u32 s31, $0x4;
	[sflag:s23] =	ssyncset.done $0x0  }
0x88: {  	s1 =	simm.s32 @!p1 $0x14200;
	s13 =	sadd.s32 s4, s14;
	[sflag:s23] =	ssyncadd.s32 $0xFFFFFF80  }
0x89: {  	[tilespmem:s21], [sflag:$0x1] =	stream.linear.gather [hbm4b:s13+s3], $0x80, $0x38;
	[tilespmem:$0x18200] =	vst v63  }
0x8a: {  	s14 =	simm.s32 @!p1 $0x14100;
	s15 =	simm.s32 @!p1 $0x4;
	s13 =	simm.s32 @!p1 $0x80  }
0x8b: {  	[spmem:s2] =	stream.indirect.scatter.add.f32 @!p1 [tilespmem:s1], [sflag:$0x4], $0x80, s14, s13, $0xb8;
	[tilespmem:$0x18200] =	vst v63  }
0x8c: {  	s29 =	sadd.s32 s30, s5;
	s30 =	sadd.s32 $0x80, s30;
	_ =	swait.ge @!p1 [sflag:s15], $0x4000  }
0x8d: {  	p0 =	sne.s32 s30, $0x0;
	[sflag:s15] =	ssyncset.done @!p1 $0x0  }
.Ltmp2:
0x8e: {  	s31 =	sadd.s32 $0xA80, s29;
	[sflag:s15] =	ssyncadd.s32 @!p1 $0xFFFFC000;
	(pc) =	sbr.rel @p0 .LBB2_6-.Ltmp2, $4  }
0x8f: {  	s15 =	sadd.s32 s4, s12;
	p1 =	sgt.u32 s0, $0x9C3;
	_ =	swait.ge [sflag:s26], $0x80  }
0x90: {  	s0 =	simm.s32 @!p1 $0x14200;
	s12 =	simm.s32 @!p1 $0x3;
	[sflag:s26] =	ssyncset.done $0x0  }
0x91: {  	s1 =	simm.s32 @!p1 $0x80;
	s13 =	simm.s32 @!p1 $0x14180;
	[sflag:s26] =	ssyncadd.s32 $0xFFFFFF80  }
0x92: {  	[tilespmem:s22], [sflag:$0x2] =	stream.linear.gather [hbm4b:s15+s3], $0x80, $0x38;
	[tilespmem:$0x18200] =	vst v63  }
0x93: {  	[spmem:s2] =	stream.indirect.scatter.add.f32 @!p1 [tilespmem:s0], [sflag:$0x3], $0x80, s13, s1, $0xb8;
	[tilespmem:$0x18200] =	vst v63  }
0x94: {  	_ =	swait.ge @!p1 [sflag:s12], $0x4000  }
0x95: {  	s0 =	sadd.s32 $0xA40, s29;
	[sflag:s12] =	ssyncset.done @!p1 $0x0  }
0x96: {  	p0 =	slt.s32 s0, $0x9C3;
	s1 =	smov.u32 s0;
	[sflag:s12] =	ssyncadd.s32 @!p1 $0xFFFFC000  }
0x97: {  	s1 =	simm.s32 @!p0 $0x9C3;
	_ =	swait.ge [sflag:s23], $0x80  }
0x98: {  	s1 =	sshll.u32 s1, $0x4;
	[sflag:s23] =	ssyncset.done $0x0  }
0x99: {  	s1 =	sadd.s32 s4, s1;
	s15 =	rddreg [dreg:$0x3];
	[sflag:s23] =	ssyncadd.s32 $0xFFFFFF80  }
0x9a: {  	[tilespmem:s15], [sflag:$0x1] =	stream.linear.gather [hbm4b:s1+s3], $0x80, $0x38;
	[tilespmem:$0x18200] =	vst v63  }
0x9b: {  	_ = 	snop  }
0x9c: {  	[spmem:s2] =	stream.indirect.scatter.add.f32 [tilespmem:s19], [sflag:$0x4], $0x80, s21, s24, $0xb8;
	[tilespmem:$0x18200] =	vst v63  }
0x9d: {  	_ =	swait.ge [sflag:s25], $0x4000  }
0x9e: {  	s1 =	sadd.s32 $0xA60, s29;
	[sflag:s25] =	ssyncset.done $0x0  }
0x9f: {  	p0 =	slt.s32 s1, $0x9C3;
	s12 =	smov.u32 s1;
	[sflag:s25] =	ssyncadd.s32 $0xFFFFC000  }
0xa0: {  	s12 =	simm.s32 @!p0 $0x9C3;
	_ =	swait.ge [sflag:s26], $0x80  }
0xa1: {  	s12 =	sshll.u32 s12, $0x4;
	[sflag:s26] =	ssyncset.done $0x0  }
0xa2: {  	s12 =	sadd.s32 s4, s12;
	s30 =	rddreg [dreg:$0x4];
	[sflag:s26] =	ssyncadd.s32 $0xFFFFFF80  }
0xa3: {  	[tilespmem:s30], [sflag:$0x2] =	stream.linear.gather [hbm4b:s12+s3], $0x80, $0x38;
	[tilespmem:$0x18200] =	vst v63  }
0xa4: {  	_ = 	snop  }
0xa5: {  	[spmem:s2] =	stream.indirect.scatter.add.f32 [tilespmem:s19], [sflag:$0x4], $0x80, s22, s24, $0xb8;
	[tilespmem:$0x18200] =	vst v63  }
0xa6: {  	_ =	swait.ge [sflag:s25], $0x4000  }
0xa7: {  	[sflag:s25] =	ssyncset.done $0x0  }
0xa8: {  	p0 =	slt.s32 s31, $0x9C3;
	[sflag:s25] =	ssyncadd.s32 $0xFFFFC000  }
0xa9: {  	s31 =	simm.s32 @!p0 $0x9C3;
	_ =	swait.ge [sflag:s23], $0x80  }
0xaa: {  	s14 =	sshll.u32 s31, $0x4;
	[sflag:s23] =	ssyncset.done $0x0  }
0xab: {  	p0 =	sgt.u32 s0, $0x9C3;
	s12 =	sadd.s32 s4, s14;
	[sflag:s23] =	ssyncadd.s32 $0xFFFFFF80  }
0xac: {  	[tilespmem:s21], [sflag:$0x1] =	stream.linear.gather [hbm4b:s12+s3], $0x80, $0x38;
	[tilespmem:$0x18200] =	vst v63  }
0xad: {  	s0 =	simm.s32 @!p0 $0x14200;
	s13 =	simm.s32 @!p0 $0x14100;
	s12 =	simm.s32 @!p0 $0x80  }
0xae: {  	[spmem:s2] =	stream.indirect.scatter.add.f32 @!p0 [tilespmem:s0], [sflag:$0x4], $0x80, s13, s12, $0xb8;
	[tilespmem:$0x18200] =	vst v63  }
0xaf: {  	s0 =	simm.s32 @!p0 $0x4  }
0xb0: {  	_ =	swait.ge @!p0 [sflag:s0], $0x4000  }
0xb1: {  	s12 =	sadd.s32 $0xAA0, s29;
	[sflag:s0] =	ssyncset.done @!p0 $0x0  }
0xb2: {  	p1 =	slt.s32 s12, $0x9C3;
	[sflag:s0] =	ssyncadd.s32 @!p0 $0xFFFFC000  }
0xb3: {  	s12 =	simm.s32 @!p1 $0x9C3;
	_ =	swait.ge [sflag:s26], $0x80  }
0xb4: {  	s15 =	sshll.u32 s12, $0x4;
	[sflag:s26] =	ssyncset.done $0x0  }
0xb5: {  	p0 =	sgt.u32 s1, $0x9C3;
	s0 =	sadd.s32 s4, s15;
	[sflag:s26] =	ssyncadd.s32 $0xFFFFFF80  }
0xb6: {  	[tilespmem:s22], [sflag:$0x2] =	stream.linear.gather [hbm4b:s0+s3], $0x80, $0x38;
	[tilespmem:$0x18200] =	vst v63  }
0xb7: {  	s1 =	simm.s32 @!p0 $0x80;
	s12 =	simm.s32 @!p0 $0x14180;
	s0 =	simm.s32 @!p0 $0x14200  }
0xb8: {  	[spmem:s2] =	stream.indirect.scatter.add.f32 @!p0 [tilespmem:s0], [sflag:$0x3], $0x80, s12, s1, $0xb8;
	[tilespmem:$0x18200] =	vst v63  }
0xb9: {  	s0 =	simm.s32 @!p0 $0x3  }
0xba: {  	_ =	swait.ge @!p0 [sflag:s0], $0x4000  }
0xbb: {  	[sflag:s0] =	ssyncset.done @!p0 $0x0  }
0xbc: {  	[sflag:s0] =	ssyncadd.s32 @!p0 $0xFFFFC000  }
0xbd: {  	_ =	swait.ge [sflag:s23], $0x80  }
0xbe: {  	[sflag:s23] =	ssyncset.done $0x0  }
0xbf: {  	[sflag:s23] =	ssyncadd.s32 $0xFFFFFF80  }
0xc0: {  	_ =	swait.ge [sflag:s26], $0x80  }
0xc1: {  	[sflag:s26] =	ssyncset.done $0x0  }
0xc2: {  	s29 =	stileid.u32;
	[sflag:s26] =	ssyncadd.s32 $0xFFFFFF80  }
0xc3: {  	s0 =	sshll.u32 s29, $0x6;
	[bflag:$0x0] =	sbarrier.arrive $0xFFFF  }
0xc4: {  	s30 =	sshrl.u32 s6, $0x3;
	s0 =	sor.u32 $0x1C03, s0;
	s31 =	rddreg [dreg:$0x6]  }
0xc5: {  	[hbm:s31], [sflag:s0] =	dma.local [spmem:s30], $0x800  }
0xc6: {  	_ =	swait.ge [sflag:s20], $0x800  }
0xc7: {  	[sflag:s20] =	ssyncset.done $0x0  }
0xc8: {  	s13 =	sshrl.u32 s7, $0x3;
	s14 =	rddreg [dreg:$0x7];
	[sflag:s20] =	ssyncadd.s32 $0xFFFFF800  }
0xc9: {  	[hbm:s14], [sflag:s0] =	dma.local [spmem:s13], $0x800  }
0xca: {  	_ =	swait.ge [sflag:s20], $0x800  }
0xcb: {  	[sflag:s20] =	ssyncset.done $0x0  }
0xcc: {  	s15 =	sshrl.u32 s8, $0x3;
	s29 =	rddreg [dreg:$0x8];
	[sflag:s20] =	ssyncadd.s32 $0xFFFFF800  }
0xcd: {  	[hbm:s29], [sflag:s0] =	dma.local [spmem:s15], $0x800  }
0xce: {  	_ =	swait.ge [sflag:s20], $0x800  }
0xcf: {  	[sflag:s20] =	ssyncset.done $0x0  }
0xd0: {  	s30 =	sshrl.u32 s9, $0x3;
	[sflag:s20] =	ssyncadd.s32 $0xFFFFF800  }
0xd1: {  	[hbm:s16], [sflag:s0] =	dma.local [spmem:s30], $0x800  }
0xd2: {  	s28 =	sadd.s32 $0x1, s28;
	_ =	swait.ge [sflag:s20], $0x800  }
0xd3: {  	p0 =	sne.s32 s28, s18;
	[sflag:s20] =	ssyncset.done $0x0  }
.Ltmp3:
0xd4: {  	s31 =	sshrl.u32 s10, $0x3;
	[sflag:s20] =	ssyncadd.s32 $0xFFFFF800;
	(pc) =	sbr.rel @p0 .LBB2_1-.Ltmp3, $4  }
0xd5: {  	[hbm:s17], [sflag:s0] =	dma.local [spmem:s31], $0x800  }
0xd6: {  	_ =	swait.ge [sflag:s20], $0x800  }
0xd7: {  	[sflag:s20] =	ssyncset.done $0x0  }
0xd8: {  	[sflag:s20] =	ssyncadd.s32 $0xFFFFF800  }
0xd9: {  	_ =	sfence.sel $0x180000  }
0xda: {  	[bflag:$0x0] =	sbarrier.arrive $0xFFFF  }
0xdb: {  	_ =	strace $0x9000004A  }
0xdc: {  	s0 =	stileid.u32;
	[bflag:$0x2] =	sbarrier.arrive $0xFFFF  }
0xdd: {  	p0 =	sne.s32 s0, $0x0;
	s0 =	rddreg [dreg:$0x2]  }
0xde: {  	s0 =	sadd.s32 @!p0 $0x100000, s0  }
0xdf: {  	[sflag:s0] =	ssyncadd.tile.s32 @!p0 $0x1;
	_ =	shalt  }
.Lfunc_end2:
_tile_overlayer_lowered:
.L_overlay_start_2:
0xe0: {  	(tag) =	ssettag $0x2  }
0xe1: {  	s0 =	rddreg [dreg:$0x0];
	s2 =	stileid.u32  }
0xe2: {  	s1 =	rddreg [dreg:$0x1];
	p0 =	sne.s32 s2, $0x0  }
0xe3: {  	s3 =	rddreg [dreg:$0x2];
	[bflag:$0x3] =	sbarrier.arrive $0xFFFF;
	s2 =	simm.s32 @!p0 $0x1C03  }
0xe4: {  	[timem:s3], [sflag:s2] =	dma.local @!p0 [hbm:s0], s1  }
0xe5: {  	s0 =	simm.s32 @!p0 $0x3  }
0xe6: {  	_ =	swait.ge @!p0 [sflag:s0], s1  }
0xe7: {  	s1 =	ssub.s32 @!p0 $0x0, s1;
	[sflag:s0] =	ssyncset.done @!p0 $0x0  }
0xe8: {  	[sflag:s0] =	ssyncadd.s32 @!p0 s1  }
0xe9: {  	[bflag:$0x3] =	sbarrier.arrive $0xFFFF  }
0xea: {  	_ =	shalt  }

</sc_bundles>
